<compile_context>
chip_gen: v7x
topology: tpu7x:2x2x1
jax: 0.10.2.dev20260603
libtpu: 0.0.44.dev20260713+nightly
codegen_flags: <defaults>
</compile_context>

<pallas_src>
import functools

import jax
import jax.numpy as jnp
from jax import lax
from jax.experimental import pallas as pl
from jax.experimental.pallas import tpu as pltpu
from jax.experimental.pallas import tpu_sc as plsc

NUM_GRAPHS = 512
NPAD = 102400
R = 10240
ROWS_PER_TILE = NPAD // 16 // 128
ELEMS_PER_TILE = ROWS_PER_TILE * 128


def _tc_body(x_ref, pos_ref, W1_ref, Wp_ref, b1_ref, W2c_ref, W2r_ref,
             e_ref, ft_ref):
    x = x_ref[...]
    z = jnp.dot(x, W1_ref[...], preferred_element_type=jnp.float32)
    z += lax.dot_general(pos_ref[...], Wp_ref[...],
                         (((0,), (0,)), ((), ())),
                         preferred_element_type=jnp.float32)
    z += b1_ref[...]

    sg = jax.nn.sigmoid(z)
    sz = z * sg
    e_row = lax.dot_general(W2c_ref[...], sz,
                            (((0,), (1,)), ((), ())),
                            preferred_element_type=jnp.float32)
    e_ref[...] = jnp.reshape(e_row, (e_ref.shape[0],))

    g = (sg + sz * (1.0 - sg)) * W2r_ref[...]
    ft_ref[...] = -lax.dot_general(Wp_ref[...], g,
                                   (((1,), (1,)), ((), ())),
                                   preferred_element_type=jnp.float32)


def _sc_segsum(e2d, idx2d):
    mesh = plsc.VectorSubcoreMesh(core_axis_name="c", subcore_axis_name="s")

    @functools.partial(
        pl.kernel,
        out_type=jax.ShapeDtypeStruct((NUM_GRAPHS,), jnp.float32),
        mesh=mesh,
        scratch_types=[
            pltpu.VMEM((ELEMS_PER_TILE,), jnp.float32),
            pltpu.VMEM((ROWS_PER_TILE, 128), jnp.int32),
            pltpu.VMEM((1024,), jnp.float32),
            pltpu.VMEM_SHARED((1024,), jnp.float32),
            pltpu.SemaphoreType.DMA,
        ],
    )
    def k(e_hbm, idx_hbm, out_hbm, e_v, idx_v, z_v, acc, sem):
        c = lax.axis_index("c")
        s = lax.axis_index("s")

        @pl.when(c == 0)
        def _():
            base = pl.multiple_of(s * ELEMS_PER_TILE, 8)
            pltpu.sync_copy(e_hbm.at[pl.ds(base, ELEMS_PER_TILE)], e_v)
            pltpu.sync_copy(idx_hbm.at[s], idx_v)

            @pl.when(s == 0)
            def _():
                for i in range(1024 // 16):
                    z_v[pl.ds(16 * i, 16)] = jnp.zeros((16,), jnp.float32)
                pltpu.sync_copy(z_v, acc)

        plsc.subcore_barrier()

        @pl.when(c == 0)
        def _():
            handles = [
                pltpu.async_copy(e_v.at[pl.ds(j * 128, 128)],
                                 acc.at[idx_v.at[j]], sem, add=True)
                for j in range(ROWS_PER_TILE)]
            for h in handles:
                h.wait()

        plsc.subcore_barrier()

        @pl.when((c == 0) & (s == 0))
        def _():
            pltpu.sync_copy(acc.at[pl.ds(0, NUM_GRAPHS)], out_hbm)

    return k(e2d, idx2d)


def kernel(x, pos, atomic_numbers, batch, W1, Wp, b1, W2):
    N, D = x.shape
    H = W1.shape[1]
    nblk = NPAD // R
    pos3 = jnp.pad(pos.T, ((0, 0), (0, NPAD - N)))

    e, ft = pl.pallas_call(
        _tc_body,
        grid=(nblk,),
        in_specs=[
            pl.BlockSpec((R, D), lambda i: (i, 0)),
            pl.BlockSpec((3, R), lambda i: (0, i)),
            pl.BlockSpec((D, H), lambda i: (0, 0)),
            pl.BlockSpec((3, H), lambda i: (0, 0)),
            pl.BlockSpec((1, H), lambda i: (0, 0)),
            pl.BlockSpec((H, 1), lambda i: (0, 0)),
            pl.BlockSpec((1, H), lambda i: (0, 0)),
        ],
        out_specs=[
            pl.BlockSpec((R,), lambda i: (i,)),
            pl.BlockSpec((3, R), lambda i: (0, i)),
        ],
        out_shape=[
            jax.ShapeDtypeStruct((NPAD,), jnp.float32),
            jax.ShapeDtypeStruct((3, NPAD), jnp.float32),
        ],
    )(x, pos3, W1, Wp.reshape(3, H), b1.reshape(1, H),
      W2.reshape(H, 1), W2.reshape(1, H))

    idx = jnp.concatenate(
        [batch.astype(jnp.int32),
         jnp.full((NPAD - N,), NUM_GRAPHS, jnp.int32)]
    ).reshape(16, ROWS_PER_TILE, 128)
    pred_energy = _sc_segsum(e, idx)
    pred_forces = ft[:, :N].T
    return pred_energy, pred_forces

# --- scband reference (transcript-rebuilt; emitter-appended) ---
"""Pipeline reference for scband-energy-force-head-6665789243831 (READ-ONLY COPY).

The authoritative reference and input builder live on the scoring server;
editing this copy changes nothing except your own understanding.
"""

import jax, jax.numpy as jnp
import numpy as np

NUM_GRAPHS = 512
N, D, H = 100000, 128, 128


def setup_inputs(seed: int = 0) -> dict:
    key = jax.random.key(seed)
    ks = jax.random.split(key, 8)
    x = jax.random.normal(ks[0], (N, D), dtype=jnp.float32)
    pos = jax.random.normal(ks[1], (N, 3), dtype=jnp.float32)
    atomic_numbers = jax.random.randint(ks[2], (N,), 0, 100, dtype=jnp.int64)
    batch = jnp.sort(jax.random.randint(ks[3], (N,), 0, NUM_GRAPHS, dtype=jnp.int64))
    # learned parameters of the per-node output_model (pre_reduce MLP -> scalar energy)
    W1 = jax.random.normal(ks[4], (D, H), dtype=jnp.float32) * 0.05
    Wp = jax.random.normal(ks[5], (3, H), dtype=jnp.float32) * 0.05
    b1 = jnp.zeros((H,), dtype=jnp.float32)
    W2 = jax.random.normal(ks[6], (H,), dtype=jnp.float32) * 0.05
    return {"x": x, "pos": pos, "atomic_numbers": atomic_numbers, "batch": batch,
            "W1": W1, "Wp": Wp, "b1": b1, "W2": W2}


def reference(x, pos, atomic_numbers, batch, W1, Wp, b1, W2):
    mean = jnp.float32(0.0)
    std = jnp.float32(1.0)

    def energy_fn(pos_in):
        # output_model.pre_reduce: per-node scalar energy from node features + positions
        h = jax.nn.silu(x @ W1 + pos_in @ Wp + b1)
        e_node = h @ W2                                  # [N] per-node energy
        # scatter(pred_energy, batch, reduce='add') -> per-graph energy
        E = jax.ops.segment_sum(e_node, batch, num_segments=NUM_GRAPHS)
        E = E * std + mean
        return E

    pred_energy = energy_fn(pos)                         # [NUM_GRAPHS]
    # enable_forces: dy = -grad(sum(pred_energy), pos)
    pred_forces = -jax.grad(lambda p: energy_fn(p).sum())(pos)  # [N, 3]
    return pred_energy, pred_forces

if __name__ == "__main__":
    import jax
    _d = setup_inputs()
    print(jax.jit(kernel)(*tuple(_d.values())))

</pallas_src>

<mosaic_0001>
#map = affine_map<(d0, d1) -> (0)>
#map1 = affine_map<(d0, d1) -> (0, 0, 0)>
module attributes {stable_mosaic.version = 14 : i64} {
  func.func @k(%arg0: i32, %arg1: i32, %arg2: memref<102400xf32, #tpu.memory_space<hbm>>, %arg3: memref<16x50x128xi32, #tpu.memory_space<hbm>>, %arg4: memref<512xf32, #tpu.memory_space<hbm>>, %arg5: memref<6400xf32, #tpu.memory_space<vmem>>, %arg6: memref<50x128xi32, #tpu.memory_space<vmem>>, %arg7: memref<1024xf32, #tpu.memory_space<vmem>>, %arg8: memref<1024xf32, #tpu.memory_space<vmem_shared>>, %arg9: memref<!tpu.dma_semaphore, #tpu.memory_space<semaphore_mem>>) attributes {dimension_semantics = [#tpu.dimension_semantics<core_parallel>, #tpu.dimension_semantics<subcore_parallel>], iteration_bounds = array<i64: 2, 16>, scalar_prefetch = 0 : i64, scratch_operands = 5 : i64, tpu.core_type = #tpu.core_type<sc_vector_subcore>, window_params = [{transform_indices = #map}, {transform_indices = #map1}, {transform_indices = #map}]} {
    %eq3A = arith.constant 0 : i32
    %eq3A_0 = arith.cmpi eq, %arg0, %eq3A : i32
    %convert_element_type3A = arith.extui %eq3A_0 : i1 to i32
    %cond3A = arith.constant 0 : i32
    %cond3A_1 = arith.cmpi ne, %convert_element_type3A, %cond3A : i32
    scf.if %cond3A_1 {
      %mul3A = arith.constant 6400 : i32
      %mul3A_15 = arith.muli %arg1, %mul3A : i32
      %multiple_of3A = tpu.assume_multiple %mul3A_15, 8 : i32
      "tpu.region"() ({
        %run_scoped3A = tpu.sem_alloc : memref<!tpu.dma_semaphore, #tpu.memory_space<semaphore_mem>>
        %dma_start3A = tpu.memref_slice %arg2[%multiple_of3A] : memref<102400xf32, #tpu.memory_space<hbm>> -> memref<6400xf32, #tpu.memory_space<hbm>>
        %dma_start3A_21 = tpu.memref_slice %arg2[%multiple_of3A] : memref<102400xf32, #tpu.memory_space<hbm>> -> memref<6400xf32, #tpu.memory_space<hbm>>
        tpu.enqueue_dma source(%dma_start3A_21 : memref<6400xf32, #tpu.memory_space<hbm>>) target(%arg5 : memref<6400xf32, #tpu.memory_space<vmem>>) target_semaphore(%run_scoped3A : memref<!tpu.dma_semaphore, #tpu.memory_space<semaphore_mem>>)
        %dma_wait3A = tpu.memref_slice %arg2[%multiple_of3A] : memref<102400xf32, #tpu.memory_space<hbm>> -> memref<6400xf32, #tpu.memory_space<hbm>>
        %dma_wait3A_22 = tpu.memref_slice %arg2[%multiple_of3A] : memref<102400xf32, #tpu.memory_space<hbm>> -> memref<6400xf32, #tpu.memory_space<hbm>>
        tpu.wait_dma2 semaphore(%run_scoped3A : memref<!tpu.dma_semaphore, #tpu.memory_space<semaphore_mem>>) src(%dma_wait3A_22 : memref<6400xf32, #tpu.memory_space<hbm>>) dst(%arg5 : memref<6400xf32, #tpu.memory_space<vmem>>)
        tpu.yield
      }) : () -> ()
      "tpu.region"() ({
        %run_scoped3A = tpu.sem_alloc : memref<!tpu.dma_semaphore, #tpu.memory_space<semaphore_mem>>
        %dma_start3A = arith.constant 0 : i32
        %dma_start3A_21 = arith.constant 0 : i32
        %dma_start3A_22 = tpu.memref_slice %arg3[%arg1, %dma_start3A, %dma_start3A_21] : memref<16x50x128xi32, #tpu.memory_space<hbm>> -> memref<1x50x128xi32, #tpu.memory_space<hbm>>
        %dma_start3A_23 = tpu.memref_squeeze %dma_start3A_22 : memref<1x50x128xi32, #tpu.memory_space<hbm>> -> memref<50x128xi32, #tpu.memory_space<hbm>>
        %dma_start3A_24 = arith.constant 0 : i32
        %dma_start3A_25 = arith.constant 0 : i32
        %dma_start3A_26 = tpu.memref_slice %arg3[%arg1, %dma_start3A_24, %dma_start3A_25] : memref<16x50x128xi32, #tpu.memory_space<hbm>> -> memref<1x50x128xi32, #tpu.memory_space<hbm>>
        %dma_start3A_27 = tpu.memref_squeeze %dma_start3A_26 : memref<1x50x128xi32, #tpu.memory_space<hbm>> -> memref<50x128xi32, #tpu.memory_space<hbm>>
        tpu.enqueue_dma source(%dma_start3A_27 : memref<50x128xi32, #tpu.memory_space<hbm>>) target(%arg6 : memref<50x128xi32, #tpu.memory_space<vmem>>) target_semaphore(%run_scoped3A : memref<!tpu.dma_semaphore, #tpu.memory_space<semaphore_mem>>)
        %dma_wait3A = arith.constant 0 : i32
        %dma_wait3A_28 = arith.constant 0 : i32
        %dma_wait3A_29 = tpu.memref_slice %arg3[%arg1, %dma_wait3A, %dma_wait3A_28] : memref<16x50x128xi32, #tpu.memory_space<hbm>> -> memref<1x50x128xi32, #tpu.memory_space<hbm>>
        %dma_wait3A_30 = tpu.memref_squeeze %dma_wait3A_29 : memref<1x50x128xi32, #tpu.memory_space<hbm>> -> memref<50x128xi32, #tpu.memory_space<hbm>>
        %dma_wait3A_31 = arith.constant 0 : i32
        %dma_wait3A_32 = arith.constant 0 : i32
        %dma_wait3A_33 = tpu.memref_slice %arg3[%arg1, %dma_wait3A_31, %dma_wait3A_32] : memref<16x50x128xi32, #tpu.memory_space<hbm>> -> memref<1x50x128xi32, #tpu.memory_space<hbm>>
        %dma_wait3A_34 = tpu.memref_squeeze %dma_wait3A_33 : memref<1x50x128xi32, #tpu.memory_space<hbm>> -> memref<50x128xi32, #tpu.memory_space<hbm>>
        tpu.wait_dma2 semaphore(%run_scoped3A : memref<!tpu.dma_semaphore, #tpu.memory_space<semaphore_mem>>) src(%dma_wait3A_34 : memref<50x128xi32, #tpu.memory_space<hbm>>) dst(%arg6 : memref<50x128xi32, #tpu.memory_space<vmem>>)
        tpu.yield
      }) : () -> ()
      %eq3A_16 = arith.constant 0 : i32
      %eq3A_17 = arith.cmpi eq, %arg1, %eq3A_16 : i32
      %convert_element_type3A_18 = arith.extui %eq3A_17 : i1 to i32
      %cond3A_19 = arith.constant 0 : i32
      %cond3A_20 = arith.cmpi ne, %convert_element_type3A_18, %cond3A_19 : i32
      scf.if %cond3A_20 {
        %broadcast_in_dim3A = arith.constant 0.000000e+00 : f32
        %broadcast_in_dim3A_21 = vector.broadcast %broadcast_in_dim3A : f32 to vector<16xf32>
        %swap3A = arith.constant 0 : index
        %swap3A_22 = tpu.vector_load %arg7[%swap3A] {strides = array<i32>} : memref<1024xf32, #tpu.memory_space<vmem>>, vector<16xf32>,
        %swap3A_23 = vector.shape_cast %swap3A_22 : vector<16xf32> to vector<16xf32>
        %swap3A_24 = vector.shape_cast %broadcast_in_dim3A_21 : vector<16xf32> to vector<16xf32>
        tpu.vector_store %arg7[%swap3A], %swap3A_24 {strides = array<i32>} : memref<1024xf32, #tpu.memory_space<vmem>>, vector<16xf32>,
        %broadcast_in_dim3A_25 = arith.constant 0.000000e+00 : f32
        %broadcast_in_dim3A_26 = vector.broadcast %broadcast_in_dim3A_25 : f32 to vector<16xf32>
        %swap3A_27 = arith.constant 16 : index
        %swap3A_28 = tpu.vector_load %arg7[%swap3A_27] {strides = array<i32>} : memref<1024xf32, #tpu.memory_space<vmem>>, vector<16xf32>,
        %swap3A_29 = vector.shape_cast %swap3A_28 : vector<16xf32> to vector<16xf32>
        %swap3A_30 = vector.shape_cast %broadcast_in_dim3A_26 : vector<16xf32> to vector<16xf32>
        tpu.vector_store %arg7[%swap3A_27], %swap3A_30 {strides = array<i32>} : memref<1024xf32, #tpu.memory_space<vmem>>, vector<16xf32>,
        %broadcast_in_dim3A_31 = arith.constant 0.000000e+00 : f32
        %broadcast_in_dim3A_32 = vector.broadcast %broadcast_in_dim3A_31 : f32 to vector<16xf32>
        %swap3A_33 = arith.constant 32 : index
        %swap3A_34 = tpu.vector_load %arg7[%swap3A_33] {strides = array<i32>} : memref<1024xf32, #tpu.memory_space<vmem>>, vector<16xf32>,
        %swap3A_35 = vector.shape_cast %swap3A_34 : vector<16xf32> to vector<16xf32>
        %swap3A_36 = vector.shape_cast %broadcast_in_dim3A_32 : vector<16xf32> to vector<16xf32>
        tpu.vector_store %arg7[%swap3A_33], %swap3A_36 {strides = array<i32>} : memref<1024xf32, #tpu.memory_space<vmem>>, vector<16xf32>,
        %broadcast_in_dim3A_37 = arith.constant 0.000000e+00 : f32
        %broadcast_in_dim3A_38 = vector.broadcast %broadcast_in_dim3A_37 : f32 to vector<16xf32>
        %swap3A_39 = arith.constant 48 : index
        %swap3A_40 = tpu.vector_load %arg7[%swap3A_39] {strides = array<i32>} : memref<1024xf32, #tpu.memory_space<vmem>>, vector<16xf32>,
        %swap3A_41 = vector.shape_cast %swap3A_40 : vector<16xf32> to vector<16xf32>
        %swap3A_42 = vector.shape_cast %broadcast_in_dim3A_38 : vector<16xf32> to vector<16xf32>
        tpu.vector_store %arg7[%swap3A_39], %swap3A_42 {strides = array<i32>} : memref<1024xf32, #tpu.memory_space<vmem>>, vector<16xf32>,
        %broadcast_in_dim3A_43 = arith.constant 0.000000e+00 : f32
        %broadcast_in_dim3A_44 = vector.broadcast %broadcast_in_dim3A_43 : f32 to vector<16xf32>
        %swap3A_45 = arith.constant 64 : index
        %swap3A_46 = tpu.vector_load %arg7[%swap3A_45] {strides = array<i32>} : memref<1024xf32, #tpu.memory_space<vmem>>, vector<16xf32>,
        %swap3A_47 = vector.shape_cast %swap3A_46 : vector<16xf32> to vector<16xf32>
        %swap3A_48 = vector.shape_cast %broadcast_in_dim3A_44 : vector<16xf32> to vector<16xf32>
        tpu.vector_store %arg7[%swap3A_45], %swap3A_48 {strides = array<i32>} : memref<1024xf32, #tpu.memory_space<vmem>>, vector<16xf32>,
        %broadcast_in_dim3A_49 = arith.constant 0.000000e+00 : f32
        %broadcast_in_dim3A_50 = vector.broadcast %broadcast_in_dim3A_49 : f32 to vector<16xf32>
        %swap3A_51 = arith.constant 80 : index
        %swap3A_52 = tpu.vector_load %arg7[%swap3A_51] {strides = array<i32>} : memref<1024xf32, #tpu.memory_space<vmem>>, vector<16xf32>,
        %swap3A_53 = vector.shape_cast %swap3A_52 : vector<16xf32> to vector<16xf32>
        %swap3A_54 = vector.shape_cast %broadcast_in_dim3A_50 : vector<16xf32> to vector<16xf32>
        tpu.vector_store %arg7[%swap3A_51], %swap3A_54 {strides = array<i32>} : memref<1024xf32, #tpu.memory_space<vmem>>, vector<16xf32>,
        %broadcast_in_dim3A_55 = arith.constant 0.000000e+00 : f32
        %broadcast_in_dim3A_56 = vector.broadcast %broadcast_in_dim3A_55 : f32 to vector<16xf32>
        %swap3A_57 = arith.constant 96 : index
        %swap3A_58 = tpu.vector_load %arg7[%swap3A_57] {strides = array<i32>} : memref<1024xf32, #tpu.memory_space<vmem>>, vector<16xf32>,
        %swap3A_59 = vector.shape_cast %swap3A_58 : vector<16xf32> to vector<16xf32>
        %swap3A_60 = vector.shape_cast %broadcast_in_dim3A_56 : vector<16xf32> to vector<16xf32>
        tpu.vector_store %arg7[%swap3A_57], %swap3A_60 {strides = array<i32>} : memref<1024xf32, #tpu.memory_space<vmem>>, vector<16xf32>,
        %broadcast_in_dim3A_61 = arith.constant 0.000000e+00 : f32
        %broadcast_in_dim3A_62 = vector.broadcast %broadcast_in_dim3A_61 : f32 to vector<16xf32>
        %swap3A_63 = arith.constant 112 : index
        %swap3A_64 = tpu.vector_load %arg7[%swap3A_63] {strides = array<i32>} : memref<1024xf32, #tpu.memory_space<vmem>>, vector<16xf32>,
        %swap3A_65 = vector.shape_cast %swap3A_64 : vector<16xf32> to vector<16xf32>
        %swap3A_66 = vector.shape_cast %broadcast_in_dim3A_62 : vector<16xf32> to vector<16xf32>
        tpu.vector_store %arg7[%swap3A_63], %swap3A_66 {strides = array<i32>} : memref<1024xf32, #tpu.memory_space<vmem>>, vector<16xf32>,
        %broadcast_in_dim3A_67 = arith.constant 0.000000e+00 : f32
        %broadcast_in_dim3A_68 = vector.broadcast %broadcast_in_dim3A_67 : f32 to vector<16xf32>
        %swap3A_69 = arith.constant 128 : index
        %swap3A_70 = tpu.vector_load %arg7[%swap3A_69] {strides = array<i32>} : memref<1024xf32, #tpu.memory_space<vmem>>, vector<16xf32>,
        %swap3A_71 = vector.shape_cast %swap3A_70 : vector<16xf32> to vector<16xf32>
        %swap3A_72 = vector.shape_cast %broadcast_in_dim3A_68 : vector<16xf32> to vector<16xf32>
        tpu.vector_store %arg7[%swap3A_69], %swap3A_72 {strides = array<i32>} : memref<1024xf32, #tpu.memory_space<vmem>>, vector<16xf32>,
        %broadcast_in_dim3A_73 = arith.constant 0.000000e+00 : f32
        %broadcast_in_dim3A_74 = vector.broadcast %broadcast_in_dim3A_73 : f32 to vector<16xf32>
        %swap3A_75 = arith.constant 144 : index
        %swap3A_76 = tpu.vector_load %arg7[%swap3A_75] {strides = array<i32>} : memref<1024xf32, #tpu.memory_space<vmem>>, vector<16xf32>,
        %swap3A_77 = vector.shape_cast %swap3A_76 : vector<16xf32> to vector<16xf32>
        %swap3A_78 = vector.shape_cast %broadcast_in_dim3A_74 : vector<16xf32> to vector<16xf32>
        tpu.vector_store %arg7[%swap3A_75], %swap3A_78 {strides = array<i32>} : memref<1024xf32, #tpu.memory_space<vmem>>, vector<16xf32>,
        %broadcast_in_dim3A_79 = arith.constant 0.000000e+00 : f32
        %broadcast_in_dim3A_80 = vector.broadcast %broadcast_in_dim3A_79 : f32 to vector<16xf32>
        %swap3A_81 = arith.constant 160 : index
        %swap3A_82 = tpu.vector_load %arg7[%swap3A_81] {strides = array<i32>} : memref<1024xf32, #tpu.memory_space<vmem>>, vector<16xf32>,
        %swap3A_83 = vector.shape_cast %swap3A_82 : vector<16xf32> to vector<16xf32>
        %swap3A_84 = vector.shape_cast %broadcast_in_dim3A_80 : vector<16xf32> to vector<16xf32>
        tpu.vector_store %arg7[%swap3A_81], %swap3A_84 {strides = array<i32>} : memref<1024xf32, #tpu.memory_space<vmem>>, vector<16xf32>,
        %broadcast_in_dim3A_85 = arith.constant 0.000000e+00 : f32
        %broadcast_in_dim3A_86 = vector.broadcast %broadcast_in_dim3A_85 : f32 to vector<16xf32>
        %swap3A_87 = arith.constant 176 : index
        %swap3A_88 = tpu.vector_load %arg7[%swap3A_87] {strides = array<i32>} : memref<1024xf32, #tpu.memory_space<vmem>>, vector<16xf32>,
        %swap3A_89 = vector.shape_cast %swap3A_88 : vector<16xf32> to vector<16xf32>
        %swap3A_90 = vector.shape_cast %broadcast_in_dim3A_86 : vector<16xf32> to vector<16xf32>
        tpu.vector_store %arg7[%swap3A_87], %swap3A_90 {strides = array<i32>} : memref<1024xf32, #tpu.memory_space<vmem>>, vector<16xf32>,
        %broadcast_in_dim3A_91 = arith.constant 0.000000e+00 : f32
        %broadcast_in_dim3A_92 = vector.broadcast %broadcast_in_dim3A_91 : f32 to vector<16xf32>
        %swap3A_93 = arith.constant 192 : index
        %swap3A_94 = tpu.vector_load %arg7[%swap3A_93] {strides = array<i32>} : memref<1024xf32, #tpu.memory_space<vmem>>, vector<16xf32>,
        %swap3A_95 = vector.shape_cast %swap3A_94 : vector<16xf32> to vector<16xf32>
        %swap3A_96 = vector.shape_cast %broadcast_in_dim3A_92 : vector<16xf32> to vector<16xf32>
        tpu.vector_store %arg7[%swap3A_93], %swap3A_96 {strides = array<i32>} : memref<1024xf32, #tpu.memory_space<vmem>>, vector<16xf32>,
        %broadcast_in_dim3A_97 = arith.constant 0.000000e+00 : f32
        %broadcast_in_dim3A_98 = vector.broadcast %broadcast_in_dim3A_97 : f32 to vector<16xf32>
        %swap3A_99 = arith.constant 208 : index
        %swap3A_100 = tpu.vector_load %arg7[%swap3A_99] {strides = array<i32>} : memref<1024xf32, #tpu.memory_space<vmem>>, vector<16xf32>,
        %swap3A_101 = vector.shape_cast %swap3A_100 : vector<16xf32> to vector<16xf32>
        %swap3A_102 = vector.shape_cast %broadcast_in_dim3A_98 : vector<16xf32> to vector<16xf32>
        tpu.vector_store %arg7[%swap3A_99], %swap3A_102 {strides = array<i32>} : memref<1024xf32, #tpu.memory_space<vmem>>, vector<16xf32>,
        %broadcast_in_dim3A_103 = arith.constant 0.000000e+00 : f32
        %broadcast_in_dim3A_104 = vector.broadcast %broadcast_in_dim3A_103 : f32 to vector<16xf32>
        %swap3A_105 = arith.constant 224 : index
        %swap3A_106 = tpu.vector_load %arg7[%swap3A_105] {strides = array<i32>} : memref<1024xf32, #tpu.memory_space<vmem>>, vector<16xf32>,
        %swap3A_107 = vector.shape_cast %swap3A_106 : vector<16xf32> to vector<16xf32>
        %swap3A_108 = vector.shape_cast %broadcast_in_dim3A_104 : vector<16xf32> to vector<16xf32>
        tpu.vector_store %arg7[%swap3A_105], %swap3A_108 {strides = array<i32>} : memref<1024xf32, #tpu.memory_space<vmem>>, vector<16xf32>,
        %broadcast_in_dim3A_109 = arith.constant 0.000000e+00 : f32
        %broadcast_in_dim3A_110 = vector.broadcast %broadcast_in_dim3A_109 : f32 to vector<16xf32>
        %swap3A_111 = arith.constant 240 : index
        %swap3A_112 = tpu.vector_load %arg7[%swap3A_111] {strides = array<i32>} : memref<1024xf32, #tpu.memory_space<vmem>>, vector<16xf32>,
        %swap3A_113 = vector.shape_cast %swap3A_112 : vector<16xf32> to vector<16xf32>
        %swap3A_114 = vector.shape_cast %broadcast_in_dim3A_110 : vector<16xf32> to vector<16xf32>
        tpu.vector_store %arg7[%swap3A_111], %swap3A_114 {strides = array<i32>} : memref<1024xf32, #tpu.memory_space<vmem>>, vector<16xf32>,
        %broadcast_in_dim3A_115 = arith.constant 0.000000e+00 : f32
        %broadcast_in_dim3A_116 = vector.broadcast %broadcast_in_dim3A_115 : f32 to vector<16xf32>
        %swap3A_117 = arith.constant 256 : index
        %swap3A_118 = tpu.vector_load %arg7[%swap3A_117] {strides = array<i32>} : memref<1024xf32, #tpu.memory_space<vmem>>, vector<16xf32>,
        %swap3A_119 = vector.shape_cast %swap3A_118 : vector<16xf32> to vector<16xf32>
        %swap3A_120 = vector.shape_cast %broadcast_in_dim3A_116 : vector<16xf32> to vector<16xf32>
        tpu.vector_store %arg7[%swap3A_117], %swap3A_120 {strides = array<i32>} : memref<1024xf32, #tpu.memory_space<vmem>>, vector<16xf32>,
        %broadcast_in_dim3A_121 = arith.constant 0.000000e+00 : f32
        %broadcast_in_dim3A_122 = vector.broadcast %broadcast_in_dim3A_121 : f32 to vector<16xf32>
        %swap3A_123 = arith.constant 272 : index
        %swap3A_124 = tpu.vector_load %arg7[%swap3A_123] {strides = array<i32>} : memref<1024xf32, #tpu.memory_space<vmem>>, vector<16xf32>,
        %swap3A_125 = vector.shape_cast %swap3A_124 : vector<16xf32> to vector<16xf32>
        %swap3A_126 = vector.shape_cast %broadcast_in_dim3A_122 : vector<16xf32> to vector<16xf32>
        tpu.vector_store %arg7[%swap3A_123], %swap3A_126 {strides = array<i32>} : memref<1024xf32, #tpu.memory_space<vmem>>, vector<16xf32>,
        %broadcast_in_dim3A_127 = arith.constant 0.000000e+00 : f32
        %broadcast_in_dim3A_128 = vector.broadcast %broadcast_in_dim3A_127 : f32 to vector<16xf32>
        %swap3A_129 = arith.constant 288 : index
        %swap3A_130 = tpu.vector_load %arg7[%swap3A_129] {strides = array<i32>} : memref<1024xf32, #tpu.memory_space<vmem>>, vector<16xf32>,
        %swap3A_131 = vector.shape_cast %swap3A_130 : vector<16xf32> to vector<16xf32>
        %swap3A_132 = vector.shape_cast %broadcast_in_dim3A_128 : vector<16xf32> to vector<16xf32>
        tpu.vector_store %arg7[%swap3A_129], %swap3A_132 {strides = array<i32>} : memref<1024xf32, #tpu.memory_space<vmem>>, vector<16xf32>,
        %broadcast_in_dim3A_133 = arith.constant 0.000000e+00 : f32
        %broadcast_in_dim3A_134 = vector.broadcast %broadcast_in_dim3A_133 : f32 to vector<16xf32>
        %swap3A_135 = arith.constant 304 : index
        %swap3A_136 = tpu.vector_load %arg7[%swap3A_135] {strides = array<i32>} : memref<1024xf32, #tpu.memory_space<vmem>>, vector<16xf32>,
        %swap3A_137 = vector.shape_cast %swap3A_136 : vector<16xf32> to vector<16xf32>
        %swap3A_138 = vector.shape_cast %broadcast_in_dim3A_134 : vector<16xf32> to vector<16xf32>
        tpu.vector_store %arg7[%swap3A_135], %swap3A_138 {strides = array<i32>} : memref<1024xf32, #tpu.memory_space<vmem>>, vector<16xf32>,
        %broadcast_in_dim3A_139 = arith.constant 0.000000e+00 : f32
        %broadcast_in_dim3A_140 = vector.broadcast %broadcast_in_dim3A_139 : f32 to vector<16xf32>
        %swap3A_141 = arith.constant 320 : index
        %swap3A_142 = tpu.vector_load %arg7[%swap3A_141] {strides = array<i32>} : memref<1024xf32, #tpu.memory_space<vmem>>, vector<16xf32>,
        %swap3A_143 = vector.shape_cast %swap3A_142 : vector<16xf32> to vector<16xf32>
        %swap3A_144 = vector.shape_cast %broadcast_in_dim3A_140 : vector<16xf32> to vector<16xf32>
        tpu.vector_store %arg7[%swap3A_141], %swap3A_144 {strides = array<i32>} : memref<1024xf32, #tpu.memory_space<vmem>>, vector<16xf32>,
        %broadcast_in_dim3A_145 = arith.constant 0.000000e+00 : f32
        %broadcast_in_dim3A_146 = vector.broadcast %broadcast_in_dim3A_145 : f32 to vector<16xf32>
        %swap3A_147 = arith.constant 336 : index
        %swap3A_148 = tpu.vector_load %arg7[%swap3A_147] {strides = array<i32>} : memref<1024xf32, #tpu.memory_space<vmem>>, vector<16xf32>,
        %swap3A_149 = vector.shape_cast %swap3A_148 : vector<16xf32> to vector<16xf32>
        %swap3A_150 = vector.shape_cast %broadcast_in_dim3A_146 : vector<16xf32> to vector<16xf32>
        tpu.vector_store %arg7[%swap3A_147], %swap3A_150 {strides = array<i32>} : memref<1024xf32, #tpu.memory_space<vmem>>, vector<16xf32>,
        %broadcast_in_dim3A_151 = arith.constant 0.000000e+00 : f32
        %broadcast_in_dim3A_152 = vector.broadcast %broadcast_in_dim3A_151 : f32 to vector<16xf32>
        %swap3A_153 = arith.constant 352 : index
        %swap3A_154 = tpu.vector_load %arg7[%swap3A_153] {strides = array<i32>} : memref<1024xf32, #tpu.memory_space<vmem>>, vector<16xf32>,
        %swap3A_155 = vector.shape_cast %swap3A_154 : vector<16xf32> to vector<16xf32>
        %swap3A_156 = vector.shape_cast %broadcast_in_dim3A_152 : vector<16xf32> to vector<16xf32>
        tpu.vector_store %arg7[%swap3A_153], %swap3A_156 {strides = array<i32>} : memref<1024xf32, #tpu.memory_space<vmem>>, vector<16xf32>,
        %broadcast_in_dim3A_157 = arith.constant 0.000000e+00 : f32
        %broadcast_in_dim3A_158 = vector.broadcast %broadcast_in_dim3A_157 : f32 to vector<16xf32>
        %swap3A_159 = arith.constant 368 : index
        %swap3A_160 = tpu.vector_load %arg7[%swap3A_159] {strides = array<i32>} : memref<1024xf32, #tpu.memory_space<vmem>>, vector<16xf32>,
        %swap3A_161 = vector.shape_cast %swap3A_160 : vector<16xf32> to vector<16xf32>
        %swap3A_162 = vector.shape_cast %broadcast_in_dim3A_158 : vector<16xf32> to vector<16xf32>
        tpu.vector_store %arg7[%swap3A_159], %swap3A_162 {strides = array<i32>} : memref<1024xf32, #tpu.memory_space<vmem>>, vector<16xf32>,
        %broadcast_in_dim3A_163 = arith.constant 0.000000e+00 : f32
        %broadcast_in_dim3A_164 = vector.broadcast %broadcast_in_dim3A_163 : f32 to vector<16xf32>
        %swap3A_165 = arith.constant 384 : index
        %swap3A_166 = tpu.vector_load %arg7[%swap3A_165] {strides = array<i32>} : memref<1024xf32, #tpu.memory_space<vmem>>, vector<16xf32>,
        %swap3A_167 = vector.shape_cast %swap3A_166 : vector<16xf32> to vector<16xf32>
        %swap3A_168 = vector.shape_cast %broadcast_in_dim3A_164 : vector<16xf32> to vector<16xf32>
        tpu.vector_store %arg7[%swap3A_165], %swap3A_168 {strides = array<i32>} : memref<1024xf32, #tpu.memory_space<vmem>>, vector<16xf32>,
        %broadcast_in_dim3A_169 = arith.constant 0.000000e+00 : f32
        %broadcast_in_dim3A_170 = vector.broadcast %broadcast_in_dim3A_169 : f32 to vector<16xf32>
        %swap3A_171 = arith.constant 400 : index
        %swap3A_172 = tpu.vector_load %arg7[%swap3A_171] {strides = array<i32>} : memref<1024xf32, #tpu.memory_space<vmem>>, vector<16xf32>,
        %swap3A_173 = vector.shape_cast %swap3A_172 : vector<16xf32> to vector<16xf32>
        %swap3A_174 = vector.shape_cast %broadcast_in_dim3A_170 : vector<16xf32> to vector<16xf32>
        tpu.vector_store %arg7[%swap3A_171], %swap3A_174 {strides = array<i32>} : memref<1024xf32, #tpu.memory_space<vmem>>, vector<16xf32>,
        %broadcast_in_dim3A_175 = arith.constant 0.000000e+00 : f32
        %broadcast_in_dim3A_176 = vector.broadcast %broadcast_in_dim3A_175 : f32 to vector<16xf32>
        %swap3A_177 = arith.constant 416 : index
        %swap3A_178 = tpu.vector_load %arg7[%swap3A_177] {strides = array<i32>} : memref<1024xf32, #tpu.memory_space<vmem>>, vector<16xf32>,
        %swap3A_179 = vector.shape_cast %swap3A_178 : vector<16xf32> to vector<16xf32>
        %swap3A_180 = vector.shape_cast %broadcast_in_dim3A_176 : vector<16xf32> to vector<16xf32>
        tpu.vector_store %arg7[%swap3A_177], %swap3A_180 {strides = array<i32>} : memref<1024xf32, #tpu.memory_space<vmem>>, vector<16xf32>,
        %broadcast_in_dim3A_181 = arith.constant 0.000000e+00 : f32
        %broadcast_in_dim3A_182 = vector.broadcast %broadcast_in_dim3A_181 : f32 to vector<16xf32>
        %swap3A_183 = arith.constant 432 : index
        %swap3A_184 = tpu.vector_load %arg7[%swap3A_183] {strides = array<i32>} : memref<1024xf32, #tpu.memory_space<vmem>>, vector<16xf32>,
        %swap3A_185 = vector.shape_cast %swap3A_184 : vector<16xf32> to vector<16xf32>
        %swap3A_186 = vector.shape_cast %broadcast_in_dim3A_182 : vector<16xf32> to vector<16xf32>
        tpu.vector_store %arg7[%swap3A_183], %swap3A_186 {strides = array<i32>} : memref<1024xf32, #tpu.memory_space<vmem>>, vector<16xf32>,
        %broadcast_in_dim3A_187 = arith.constant 0.000000e+00 : f32
        %broadcast_in_dim3A_188 = vector.broadcast %broadcast_in_dim3A_187 : f32 to vector<16xf32>
        %swap3A_189 = arith.constant 448 : index
        %swap3A_190 = tpu.vector_load %arg7[%swap3A_189] {strides = array<i32>} : memref<1024xf32, #tpu.memory_space<vmem>>, vector<16xf32>,
        %swap3A_191 = vector.shape_cast %swap3A_190 : vector<16xf32> to vector<16xf32>
        %swap3A_192 = vector.shape_cast %broadcast_in_dim3A_188 : vector<16xf32> to vector<16xf32>
        tpu.vector_store %arg7[%swap3A_189], %swap3A_192 {strides = array<i32>} : memref<1024xf32, #tpu.memory_space<vmem>>, vector<16xf32>,
        %broadcast_in_dim3A_193 = arith.constant 0.000000e+00 : f32
        %broadcast_in_dim3A_194 = vector.broadcast %broadcast_in_dim3A_193 : f32 to vector<16xf32>
        %swap3A_195 = arith.constant 464 : index
        %swap3A_196 = tpu.vector_load %arg7[%swap3A_195] {strides = array<i32>} : memref<1024xf32, #tpu.memory_space<vmem>>, vector<16xf32>,
        %swap3A_197 = vector.shape_cast %swap3A_196 : vector<16xf32> to vector<16xf32>
        %swap3A_198 = vector.shape_cast %broadcast_in_dim3A_194 : vector<16xf32> to vector<16xf32>
        tpu.vector_store %arg7[%swap3A_195], %swap3A_198 {strides = array<i32>} : memref<1024xf32, #tpu.memory_space<vmem>>, vector<16xf32>,
        %broadcast_in_dim3A_199 = arith.constant 0.000000e+00 : f32
        %broadcast_in_dim3A_200 = vector.broadcast %broadcast_in_dim3A_199 : f32 to vector<16xf32>
        %swap3A_201 = arith.constant 480 : index
        %swap3A_202 = tpu.vector_load %arg7[%swap3A_201] {strides = array<i32>} : memref<1024xf32, #tpu.memory_space<vmem>>, vector<16xf32>,
        %swap3A_203 = vector.shape_cast %swap3A_202 : vector<16xf32> to vector<16xf32>
        %swap3A_204 = vector.shape_cast %broadcast_in_dim3A_200 : vector<16xf32> to vector<16xf32>
        tpu.vector_store %arg7[%swap3A_201], %swap3A_204 {strides = array<i32>} : memref<1024xf32, #tpu.memory_space<vmem>>, vector<16xf32>,
        %broadcast_in_dim3A_205 = arith.constant 0.000000e+00 : f32
        %broadcast_in_dim3A_206 = vector.broadcast %broadcast_in_dim3A_205 : f32 to vector<16xf32>
        %swap3A_207 = arith.constant 496 : index
        %swap3A_208 = tpu.vector_load %arg7[%swap3A_207] {strides = array<i32>} : memref<1024xf32, #tpu.memory_space<vmem>>, vector<16xf32>,
        %swap3A_209 = vector.shape_cast %swap3A_208 : vector<16xf32> to vector<16xf32>
        %swap3A_210 = vector.shape_cast %broadcast_in_dim3A_206 : vector<16xf32> to vector<16xf32>
        tpu.vector_store %arg7[%swap3A_207], %swap3A_210 {strides = array<i32>} : memref<1024xf32, #tpu.memory_space<vmem>>, vector<16xf32>,
        %broadcast_in_dim3A_211 = arith.constant 0.000000e+00 : f32
        %broadcast_in_dim3A_212 = vector.broadcast %broadcast_in_dim3A_211 : f32 to vector<16xf32>
        %swap3A_213 = arith.constant 512 : index
        %swap3A_214 = tpu.vector_load %arg7[%swap3A_213] {strides = array<i32>} : memref<1024xf32, #tpu.memory_space<vmem>>, vector<16xf32>,
        %swap3A_215 = vector.shape_cast %swap3A_214 : vector<16xf32> to vector<16xf32>
        %swap3A_216 = vector.shape_cast %broadcast_in_dim3A_212 : vector<16xf32> to vector<16xf32>
        tpu.vector_store %arg7[%swap3A_213], %swap3A_216 {strides = array<i32>} : memref<1024xf32, #tpu.memory_space<vmem>>, vector<16xf32>,
        %broadcast_in_dim3A_217 = arith.constant 0.000000e+00 : f32
        %broadcast_in_dim3A_218 = vector.broadcast %broadcast_in_dim3A_217 : f32 to vector<16xf32>
        %swap3A_219 = arith.constant 528 : index
        %swap3A_220 = tpu.vector_load %arg7[%swap3A_219] {strides = array<i32>} : memref<1024xf32, #tpu.memory_space<vmem>>, vector<16xf32>,
        %swap3A_221 = vector.shape_cast %swap3A_220 : vector<16xf32> to vector<16xf32>
        %swap3A_222 = vector.shape_cast %broadcast_in_dim3A_218 : vector<16xf32> to vector<16xf32>
        tpu.vector_store %arg7[%swap3A_219], %swap3A_222 {strides = array<i32>} : memref<1024xf32, #tpu.memory_space<vmem>>, vector<16xf32>,
        %broadcast_in_dim3A_223 = arith.constant 0.000000e+00 : f32
        %broadcast_in_dim3A_224 = vector.broadcast %broadcast_in_dim3A_223 : f32 to vector<16xf32>
        %swap3A_225 = arith.constant 544 : index
        %swap3A_226 = tpu.vector_load %arg7[%swap3A_225] {strides = array<i32>} : memref<1024xf32, #tpu.memory_space<vmem>>, vector<16xf32>,
        %swap3A_227 = vector.shape_cast %swap3A_226 : vector<16xf32> to vector<16xf32>
        %swap3A_228 = vector.shape_cast %broadcast_in_dim3A_224 : vector<16xf32> to vector<16xf32>
        tpu.vector_store %arg7[%swap3A_225], %swap3A_228 {strides = array<i32>} : memref<1024xf32, #tpu.memory_space<vmem>>, vector<16xf32>,
        %broadcast_in_dim3A_229 = arith.constant 0.000000e+00 : f32
        %broadcast_in_dim3A_230 = vector.broadcast %broadcast_in_dim3A_229 : f32 to vector<16xf32>
        %swap3A_231 = arith.constant 560 : index
        %swap3A_232 = tpu.vector_load %arg7[%swap3A_231] {strides = array<i32>} : memref<1024xf32, #tpu.memory_space<vmem>>, vector<16xf32>,
        %swap3A_233 = vector.shape_cast %swap3A_232 : vector<16xf32> to vector<16xf32>
        %swap3A_234 = vector.shape_cast %broadcast_in_dim3A_230 : vector<16xf32> to vector<16xf32>
        tpu.vector_store %arg7[%swap3A_231], %swap3A_234 {strides = array<i32>} : memref<1024xf32, #tpu.memory_space<vmem>>, vector<16xf32>,
        %broadcast_in_dim3A_235 = arith.constant 0.000000e+00 : f32
        %broadcast_in_dim3A_236 = vector.broadcast %broadcast_in_dim3A_235 : f32 to vector<16xf32>
        %swap3A_237 = arith.constant 576 : index
        %swap3A_238 = tpu.vector_load %arg7[%swap3A_237] {strides = array<i32>} : memref<1024xf32, #tpu.memory_space<vmem>>, vector<16xf32>,
        %swap3A_239 = vector.shape_cast %swap3A_238 : vector<16xf32> to vector<16xf32>
        %swap3A_240 = vector.shape_cast %broadcast_in_dim3A_236 : vector<16xf32> to vector<16xf32>
        tpu.vector_store %arg7[%swap3A_237], %swap3A_240 {strides = array<i32>} : memref<1024xf32, #tpu.memory_space<vmem>>, vector<16xf32>,
        %broadcast_in_dim3A_241 = arith.constant 0.000000e+00 : f32
        %broadcast_in_dim3A_242 = vector.broadcast %broadcast_in_dim3A_241 : f32 to vector<16xf32>
        %swap3A_243 = arith.constant 592 : index
        %swap3A_244 = tpu.vector_load %arg7[%swap3A_243] {strides = array<i32>} : memref<1024xf32, #tpu.memory_space<vmem>>, vector<16xf32>,
        %swap3A_245 = vector.shape_cast %swap3A_244 : vector<16xf32> to vector<16xf32>
        %swap3A_246 = vector.shape_cast %broadcast_in_dim3A_242 : vector<16xf32> to vector<16xf32>
        tpu.vector_store %arg7[%swap3A_243], %swap3A_246 {strides = array<i32>} : memref<1024xf32, #tpu.memory_space<vmem>>, vector<16xf32>,
        %broadcast_in_dim3A_247 = arith.constant 0.000000e+00 : f32
        %broadcast_in_dim3A_248 = vector.broadcast %broadcast_in_dim3A_247 : f32 to vector<16xf32>
        %swap3A_249 = arith.constant 608 : index
        %swap3A_250 = tpu.vector_load %arg7[%swap3A_249] {strides = array<i32>} : memref<1024xf32, #tpu.memory_space<vmem>>, vector<16xf32>,
        %swap3A_251 = vector.shape_cast %swap3A_250 : vector<16xf32> to vector<16xf32>
        %swap3A_252 = vector.shape_cast %broadcast_in_dim3A_248 : vector<16xf32> to vector<16xf32>
        tpu.vector_store %arg7[%swap3A_249], %swap3A_252 {strides = array<i32>} : memref<1024xf32, #tpu.memory_space<vmem>>, vector<16xf32>,
        %broadcast_in_dim3A_253 = arith.constant 0.000000e+00 : f32
        %broadcast_in_dim3A_254 = vector.broadcast %broadcast_in_dim3A_253 : f32 to vector<16xf32>
        %swap3A_255 = arith.constant 624 : index
        %swap3A_256 = tpu.vector_load %arg7[%swap3A_255] {strides = array<i32>} : memref<1024xf32, #tpu.memory_space<vmem>>, vector<16xf32>,
        %swap3A_257 = vector.shape_cast %swap3A_256 : vector<16xf32> to vector<16xf32>
        %swap3A_258 = vector.shape_cast %broadcast_in_dim3A_254 : vector<16xf32> to vector<16xf32>
        tpu.vector_store %arg7[%swap3A_255], %swap3A_258 {strides = array<i32>} : memref<1024xf32, #tpu.memory_space<vmem>>, vector<16xf32>,
        %broadcast_in_dim3A_259 = arith.constant 0.000000e+00 : f32
        %broadcast_in_dim3A_260 = vector.broadcast %broadcast_in_dim3A_259 : f32 to vector<16xf32>
        %swap3A_261 = arith.constant 640 : index
        %swap3A_262 = tpu.vector_load %arg7[%swap3A_261] {strides = array<i32>} : memref<1024xf32, #tpu.memory_space<vmem>>, vector<16xf32>,
        %swap3A_263 = vector.shape_cast %swap3A_262 : vector<16xf32> to vector<16xf32>
        %swap3A_264 = vector.shape_cast %broadcast_in_dim3A_260 : vector<16xf32> to vector<16xf32>
        tpu.vector_store %arg7[%swap3A_261], %swap3A_264 {strides = array<i32>} : memref<1024xf32, #tpu.memory_space<vmem>>, vector<16xf32>,
        %broadcast_in_dim3A_265 = arith.constant 0.000000e+00 : f32
        %broadcast_in_dim3A_266 = vector.broadcast %broadcast_in_dim3A_265 : f32 to vector<16xf32>
        %swap3A_267 = arith.constant 656 : index
        %swap3A_268 = tpu.vector_load %arg7[%swap3A_267] {strides = array<i32>} : memref<1024xf32, #tpu.memory_space<vmem>>, vector<16xf32>,
        %swap3A_269 = vector.shape_cast %swap3A_268 : vector<16xf32> to vector<16xf32>
        %swap3A_270 = vector.shape_cast %broadcast_in_dim3A_266 : vector<16xf32> to vector<16xf32>
        tpu.vector_store %arg7[%swap3A_267], %swap3A_270 {strides = array<i32>} : memref<1024xf32, #tpu.memory_space<vmem>>, vector<16xf32>,
        %broadcast_in_dim3A_271 = arith.constant 0.000000e+00 : f32
        %broadcast_in_dim3A_272 = vector.broadcast %broadcast_in_dim3A_271 : f32 to vector<16xf32>
        %swap3A_273 = arith.constant 672 : index
        %swap3A_274 = tpu.vector_load %arg7[%swap3A_273] {strides = array<i32>} : memref<1024xf32, #tpu.memory_space<vmem>>, vector<16xf32>,
        %swap3A_275 = vector.shape_cast %swap3A_274 : vector<16xf32> to vector<16xf32>
        %swap3A_276 = vector.shape_cast %broadcast_in_dim3A_272 : vector<16xf32> to vector<16xf32>
        tpu.vector_store %arg7[%swap3A_273], %swap3A_276 {strides = array<i32>} : memref<1024xf32, #tpu.memory_space<vmem>>, vector<16xf32>,
        %broadcast_in_dim3A_277 = arith.constant 0.000000e+00 : f32
        %broadcast_in_dim3A_278 = vector.broadcast %broadcast_in_dim3A_277 : f32 to vector<16xf32>
        %swap3A_279 = arith.constant 688 : index
        %swap3A_280 = tpu.vector_load %arg7[%swap3A_279] {strides = array<i32>} : memref<1024xf32, #tpu.memory_space<vmem>>, vector<16xf32>,
        %swap3A_281 = vector.shape_cast %swap3A_280 : vector<16xf32> to vector<16xf32>
        %swap3A_282 = vector.shape_cast %broadcast_in_dim3A_278 : vector<16xf32> to vector<16xf32>
        tpu.vector_store %arg7[%swap3A_279], %swap3A_282 {strides = array<i32>} : memref<1024xf32, #tpu.memory_space<vmem>>, vector<16xf32>,
        %broadcast_in_dim3A_283 = arith.constant 0.000000e+00 : f32
        %broadcast_in_dim3A_284 = vector.broadcast %broadcast_in_dim3A_283 : f32 to vector<16xf32>
        %swap3A_285 = arith.constant 704 : index
        %swap3A_286 = tpu.vector_load %arg7[%swap3A_285] {strides = array<i32>} : memref<1024xf32, #tpu.memory_space<vmem>>, vector<16xf32>,
        %swap3A_287 = vector.shape_cast %swap3A_286 : vector<16xf32> to vector<16xf32>
        %swap3A_288 = vector.shape_cast %broadcast_in_dim3A_284 : vector<16xf32> to vector<16xf32>
        tpu.vector_store %arg7[%swap3A_285], %swap3A_288 {strides = array<i32>} : memref<1024xf32, #tpu.memory_space<vmem>>, vector<16xf32>,
        %broadcast_in_dim3A_289 = arith.constant 0.000000e+00 : f32
        %broadcast_in_dim3A_290 = vector.broadcast %broadcast_in_dim3A_289 : f32 to vector<16xf32>
        %swap3A_291 = arith.constant 720 : index
        %swap3A_292 = tpu.vector_load %arg7[%swap3A_291] {strides = array<i32>} : memref<1024xf32, #tpu.memory_space<vmem>>, vector<16xf32>,
        %swap3A_293 = vector.shape_cast %swap3A_292 : vector<16xf32> to vector<16xf32>
        %swap3A_294 = vector.shape_cast %broadcast_in_dim3A_290 : vector<16xf32> to vector<16xf32>
        tpu.vector_store %arg7[%swap3A_291], %swap3A_294 {strides = array<i32>} : memref<1024xf32, #tpu.memory_space<vmem>>, vector<16xf32>,
        %broadcast_in_dim3A_295 = arith.constant 0.000000e+00 : f32
        %broadcast_in_dim3A_296 = vector.broadcast %broadcast_in_dim3A_295 : f32 to vector<16xf32>
        %swap3A_297 = arith.constant 736 : index
        %swap3A_298 = tpu.vector_load %arg7[%swap3A_297] {strides = array<i32>} : memref<1024xf32, #tpu.memory_space<vmem>>, vector<16xf32>,
        %swap3A_299 = vector.shape_cast %swap3A_298 : vector<16xf32> to vector<16xf32>
        %swap3A_300 = vector.shape_cast %broadcast_in_dim3A_296 : vector<16xf32> to vector<16xf32>
        tpu.vector_store %arg7[%swap3A_297], %swap3A_300 {strides = array<i32>} : memref<1024xf32, #tpu.memory_space<vmem>>, vector<16xf32>,
        %broadcast_in_dim3A_301 = arith.constant 0.000000e+00 : f32
        %broadcast_in_dim3A_302 = vector.broadcast %broadcast_in_dim3A_301 : f32 to vector<16xf32>
        %swap3A_303 = arith.constant 752 : index
        %swap3A_304 = tpu.vector_load %arg7[%swap3A_303] {strides = array<i32>} : memref<1024xf32, #tpu.memory_space<vmem>>, vector<16xf32>,
        %swap3A_305 = vector.shape_cast %swap3A_304 : vector<16xf32> to vector<16xf32>
        %swap3A_306 = vector.shape_cast %broadcast_in_dim3A_302 : vector<16xf32> to vector<16xf32>
        tpu.vector_store %arg7[%swap3A_303], %swap3A_306 {strides = array<i32>} : memref<1024xf32, #tpu.memory_space<vmem>>, vector<16xf32>,
        %broadcast_in_dim3A_307 = arith.constant 0.000000e+00 : f32
        %broadcast_in_dim3A_308 = vector.broadcast %broadcast_in_dim3A_307 : f32 to vector<16xf32>
        %swap3A_309 = arith.constant 768 : index
        %swap3A_310 = tpu.vector_load %arg7[%swap3A_309] {strides = array<i32>} : memref<1024xf32, #tpu.memory_space<vmem>>, vector<16xf32>,
        %swap3A_311 = vector.shape_cast %swap3A_310 : vector<16xf32> to vector<16xf32>
        %swap3A_312 = vector.shape_cast %broadcast_in_dim3A_308 : vector<16xf32> to vector<16xf32>
        tpu.vector_store %arg7[%swap3A_309], %swap3A_312 {strides = array<i32>} : memref<1024xf32, #tpu.memory_space<vmem>>, vector<16xf32>,
        %broadcast_in_dim3A_313 = arith.constant 0.000000e+00 : f32
        %broadcast_in_dim3A_314 = vector.broadcast %broadcast_in_dim3A_313 : f32 to vector<16xf32>
        %swap3A_315 = arith.constant 784 : index
        %swap3A_316 = tpu.vector_load %arg7[%swap3A_315] {strides = array<i32>} : memref<1024xf32, #tpu.memory_space<vmem>>, vector<16xf32>,
        %swap3A_317 = vector.shape_cast %swap3A_316 : vector<16xf32> to vector<16xf32>
        %swap3A_318 = vector.shape_cast %broadcast_in_dim3A_314 : vector<16xf32> to vector<16xf32>
        tpu.vector_store %arg7[%swap3A_315], %swap3A_318 {strides = array<i32>} : memref<1024xf32, #tpu.memory_space<vmem>>, vector<16xf32>,
        %broadcast_in_dim3A_319 = arith.constant 0.000000e+00 : f32
        %broadcast_in_dim3A_320 = vector.broadcast %broadcast_in_dim3A_319 : f32 to vector<16xf32>
        %swap3A_321 = arith.constant 800 : index
        %swap3A_322 = tpu.vector_load %arg7[%swap3A_321] {strides = array<i32>} : memref<1024xf32, #tpu.memory_space<vmem>>, vector<16xf32>,
        %swap3A_323 = vector.shape_cast %swap3A_322 : vector<16xf32> to vector<16xf32>
        %swap3A_324 = vector.shape_cast %broadcast_in_dim3A_320 : vector<16xf32> to vector<16xf32>
        tpu.vector_store %arg7[%swap3A_321], %swap3A_324 {strides = array<i32>} : memref<1024xf32, #tpu.memory_space<vmem>>, vector<16xf32>,
        %broadcast_in_dim3A_325 = arith.constant 0.000000e+00 : f32
        %broadcast_in_dim3A_326 = vector.broadcast %broadcast_in_dim3A_325 : f32 to vector<16xf32>
        %swap3A_327 = arith.constant 816 : index
        %swap3A_328 = tpu.vector_load %arg7[%swap3A_327] {strides = array<i32>} : memref<1024xf32, #tpu.memory_space<vmem>>, vector<16xf32>,
        %swap3A_329 = vector.shape_cast %swap3A_328 : vector<16xf32> to vector<16xf32>
        %swap3A_330 = vector.shape_cast %broadcast_in_dim3A_326 : vector<16xf32> to vector<16xf32>
        tpu.vector_store %arg7[%swap3A_327], %swap3A_330 {strides = array<i32>} : memref<1024xf32, #tpu.memory_space<vmem>>, vector<16xf32>,
        %broadcast_in_dim3A_331 = arith.constant 0.000000e+00 : f32
        %broadcast_in_dim3A_332 = vector.broadcast %broadcast_in_dim3A_331 : f32 to vector<16xf32>
        %swap3A_333 = arith.constant 832 : index
        %swap3A_334 = tpu.vector_load %arg7[%swap3A_333] {strides = array<i32>} : memref<1024xf32, #tpu.memory_space<vmem>>, vector<16xf32>,
        %swap3A_335 = vector.shape_cast %swap3A_334 : vector<16xf32> to vector<16xf32>
        %swap3A_336 = vector.shape_cast %broadcast_in_dim3A_332 : vector<16xf32> to vector<16xf32>
        tpu.vector_store %arg7[%swap3A_333], %swap3A_336 {strides = array<i32>} : memref<1024xf32, #tpu.memory_space<vmem>>, vector<16xf32>,
        %broadcast_in_dim3A_337 = arith.constant 0.000000e+00 : f32
        %broadcast_in_dim3A_338 = vector.broadcast %broadcast_in_dim3A_337 : f32 to vector<16xf32>
        %swap3A_339 = arith.constant 848 : index
        %swap3A_340 = tpu.vector_load %arg7[%swap3A_339] {strides = array<i32>} : memref<1024xf32, #tpu.memory_space<vmem>>, vector<16xf32>,
        %swap3A_341 = vector.shape_cast %swap3A_340 : vector<16xf32> to vector<16xf32>
        %swap3A_342 = vector.shape_cast %broadcast_in_dim3A_338 : vector<16xf32> to vector<16xf32>
        tpu.vector_store %arg7[%swap3A_339], %swap3A_342 {strides = array<i32>} : memref<1024xf32, #tpu.memory_space<vmem>>, vector<16xf32>,
        %broadcast_in_dim3A_343 = arith.constant 0.000000e+00 : f32
        %broadcast_in_dim3A_344 = vector.broadcast %broadcast_in_dim3A_343 : f32 to vector<16xf32>
        %swap3A_345 = arith.constant 864 : index
        %swap3A_346 = tpu.vector_load %arg7[%swap3A_345] {strides = array<i32>} : memref<1024xf32, #tpu.memory_space<vmem>>, vector<16xf32>,
        %swap3A_347 = vector.shape_cast %swap3A_346 : vector<16xf32> to vector<16xf32>
        %swap3A_348 = vector.shape_cast %broadcast_in_dim3A_344 : vector<16xf32> to vector<16xf32>
        tpu.vector_store %arg7[%swap3A_345], %swap3A_348 {strides = array<i32>} : memref<1024xf32, #tpu.memory_space<vmem>>, vector<16xf32>,
        %broadcast_in_dim3A_349 = arith.constant 0.000000e+00 : f32
        %broadcast_in_dim3A_350 = vector.broadcast %broadcast_in_dim3A_349 : f32 to vector<16xf32>
        %swap3A_351 = arith.constant 880 : index
        %swap3A_352 = tpu.vector_load %arg7[%swap3A_351] {strides = array<i32>} : memref<1024xf32, #tpu.memory_space<vmem>>, vector<16xf32>,
        %swap3A_353 = vector.shape_cast %swap3A_352 : vector<16xf32> to vector<16xf32>
        %swap3A_354 = vector.shape_cast %broadcast_in_dim3A_350 : vector<16xf32> to vector<16xf32>
        tpu.vector_store %arg7[%swap3A_351], %swap3A_354 {strides = array<i32>} : memref<1024xf32, #tpu.memory_space<vmem>>, vector<16xf32>,
        %broadcast_in_dim3A_355 = arith.constant 0.000000e+00 : f32
        %broadcast_in_dim3A_356 = vector.broadcast %broadcast_in_dim3A_355 : f32 to vector<16xf32>
        %swap3A_357 = arith.constant 896 : index
        %swap3A_358 = tpu.vector_load %arg7[%swap3A_357] {strides = array<i32>} : memref<1024xf32, #tpu.memory_space<vmem>>, vector<16xf32>,
        %swap3A_359 = vector.shape_cast %swap3A_358 : vector<16xf32> to vector<16xf32>
        %swap3A_360 = vector.shape_cast %broadcast_in_dim3A_356 : vector<16xf32> to vector<16xf32>
        tpu.vector_store %arg7[%swap3A_357], %swap3A_360 {strides = array<i32>} : memref<1024xf32, #tpu.memory_space<vmem>>, vector<16xf32>,
        %broadcast_in_dim3A_361 = arith.constant 0.000000e+00 : f32
        %broadcast_in_dim3A_362 = vector.broadcast %broadcast_in_dim3A_361 : f32 to vector<16xf32>
        %swap3A_363 = arith.constant 912 : index
        %swap3A_364 = tpu.vector_load %arg7[%swap3A_363] {strides = array<i32>} : memref<1024xf32, #tpu.memory_space<vmem>>, vector<16xf32>,
        %swap3A_365 = vector.shape_cast %swap3A_364 : vector<16xf32> to vector<16xf32>
        %swap3A_366 = vector.shape_cast %broadcast_in_dim3A_362 : vector<16xf32> to vector<16xf32>
        tpu.vector_store %arg7[%swap3A_363], %swap3A_366 {strides = array<i32>} : memref<1024xf32, #tpu.memory_space<vmem>>, vector<16xf32>,
        %broadcast_in_dim3A_367 = arith.constant 0.000000e+00 : f32
        %broadcast_in_dim3A_368 = vector.broadcast %broadcast_in_dim3A_367 : f32 to vector<16xf32>
        %swap3A_369 = arith.constant 928 : index
        %swap3A_370 = tpu.vector_load %arg7[%swap3A_369] {strides = array<i32>} : memref<1024xf32, #tpu.memory_space<vmem>>, vector<16xf32>,
        %swap3A_371 = vector.shape_cast %swap3A_370 : vector<16xf32> to vector<16xf32>
        %swap3A_372 = vector.shape_cast %broadcast_in_dim3A_368 : vector<16xf32> to vector<16xf32>
        tpu.vector_store %arg7[%swap3A_369], %swap3A_372 {strides = array<i32>} : memref<1024xf32, #tpu.memory_space<vmem>>, vector<16xf32>,
        %broadcast_in_dim3A_373 = arith.constant 0.000000e+00 : f32
        %broadcast_in_dim3A_374 = vector.broadcast %broadcast_in_dim3A_373 : f32 to vector<16xf32>
        %swap3A_375 = arith.constant 944 : index
        %swap3A_376 = tpu.vector_load %arg7[%swap3A_375] {strides = array<i32>} : memref<1024xf32, #tpu.memory_space<vmem>>, vector<16xf32>,
        %swap3A_377 = vector.shape_cast %swap3A_376 : vector<16xf32> to vector<16xf32>
        %swap3A_378 = vector.shape_cast %broadcast_in_dim3A_374 : vector<16xf32> to vector<16xf32>
        tpu.vector_store %arg7[%swap3A_375], %swap3A_378 {strides = array<i32>} : memref<1024xf32, #tpu.memory_space<vmem>>, vector<16xf32>,
        %broadcast_in_dim3A_379 = arith.constant 0.000000e+00 : f32
        %broadcast_in_dim3A_380 = vector.broadcast %broadcast_in_dim3A_379 : f32 to vector<16xf32>
        %swap3A_381 = arith.constant 960 : index
        %swap3A_382 = tpu.vector_load %arg7[%swap3A_381] {strides = array<i32>} : memref<1024xf32, #tpu.memory_space<vmem>>, vector<16xf32>,
        %swap3A_383 = vector.shape_cast %swap3A_382 : vector<16xf32> to vector<16xf32>
        %swap3A_384 = vector.shape_cast %broadcast_in_dim3A_380 : vector<16xf32> to vector<16xf32>
        tpu.vector_store %arg7[%swap3A_381], %swap3A_384 {strides = array<i32>} : memref<1024xf32, #tpu.memory_space<vmem>>, vector<16xf32>,
        %broadcast_in_dim3A_385 = arith.constant 0.000000e+00 : f32
        %broadcast_in_dim3A_386 = vector.broadcast %broadcast_in_dim3A_385 : f32 to vector<16xf32>
        %swap3A_387 = arith.constant 976 : index
        %swap3A_388 = tpu.vector_load %arg7[%swap3A_387] {strides = array<i32>} : memref<1024xf32, #tpu.memory_space<vmem>>, vector<16xf32>,
        %swap3A_389 = vector.shape_cast %swap3A_388 : vector<16xf32> to vector<16xf32>
        %swap3A_390 = vector.shape_cast %broadcast_in_dim3A_386 : vector<16xf32> to vector<16xf32>
        tpu.vector_store %arg7[%swap3A_387], %swap3A_390 {strides = array<i32>} : memref<1024xf32, #tpu.memory_space<vmem>>, vector<16xf32>,
        %broadcast_in_dim3A_391 = arith.constant 0.000000e+00 : f32
        %broadcast_in_dim3A_392 = vector.broadcast %broadcast_in_dim3A_391 : f32 to vector<16xf32>
        %swap3A_393 = arith.constant 992 : index
        %swap3A_394 = tpu.vector_load %arg7[%swap3A_393] {strides = array<i32>} : memref<1024xf32, #tpu.memory_space<vmem>>, vector<16xf32>,
        %swap3A_395 = vector.shape_cast %swap3A_394 : vector<16xf32> to vector<16xf32>
        %swap3A_396 = vector.shape_cast %broadcast_in_dim3A_392 : vector<16xf32> to vector<16xf32>
        tpu.vector_store %arg7[%swap3A_393], %swap3A_396 {strides = array<i32>} : memref<1024xf32, #tpu.memory_space<vmem>>, vector<16xf32>,
        %broadcast_in_dim3A_397 = arith.constant 0.000000e+00 : f32
        %broadcast_in_dim3A_398 = vector.broadcast %broadcast_in_dim3A_397 : f32 to vector<16xf32>
        %swap3A_399 = arith.constant 1008 : index
        %swap3A_400 = tpu.vector_load %arg7[%swap3A_399] {strides = array<i32>} : memref<1024xf32, #tpu.memory_space<vmem>>, vector<16xf32>,
        %swap3A_401 = vector.shape_cast %swap3A_400 : vector<16xf32> to vector<16xf32>
        %swap3A_402 = vector.shape_cast %broadcast_in_dim3A_398 : vector<16xf32> to vector<16xf32>
        tpu.vector_store %arg7[%swap3A_399], %swap3A_402 {strides = array<i32>} : memref<1024xf32, #tpu.memory_space<vmem>>, vector<16xf32>,
        "tpu.region"() ({
          %run_scoped3A = tpu.sem_alloc : memref<!tpu.dma_semaphore, #tpu.memory_space<semaphore_mem>>
          tpu.enqueue_dma source(%arg7 : memref<1024xf32, #tpu.memory_space<vmem>>) target(%arg8 : memref<1024xf32, #tpu.memory_space<vmem_shared>>) target_semaphore(%run_scoped3A : memref<!tpu.dma_semaphore, #tpu.memory_space<semaphore_mem>>)
          tpu.wait_dma2 semaphore(%run_scoped3A : memref<!tpu.dma_semaphore, #tpu.memory_space<semaphore_mem>>) src(%arg7 : memref<1024xf32, #tpu.memory_space<vmem>>) dst(%arg8 : memref<1024xf32, #tpu.memory_space<vmem_shared>>)
          tpu.yield
        }) : () -> ()
      } else {
      }
    } else {
    }
    %barrier3A = arith.constant 0 : index
    tpu.barrier barrier_id(%barrier3A)
    %eq3A_2 = arith.constant 0 : i32
    %eq3A_3 = arith.cmpi eq, %arg0, %eq3A_2 : i32
    %convert_element_type3A_4 = arith.extui %eq3A_3 : i1 to i32
    %cond3A_5 = arith.constant 0 : i32
    %cond3A_6 = arith.cmpi ne, %convert_element_type3A_4, %cond3A_5 : i32
    scf.if %cond3A_6 {
      %dma_start3A = arith.constant 0 : i32
      %dma_start3A_15 = arith.constant 0 : i32
      %dma_start3A_16 = tpu.memref_slice %arg5[%dma_start3A_15] : memref<6400xf32, #tpu.memory_space<vmem>> -> memref<128xf32, #tpu.memory_space<vmem>>
      %dma_start3A_17 = arith.constant 0 : i32
      %dma_start3A_18 = tpu.memref_slice %arg6[%dma_start3A, %dma_start3A_17] : memref<50x128xi32, #tpu.memory_space<vmem>> -> memref<1x128xi32, #tpu.memory_space<vmem>>
      %dma_start3A_19 = tpu.memref_squeeze %dma_start3A_18 : memref<1x128xi32, #tpu.memory_space<vmem>> -> memref<128xi32, #tpu.memory_space<vmem>>
      %dma_start3A_20 = arith.constant 0 : i32
      %dma_start3A_21 = tpu.memref_slice %arg8[%dma_start3A_20] : memref<1024xf32, #tpu.memory_space<vmem_shared>> -> memref<1024xf32, #tpu.memory_space<vmem_shared>>
      tpu.enqueue_indirect_dma source(%dma_start3A_16 : memref<128xf32, #tpu.memory_space<vmem>>) target(%dma_start3A_21 : memref<1024xf32, #tpu.memory_space<vmem_shared>>) offsets(%dma_start3A_19 : memref<128xi32, #tpu.memory_space<vmem>>) semaphore(%arg9 : memref<!tpu.dma_semaphore, #tpu.memory_space<semaphore_mem>>) {add = true}
      %dma_start3A_22 = arith.constant 1 : i32
      %dma_start3A_23 = arith.constant 128 : i32
      %dma_start3A_24 = tpu.memref_slice %arg5[%dma_start3A_23] : memref<6400xf32, #tpu.memory_space<vmem>> -> memref<128xf32, #tpu.memory_space<vmem>>
      %dma_start3A_25 = arith.constant 0 : i32
      %dma_start3A_26 = tpu.memref_slice %arg6[%dma_start3A_22, %dma_start3A_25] : memref<50x128xi32, #tpu.memory_space<vmem>> -> memref<1x128xi32, #tpu.memory_space<vmem>>
      %dma_start3A_27 = tpu.memref_squeeze %dma_start3A_26 : memref<1x128xi32, #tpu.memory_space<vmem>> -> memref<128xi32, #tpu.memory_space<vmem>>
      %dma_start3A_28 = arith.constant 0 : i32
      %dma_start3A_29 = tpu.memref_slice %arg8[%dma_start3A_28] : memref<1024xf32, #tpu.memory_space<vmem_shared>> -> memref<1024xf32, #tpu.memory_space<vmem_shared>>
      tpu.enqueue_indirect_dma source(%dma_start3A_24 : memref<128xf32, #tpu.memory_space<vmem>>) target(%dma_start3A_29 : memref<1024xf32, #tpu.memory_space<vmem_shared>>) offsets(%dma_start3A_27 : memref<128xi32, #tpu.memory_space<vmem>>) semaphore(%arg9 : memref<!tpu.dma_semaphore, #tpu.memory_space<semaphore_mem>>) {add = true}
      %dma_start3A_30 = arith.constant 2 : i32
      %dma_start3A_31 = arith.constant 256 : i32
      %dma_start3A_32 = tpu.memref_slice %arg5[%dma_start3A_31] : memref<6400xf32, #tpu.memory_space<vmem>> -> memref<128xf32, #tpu.memory_space<vmem>>
      %dma_start3A_33 = arith.constant 0 : i32
      %dma_start3A_34 = tpu.memref_slice %arg6[%dma_start3A_30, %dma_start3A_33] : memref<50x128xi32, #tpu.memory_space<vmem>> -> memref<1x128xi32, #tpu.memory_space<vmem>>
      %dma_start3A_35 = tpu.memref_squeeze %dma_start3A_34 : memref<1x128xi32, #tpu.memory_space<vmem>> -> memref<128xi32, #tpu.memory_space<vmem>>
      %dma_start3A_36 = arith.constant 0 : i32
      %dma_start3A_37 = tpu.memref_slice %arg8[%dma_start3A_36] : memref<1024xf32, #tpu.memory_space<vmem_shared>> -> memref<1024xf32, #tpu.memory_space<vmem_shared>>
      tpu.enqueue_indirect_dma source(%dma_start3A_32 : memref<128xf32, #tpu.memory_space<vmem>>) target(%dma_start3A_37 : memref<1024xf32, #tpu.memory_space<vmem_shared>>) offsets(%dma_start3A_35 : memref<128xi32, #tpu.memory_space<vmem>>) semaphore(%arg9 : memref<!tpu.dma_semaphore, #tpu.memory_space<semaphore_mem>>) {add = true}
      %dma_start3A_38 = arith.constant 3 : i32
      %dma_start3A_39 = arith.constant 384 : i32
      %dma_start3A_40 = tpu.memref_slice %arg5[%dma_start3A_39] : memref<6400xf32, #tpu.memory_space<vmem>> -> memref<128xf32, #tpu.memory_space<vmem>>
      %dma_start3A_41 = arith.constant 0 : i32
      %dma_start3A_42 = tpu.memref_slice %arg6[%dma_start3A_38, %dma_start3A_41] : memref<50x128xi32, #tpu.memory_space<vmem>> -> memref<1x128xi32, #tpu.memory_space<vmem>>
      %dma_start3A_43 = tpu.memref_squeeze %dma_start3A_42 : memref<1x128xi32, #tpu.memory_space<vmem>> -> memref<128xi32, #tpu.memory_space<vmem>>
      %dma_start3A_44 = arith.constant 0 : i32
      %dma_start3A_45 = tpu.memref_slice %arg8[%dma_start3A_44] : memref<1024xf32, #tpu.memory_space<vmem_shared>> -> memref<1024xf32, #tpu.memory_space<vmem_shared>>
      tpu.enqueue_indirect_dma source(%dma_start3A_40 : memref<128xf32, #tpu.memory_space<vmem>>) target(%dma_start3A_45 : memref<1024xf32, #tpu.memory_space<vmem_shared>>) offsets(%dma_start3A_43 : memref<128xi32, #tpu.memory_space<vmem>>) semaphore(%arg9 : memref<!tpu.dma_semaphore, #tpu.memory_space<semaphore_mem>>) {add = true}
      %dma_start3A_46 = arith.constant 4 : i32
      %dma_start3A_47 = arith.constant 512 : i32
      %dma_start3A_48 = tpu.memref_slice %arg5[%dma_start3A_47] : memref<6400xf32, #tpu.memory_space<vmem>> -> memref<128xf32, #tpu.memory_space<vmem>>
      %dma_start3A_49 = arith.constant 0 : i32
      %dma_start3A_50 = tpu.memref_slice %arg6[%dma_start3A_46, %dma_start3A_49] : memref<50x128xi32, #tpu.memory_space<vmem>> -> memref<1x128xi32, #tpu.memory_space<vmem>>
      %dma_start3A_51 = tpu.memref_squeeze %dma_start3A_50 : memref<1x128xi32, #tpu.memory_space<vmem>> -> memref<128xi32, #tpu.memory_space<vmem>>
      %dma_start3A_52 = arith.constant 0 : i32
      %dma_start3A_53 = tpu.memref_slice %arg8[%dma_start3A_52] : memref<1024xf32, #tpu.memory_space<vmem_shared>> -> memref<1024xf32, #tpu.memory_space<vmem_shared>>
      tpu.enqueue_indirect_dma source(%dma_start3A_48 : memref<128xf32, #tpu.memory_space<vmem>>) target(%dma_start3A_53 : memref<1024xf32, #tpu.memory_space<vmem_shared>>) offsets(%dma_start3A_51 : memref<128xi32, #tpu.memory_space<vmem>>) semaphore(%arg9 : memref<!tpu.dma_semaphore, #tpu.memory_space<semaphore_mem>>) {add = true}
      %dma_start3A_54 = arith.constant 5 : i32
      %dma_start3A_55 = arith.constant 640 : i32
      %dma_start3A_56 = tpu.memref_slice %arg5[%dma_start3A_55] : memref<6400xf32, #tpu.memory_space<vmem>> -> memref<128xf32, #tpu.memory_space<vmem>>
      %dma_start3A_57 = arith.constant 0 : i32
      %dma_start3A_58 = tpu.memref_slice %arg6[%dma_start3A_54, %dma_start3A_57] : memref<50x128xi32, #tpu.memory_space<vmem>> -> memref<1x128xi32, #tpu.memory_space<vmem>>
      %dma_start3A_59 = tpu.memref_squeeze %dma_start3A_58 : memref<1x128xi32, #tpu.memory_space<vmem>> -> memref<128xi32, #tpu.memory_space<vmem>>
      %dma_start3A_60 = arith.constant 0 : i32
      %dma_start3A_61 = tpu.memref_slice %arg8[%dma_start3A_60] : memref<1024xf32, #tpu.memory_space<vmem_shared>> -> memref<1024xf32, #tpu.memory_space<vmem_shared>>
      tpu.enqueue_indirect_dma source(%dma_start3A_56 : memref<128xf32, #tpu.memory_space<vmem>>) target(%dma_start3A_61 : memref<1024xf32, #tpu.memory_space<vmem_shared>>) offsets(%dma_start3A_59 : memref<128xi32, #tpu.memory_space<vmem>>) semaphore(%arg9 : memref<!tpu.dma_semaphore, #tpu.memory_space<semaphore_mem>>) {add = true}
      %dma_start3A_62 = arith.constant 6 : i32
      %dma_start3A_63 = arith.constant 768 : i32
      %dma_start3A_64 = tpu.memref_slice %arg5[%dma_start3A_63] : memref<6400xf32, #tpu.memory_space<vmem>> -> memref<128xf32, #tpu.memory_space<vmem>>
      %dma_start3A_65 = arith.constant 0 : i32
      %dma_start3A_66 = tpu.memref_slice %arg6[%dma_start3A_62, %dma_start3A_65] : memref<50x128xi32, #tpu.memory_space<vmem>> -> memref<1x128xi32, #tpu.memory_space<vmem>>
      %dma_start3A_67 = tpu.memref_squeeze %dma_start3A_66 : memref<1x128xi32, #tpu.memory_space<vmem>> -> memref<128xi32, #tpu.memory_space<vmem>>
      %dma_start3A_68 = arith.constant 0 : i32
      %dma_start3A_69 = tpu.memref_slice %arg8[%dma_start3A_68] : memref<1024xf32, #tpu.memory_space<vmem_shared>> -> memref<1024xf32, #tpu.memory_space<vmem_shared>>
      tpu.enqueue_indirect_dma source(%dma_start3A_64 : memref<128xf32, #tpu.memory_space<vmem>>) target(%dma_start3A_69 : memref<1024xf32, #tpu.memory_space<vmem_shared>>) offsets(%dma_start3A_67 : memref<128xi32, #tpu.memory_space<vmem>>) semaphore(%arg9 : memref<!tpu.dma_semaphore, #tpu.memory_space<semaphore_mem>>) {add = true}
      %dma_start3A_70 = arith.constant 7 : i32
      %dma_start3A_71 = arith.constant 896 : i32
      %dma_start3A_72 = tpu.memref_slice %arg5[%dma_start3A_71] : memref<6400xf32, #tpu.memory_space<vmem>> -> memref<128xf32, #tpu.memory_space<vmem>>
      %dma_start3A_73 = arith.constant 0 : i32
      %dma_start3A_74 = tpu.memref_slice %arg6[%dma_start3A_70, %dma_start3A_73] : memref<50x128xi32, #tpu.memory_space<vmem>> -> memref<1x128xi32, #tpu.memory_space<vmem>>
      %dma_start3A_75 = tpu.memref_squeeze %dma_start3A_74 : memref<1x128xi32, #tpu.memory_space<vmem>> -> memref<128xi32, #tpu.memory_space<vmem>>
      %dma_start3A_76 = arith.constant 0 : i32
      %dma_start3A_77 = tpu.memref_slice %arg8[%dma_start3A_76] : memref<1024xf32, #tpu.memory_space<vmem_shared>> -> memref<1024xf32, #tpu.memory_space<vmem_shared>>
      tpu.enqueue_indirect_dma source(%dma_start3A_72 : memref<128xf32, #tpu.memory_space<vmem>>) target(%dma_start3A_77 : memref<1024xf32, #tpu.memory_space<vmem_shared>>) offsets(%dma_start3A_75 : memref<128xi32, #tpu.memory_space<vmem>>) semaphore(%arg9 : memref<!tpu.dma_semaphore, #tpu.memory_space<semaphore_mem>>) {add = true}
      %dma_start3A_78 = arith.constant 8 : i32
      %dma_start3A_79 = arith.constant 1024 : i32
      %dma_start3A_80 = tpu.memref_slice %arg5[%dma_start3A_79] : memref<6400xf32, #tpu.memory_space<vmem>> -> memref<128xf32, #tpu.memory_space<vmem>>
      %dma_start3A_81 = arith.constant 0 : i32
      %dma_start3A_82 = tpu.memref_slice %arg6[%dma_start3A_78, %dma_start3A_81] : memref<50x128xi32, #tpu.memory_space<vmem>> -> memref<1x128xi32, #tpu.memory_space<vmem>>
      %dma_start3A_83 = tpu.memref_squeeze %dma_start3A_82 : memref<1x128xi32, #tpu.memory_space<vmem>> -> memref<128xi32, #tpu.memory_space<vmem>>
      %dma_start3A_84 = arith.constant 0 : i32
      %dma_start3A_85 = tpu.memref_slice %arg8[%dma_start3A_84] : memref<1024xf32, #tpu.memory_space<vmem_shared>> -> memref<1024xf32, #tpu.memory_space<vmem_shared>>
      tpu.enqueue_indirect_dma source(%dma_start3A_80 : memref<128xf32, #tpu.memory_space<vmem>>) target(%dma_start3A_85 : memref<1024xf32, #tpu.memory_space<vmem_shared>>) offsets(%dma_start3A_83 : memref<128xi32, #tpu.memory_space<vmem>>) semaphore(%arg9 : memref<!tpu.dma_semaphore, #tpu.memory_space<semaphore_mem>>) {add = true}
      %dma_start3A_86 = arith.constant 9 : i32
      %dma_start3A_87 = arith.constant 1152 : i32
      %dma_start3A_88 = tpu.memref_slice %arg5[%dma_start3A_87] : memref<6400xf32, #tpu.memory_space<vmem>> -> memref<128xf32, #tpu.memory_space<vmem>>
      %dma_start3A_89 = arith.constant 0 : i32
      %dma_start3A_90 = tpu.memref_slice %arg6[%dma_start3A_86, %dma_start3A_89] : memref<50x128xi32, #tpu.memory_space<vmem>> -> memref<1x128xi32, #tpu.memory_space<vmem>>
      %dma_start3A_91 = tpu.memref_squeeze %dma_start3A_90 : memref<1x128xi32, #tpu.memory_space<vmem>> -> memref<128xi32, #tpu.memory_space<vmem>>
      %dma_start3A_92 = arith.constant 0 : i32
      %dma_start3A_93 = tpu.memref_slice %arg8[%dma_start3A_92] : memref<1024xf32, #tpu.memory_space<vmem_shared>> -> memref<1024xf32, #tpu.memory_space<vmem_shared>>
      tpu.enqueue_indirect_dma source(%dma_start3A_88 : memref<128xf32, #tpu.memory_space<vmem>>) target(%dma_start3A_93 : memref<1024xf32, #tpu.memory_space<vmem_shared>>) offsets(%dma_start3A_91 : memref<128xi32, #tpu.memory_space<vmem>>) semaphore(%arg9 : memref<!tpu.dma_semaphore, #tpu.memory_space<semaphore_mem>>) {add = true}
      %dma_start3A_94 = arith.constant 10 : i32
      %dma_start3A_95 = arith.constant 1280 : i32
      %dma_start3A_96 = tpu.memref_slice %arg5[%dma_start3A_95] : memref<6400xf32, #tpu.memory_space<vmem>> -> memref<128xf32, #tpu.memory_space<vmem>>
      %dma_start3A_97 = arith.constant 0 : i32
      %dma_start3A_98 = tpu.memref_slice %arg6[%dma_start3A_94, %dma_start3A_97] : memref<50x128xi32, #tpu.memory_space<vmem>> -> memref<1x128xi32, #tpu.memory_space<vmem>>
      %dma_start3A_99 = tpu.memref_squeeze %dma_start3A_98 : memref<1x128xi32, #tpu.memory_space<vmem>> -> memref<128xi32, #tpu.memory_space<vmem>>
      %dma_start3A_100 = arith.constant 0 : i32
      %dma_start3A_101 = tpu.memref_slice %arg8[%dma_start3A_100] : memref<1024xf32, #tpu.memory_space<vmem_shared>> -> memref<1024xf32, #tpu.memory_space<vmem_shared>>
      tpu.enqueue_indirect_dma source(%dma_start3A_96 : memref<128xf32, #tpu.memory_space<vmem>>) target(%dma_start3A_101 : memref<1024xf32, #tpu.memory_space<vmem_shared>>) offsets(%dma_start3A_99 : memref<128xi32, #tpu.memory_space<vmem>>) semaphore(%arg9 : memref<!tpu.dma_semaphore, #tpu.memory_space<semaphore_mem>>) {add = true}
      %dma_start3A_102 = arith.constant 11 : i32
      %dma_start3A_103 = arith.constant 1408 : i32
      %dma_start3A_104 = tpu.memref_slice %arg5[%dma_start3A_103] : memref<6400xf32, #tpu.memory_space<vmem>> -> memref<128xf32, #tpu.memory_space<vmem>>
      %dma_start3A_105 = arith.constant 0 : i32
      %dma_start3A_106 = tpu.memref_slice %arg6[%dma_start3A_102, %dma_start3A_105] : memref<50x128xi32, #tpu.memory_space<vmem>> -> memref<1x128xi32, #tpu.memory_space<vmem>>
      %dma_start3A_107 = tpu.memref_squeeze %dma_start3A_106 : memref<1x128xi32, #tpu.memory_space<vmem>> -> memref<128xi32, #tpu.memory_space<vmem>>
      %dma_start3A_108 = arith.constant 0 : i32
      %dma_start3A_109 = tpu.memref_slice %arg8[%dma_start3A_108] : memref<1024xf32, #tpu.memory_space<vmem_shared>> -> memref<1024xf32, #tpu.memory_space<vmem_shared>>
      tpu.enqueue_indirect_dma source(%dma_start3A_104 : memref<128xf32, #tpu.memory_space<vmem>>) target(%dma_start3A_109 : memref<1024xf32, #tpu.memory_space<vmem_shared>>) offsets(%dma_start3A_107 : memref<128xi32, #tpu.memory_space<vmem>>) semaphore(%arg9 : memref<!tpu.dma_semaphore, #tpu.memory_space<semaphore_mem>>) {add = true}
      %dma_start3A_110 = arith.constant 12 : i32
      %dma_start3A_111 = arith.constant 1536 : i32
      %dma_start3A_112 = tpu.memref_slice %arg5[%dma_start3A_111] : memref<6400xf32, #tpu.memory_space<vmem>> -> memref<128xf32, #tpu.memory_space<vmem>>
      %dma_start3A_113 = arith.constant 0 : i32
      %dma_start3A_114 = tpu.memref_slice %arg6[%dma_start3A_110, %dma_start3A_113] : memref<50x128xi32, #tpu.memory_space<vmem>> -> memref<1x128xi32, #tpu.memory_space<vmem>>
      %dma_start3A_115 = tpu.memref_squeeze %dma_start3A_114 : memref<1x128xi32, #tpu.memory_space<vmem>> -> memref<128xi32, #tpu.memory_space<vmem>>
      %dma_start3A_116 = arith.constant 0 : i32
      %dma_start3A_117 = tpu.memref_slice %arg8[%dma_start3A_116] : memref<1024xf32, #tpu.memory_space<vmem_shared>> -> memref<1024xf32, #tpu.memory_space<vmem_shared>>
      tpu.enqueue_indirect_dma source(%dma_start3A_112 : memref<128xf32, #tpu.memory_space<vmem>>) target(%dma_start3A_117 : memref<1024xf32, #tpu.memory_space<vmem_shared>>) offsets(%dma_start3A_115 : memref<128xi32, #tpu.memory_space<vmem>>) semaphore(%arg9 : memref<!tpu.dma_semaphore, #tpu.memory_space<semaphore_mem>>) {add = true}
      %dma_start3A_118 = arith.constant 13 : i32
      %dma_start3A_119 = arith.constant 1664 : i32
      %dma_start3A_120 = tpu.memref_slice %arg5[%dma_start3A_119] : memref<6400xf32, #tpu.memory_space<vmem>> -> memref<128xf32, #tpu.memory_space<vmem>>
      %dma_start3A_121 = arith.constant 0 : i32
      %dma_start3A_122 = tpu.memref_slice %arg6[%dma_start3A_118, %dma_start3A_121] : memref<50x128xi32, #tpu.memory_space<vmem>> -> memref<1x128xi32, #tpu.memory_space<vmem>>
      %dma_start3A_123 = tpu.memref_squeeze %dma_start3A_122 : memref<1x128xi32, #tpu.memory_space<vmem>> -> memref<128xi32, #tpu.memory_space<vmem>>
      %dma_start3A_124 = arith.constant 0 : i32
      %dma_start3A_125 = tpu.memref_slice %arg8[%dma_start3A_124] : memref<1024xf32, #tpu.memory_space<vmem_shared>> -> memref<1024xf32, #tpu.memory_space<vmem_shared>>
      tpu.enqueue_indirect_dma source(%dma_start3A_120 : memref<128xf32, #tpu.memory_space<vmem>>) target(%dma_start3A_125 : memref<1024xf32, #tpu.memory_space<vmem_shared>>) offsets(%dma_start3A_123 : memref<128xi32, #tpu.memory_space<vmem>>) semaphore(%arg9 : memref<!tpu.dma_semaphore, #tpu.memory_space<semaphore_mem>>) {add = true}
      %dma_start3A_126 = arith.constant 14 : i32
      %dma_start3A_127 = arith.constant 1792 : i32
      %dma_start3A_128 = tpu.memref_slice %arg5[%dma_start3A_127] : memref<6400xf32, #tpu.memory_space<vmem>> -> memref<128xf32, #tpu.memory_space<vmem>>
      %dma_start3A_129 = arith.constant 0 : i32
      %dma_start3A_130 = tpu.memref_slice %arg6[%dma_start3A_126, %dma_start3A_129] : memref<50x128xi32, #tpu.memory_space<vmem>> -> memref<1x128xi32, #tpu.memory_space<vmem>>
      %dma_start3A_131 = tpu.memref_squeeze %dma_start3A_130 : memref<1x128xi32, #tpu.memory_space<vmem>> -> memref<128xi32, #tpu.memory_space<vmem>>
      %dma_start3A_132 = arith.constant 0 : i32
      %dma_start3A_133 = tpu.memref_slice %arg8[%dma_start3A_132] : memref<1024xf32, #tpu.memory_space<vmem_shared>> -> memref<1024xf32, #tpu.memory_space<vmem_shared>>
      tpu.enqueue_indirect_dma source(%dma_start3A_128 : memref<128xf32, #tpu.memory_space<vmem>>) target(%dma_start3A_133 : memref<1024xf32, #tpu.memory_space<vmem_shared>>) offsets(%dma_start3A_131 : memref<128xi32, #tpu.memory_space<vmem>>) semaphore(%arg9 : memref<!tpu.dma_semaphore, #tpu.memory_space<semaphore_mem>>) {add = true}
      %dma_start3A_134 = arith.constant 15 : i32
      %dma_start3A_135 = arith.constant 1920 : i32
      %dma_start3A_136 = tpu.memref_slice %arg5[%dma_start3A_135] : memref<6400xf32, #tpu.memory_space<vmem>> -> memref<128xf32, #tpu.memory_space<vmem>>
      %dma_start3A_137 = arith.constant 0 : i32
      %dma_start3A_138 = tpu.memref_slice %arg6[%dma_start3A_134, %dma_start3A_137] : memref<50x128xi32, #tpu.memory_space<vmem>> -> memref<1x128xi32, #tpu.memory_space<vmem>>
      %dma_start3A_139 = tpu.memref_squeeze %dma_start3A_138 : memref<1x128xi32, #tpu.memory_space<vmem>> -> memref<128xi32, #tpu.memory_space<vmem>>
      %dma_start3A_140 = arith.constant 0 : i32
      %dma_start3A_141 = tpu.memref_slice %arg8[%dma_start3A_140] : memref<1024xf32, #tpu.memory_space<vmem_shared>> -> memref<1024xf32, #tpu.memory_space<vmem_shared>>
      tpu.enqueue_indirect_dma source(%dma_start3A_136 : memref<128xf32, #tpu.memory_space<vmem>>) target(%dma_start3A_141 : memref<1024xf32, #tpu.memory_space<vmem_shared>>) offsets(%dma_start3A_139 : memref<128xi32, #tpu.memory_space<vmem>>) semaphore(%arg9 : memref<!tpu.dma_semaphore, #tpu.memory_space<semaphore_mem>>) {add = true}
      %dma_start3A_142 = arith.constant 16 : i32
      %dma_start3A_143 = arith.constant 2048 : i32
      %dma_start3A_144 = tpu.memref_slice %arg5[%dma_start3A_143] : memref<6400xf32, #tpu.memory_space<vmem>> -> memref<128xf32, #tpu.memory_space<vmem>>
      %dma_start3A_145 = arith.constant 0 : i32
      %dma_start3A_146 = tpu.memref_slice %arg6[%dma_start3A_142, %dma_start3A_145] : memref<50x128xi32, #tpu.memory_space<vmem>> -> memref<1x128xi32, #tpu.memory_space<vmem>>
      %dma_start3A_147 = tpu.memref_squeeze %dma_start3A_146 : memref<1x128xi32, #tpu.memory_space<vmem>> -> memref<128xi32, #tpu.memory_space<vmem>>
      %dma_start3A_148 = arith.constant 0 : i32
      %dma_start3A_149 = tpu.memref_slice %arg8[%dma_start3A_148] : memref<1024xf32, #tpu.memory_space<vmem_shared>> -> memref<1024xf32, #tpu.memory_space<vmem_shared>>
      tpu.enqueue_indirect_dma source(%dma_start3A_144 : memref<128xf32, #tpu.memory_space<vmem>>) target(%dma_start3A_149 : memref<1024xf32, #tpu.memory_space<vmem_shared>>) offsets(%dma_start3A_147 : memref<128xi32, #tpu.memory_space<vmem>>) semaphore(%arg9 : memref<!tpu.dma_semaphore, #tpu.memory_space<semaphore_mem>>) {add = true}
      %dma_start3A_150 = arith.constant 17 : i32
      %dma_start3A_151 = arith.constant 2176 : i32
      %dma_start3A_152 = tpu.memref_slice %arg5[%dma_start3A_151] : memref<6400xf32, #tpu.memory_space<vmem>> -> memref<128xf32, #tpu.memory_space<vmem>>
      %dma_start3A_153 = arith.constant 0 : i32
      %dma_start3A_154 = tpu.memref_slice %arg6[%dma_start3A_150, %dma_start3A_153] : memref<50x128xi32, #tpu.memory_space<vmem>> -> memref<1x128xi32, #tpu.memory_space<vmem>>
      %dma_start3A_155 = tpu.memref_squeeze %dma_start3A_154 : memref<1x128xi32, #tpu.memory_space<vmem>> -> memref<128xi32, #tpu.memory_space<vmem>>
      %dma_start3A_156 = arith.constant 0 : i32
      %dma_start3A_157 = tpu.memref_slice %arg8[%dma_start3A_156] : memref<1024xf32, #tpu.memory_space<vmem_shared>> -> memref<1024xf32, #tpu.memory_space<vmem_shared>>
      tpu.enqueue_indirect_dma source(%dma_start3A_152 : memref<128xf32, #tpu.memory_space<vmem>>) target(%dma_start3A_157 : memref<1024xf32, #tpu.memory_space<vmem_shared>>) offsets(%dma_start3A_155 : memref<128xi32, #tpu.memory_space<vmem>>) semaphore(%arg9 : memref<!tpu.dma_semaphore, #tpu.memory_space<semaphore_mem>>) {add = true}
      %dma_start3A_158 = arith.constant 18 : i32
      %dma_start3A_159 = arith.constant 2304 : i32
      %dma_start3A_160 = tpu.memref_slice %arg5[%dma_start3A_159] : memref<6400xf32, #tpu.memory_space<vmem>> -> memref<128xf32, #tpu.memory_space<vmem>>
      %dma_start3A_161 = arith.constant 0 : i32
      %dma_start3A_162 = tpu.memref_slice %arg6[%dma_start3A_158, %dma_start3A_161] : memref<50x128xi32, #tpu.memory_space<vmem>> -> memref<1x128xi32, #tpu.memory_space<vmem>>
      %dma_start3A_163 = tpu.memref_squeeze %dma_start3A_162 : memref<1x128xi32, #tpu.memory_space<vmem>> -> memref<128xi32, #tpu.memory_space<vmem>>
      %dma_start3A_164 = arith.constant 0 : i32
      %dma_start3A_165 = tpu.memref_slice %arg8[%dma_start3A_164] : memref<1024xf32, #tpu.memory_space<vmem_shared>> -> memref<1024xf32, #tpu.memory_space<vmem_shared>>
      tpu.enqueue_indirect_dma source(%dma_start3A_160 : memref<128xf32, #tpu.memory_space<vmem>>) target(%dma_start3A_165 : memref<1024xf32, #tpu.memory_space<vmem_shared>>) offsets(%dma_start3A_163 : memref<128xi32, #tpu.memory_space<vmem>>) semaphore(%arg9 : memref<!tpu.dma_semaphore, #tpu.memory_space<semaphore_mem>>) {add = true}
      %dma_start3A_166 = arith.constant 19 : i32
      %dma_start3A_167 = arith.constant 2432 : i32
      %dma_start3A_168 = tpu.memref_slice %arg5[%dma_start3A_167] : memref<6400xf32, #tpu.memory_space<vmem>> -> memref<128xf32, #tpu.memory_space<vmem>>
      %dma_start3A_169 = arith.constant 0 : i32
      %dma_start3A_170 = tpu.memref_slice %arg6[%dma_start3A_166, %dma_start3A_169] : memref<50x128xi32, #tpu.memory_space<vmem>> -> memref<1x128xi32, #tpu.memory_space<vmem>>
      %dma_start3A_171 = tpu.memref_squeeze %dma_start3A_170 : memref<1x128xi32, #tpu.memory_space<vmem>> -> memref<128xi32, #tpu.memory_space<vmem>>
      %dma_start3A_172 = arith.constant 0 : i32
      %dma_start3A_173 = tpu.memref_slice %arg8[%dma_start3A_172] : memref<1024xf32, #tpu.memory_space<vmem_shared>> -> memref<1024xf32, #tpu.memory_space<vmem_shared>>
      tpu.enqueue_indirect_dma source(%dma_start3A_168 : memref<128xf32, #tpu.memory_space<vmem>>) target(%dma_start3A_173 : memref<1024xf32, #tpu.memory_space<vmem_shared>>) offsets(%dma_start3A_171 : memref<128xi32, #tpu.memory_space<vmem>>) semaphore(%arg9 : memref<!tpu.dma_semaphore, #tpu.memory_space<semaphore_mem>>) {add = true}
      %dma_start3A_174 = arith.constant 20 : i32
      %dma_start3A_175 = arith.constant 2560 : i32
      %dma_start3A_176 = tpu.memref_slice %arg5[%dma_start3A_175] : memref<6400xf32, #tpu.memory_space<vmem>> -> memref<128xf32, #tpu.memory_space<vmem>>
      %dma_start3A_177 = arith.constant 0 : i32
      %dma_start3A_178 = tpu.memref_slice %arg6[%dma_start3A_174, %dma_start3A_177] : memref<50x128xi32, #tpu.memory_space<vmem>> -> memref<1x128xi32, #tpu.memory_space<vmem>>
      %dma_start3A_179 = tpu.memref_squeeze %dma_start3A_178 : memref<1x128xi32, #tpu.memory_space<vmem>> -> memref<128xi32, #tpu.memory_space<vmem>>
      %dma_start3A_180 = arith.constant 0 : i32
      %dma_start3A_181 = tpu.memref_slice %arg8[%dma_start3A_180] : memref<1024xf32, #tpu.memory_space<vmem_shared>> -> memref<1024xf32, #tpu.memory_space<vmem_shared>>
      tpu.enqueue_indirect_dma source(%dma_start3A_176 : memref<128xf32, #tpu.memory_space<vmem>>) target(%dma_start3A_181 : memref<1024xf32, #tpu.memory_space<vmem_shared>>) offsets(%dma_start3A_179 : memref<128xi32, #tpu.memory_space<vmem>>) semaphore(%arg9 : memref<!tpu.dma_semaphore, #tpu.memory_space<semaphore_mem>>) {add = true}
      %dma_start3A_182 = arith.constant 21 : i32
      %dma_start3A_183 = arith.constant 2688 : i32
      %dma_start3A_184 = tpu.memref_slice %arg5[%dma_start3A_183] : memref<6400xf32, #tpu.memory_space<vmem>> -> memref<128xf32, #tpu.memory_space<vmem>>
      %dma_start3A_185 = arith.constant 0 : i32
      %dma_start3A_186 = tpu.memref_slice %arg6[%dma_start3A_182, %dma_start3A_185] : memref<50x128xi32, #tpu.memory_space<vmem>> -> memref<1x128xi32, #tpu.memory_space<vmem>>
      %dma_start3A_187 = tpu.memref_squeeze %dma_start3A_186 : memref<1x128xi32, #tpu.memory_space<vmem>> -> memref<128xi32, #tpu.memory_space<vmem>>
      %dma_start3A_188 = arith.constant 0 : i32
      %dma_start3A_189 = tpu.memref_slice %arg8[%dma_start3A_188] : memref<1024xf32, #tpu.memory_space<vmem_shared>> -> memref<1024xf32, #tpu.memory_space<vmem_shared>>
      tpu.enqueue_indirect_dma source(%dma_start3A_184 : memref<128xf32, #tpu.memory_space<vmem>>) target(%dma_start3A_189 : memref<1024xf32, #tpu.memory_space<vmem_shared>>) offsets(%dma_start3A_187 : memref<128xi32, #tpu.memory_space<vmem>>) semaphore(%arg9 : memref<!tpu.dma_semaphore, #tpu.memory_space<semaphore_mem>>) {add = true}
      %dma_start3A_190 = arith.constant 22 : i32
      %dma_start3A_191 = arith.constant 2816 : i32
      %dma_start3A_192 = tpu.memref_slice %arg5[%dma_start3A_191] : memref<6400xf32, #tpu.memory_space<vmem>> -> memref<128xf32, #tpu.memory_space<vmem>>
      %dma_start3A_193 = arith.constant 0 : i32
      %dma_start3A_194 = tpu.memref_slice %arg6[%dma_start3A_190, %dma_start3A_193] : memref<50x128xi32, #tpu.memory_space<vmem>> -> memref<1x128xi32, #tpu.memory_space<vmem>>
      %dma_start3A_195 = tpu.memref_squeeze %dma_start3A_194 : memref<1x128xi32, #tpu.memory_space<vmem>> -> memref<128xi32, #tpu.memory_space<vmem>>
      %dma_start3A_196 = arith.constant 0 : i32
      %dma_start3A_197 = tpu.memref_slice %arg8[%dma_start3A_196] : memref<1024xf32, #tpu.memory_space<vmem_shared>> -> memref<1024xf32, #tpu.memory_space<vmem_shared>>
      tpu.enqueue_indirect_dma source(%dma_start3A_192 : memref<128xf32, #tpu.memory_space<vmem>>) target(%dma_start3A_197 : memref<1024xf32, #tpu.memory_space<vmem_shared>>) offsets(%dma_start3A_195 : memref<128xi32, #tpu.memory_space<vmem>>) semaphore(%arg9 : memref<!tpu.dma_semaphore, #tpu.memory_space<semaphore_mem>>) {add = true}
      %dma_start3A_198 = arith.constant 23 : i32
      %dma_start3A_199 = arith.constant 2944 : i32
      %dma_start3A_200 = tpu.memref_slice %arg5[%dma_start3A_199] : memref<6400xf32, #tpu.memory_space<vmem>> -> memref<128xf32, #tpu.memory_space<vmem>>
      %dma_start3A_201 = arith.constant 0 : i32
      %dma_start3A_202 = tpu.memref_slice %arg6[%dma_start3A_198, %dma_start3A_201] : memref<50x128xi32, #tpu.memory_space<vmem>> -> memref<1x128xi32, #tpu.memory_space<vmem>>
      %dma_start3A_203 = tpu.memref_squeeze %dma_start3A_202 : memref<1x128xi32, #tpu.memory_space<vmem>> -> memref<128xi32, #tpu.memory_space<vmem>>
      %dma_start3A_204 = arith.constant 0 : i32
      %dma_start3A_205 = tpu.memref_slice %arg8[%dma_start3A_204] : memref<1024xf32, #tpu.memory_space<vmem_shared>> -> memref<1024xf32, #tpu.memory_space<vmem_shared>>
      tpu.enqueue_indirect_dma source(%dma_start3A_200 : memref<128xf32, #tpu.memory_space<vmem>>) target(%dma_start3A_205 : memref<1024xf32, #tpu.memory_space<vmem_shared>>) offsets(%dma_start3A_203 : memref<128xi32, #tpu.memory_space<vmem>>) semaphore(%arg9 : memref<!tpu.dma_semaphore, #tpu.memory_space<semaphore_mem>>) {add = true}
      %dma_start3A_206 = arith.constant 24 : i32
      %dma_start3A_207 = arith.constant 3072 : i32
      %dma_start3A_208 = tpu.memref_slice %arg5[%dma_start3A_207] : memref<6400xf32, #tpu.memory_space<vmem>> -> memref<128xf32, #tpu.memory_space<vmem>>
      %dma_start3A_209 = arith.constant 0 : i32
      %dma_start3A_210 = tpu.memref_slice %arg6[%dma_start3A_206, %dma_start3A_209] : memref<50x128xi32, #tpu.memory_space<vmem>> -> memref<1x128xi32, #tpu.memory_space<vmem>>
      %dma_start3A_211 = tpu.memref_squeeze %dma_start3A_210 : memref<1x128xi32, #tpu.memory_space<vmem>> -> memref<128xi32, #tpu.memory_space<vmem>>
      %dma_start3A_212 = arith.constant 0 : i32
      %dma_start3A_213 = tpu.memref_slice %arg8[%dma_start3A_212] : memref<1024xf32, #tpu.memory_space<vmem_shared>> -> memref<1024xf32, #tpu.memory_space<vmem_shared>>
      tpu.enqueue_indirect_dma source(%dma_start3A_208 : memref<128xf32, #tpu.memory_space<vmem>>) target(%dma_start3A_213 : memref<1024xf32, #tpu.memory_space<vmem_shared>>) offsets(%dma_start3A_211 : memref<128xi32, #tpu.memory_space<vmem>>) semaphore(%arg9 : memref<!tpu.dma_semaphore, #tpu.memory_space<semaphore_mem>>) {add = true}
      %dma_start3A_214 = arith.constant 25 : i32
      %dma_start3A_215 = arith.constant 3200 : i32
      %dma_start3A_216 = tpu.memref_slice %arg5[%dma_start3A_215] : memref<6400xf32, #tpu.memory_space<vmem>> -> memref<128xf32, #tpu.memory_space<vmem>>
      %dma_start3A_217 = arith.constant 0 : i32
      %dma_start3A_218 = tpu.memref_slice %arg6[%dma_start3A_214, %dma_start3A_217] : memref<50x128xi32, #tpu.memory_space<vmem>> -> memref<1x128xi32, #tpu.memory_space<vmem>>
      %dma_start3A_219 = tpu.memref_squeeze %dma_start3A_218 : memref<1x128xi32, #tpu.memory_space<vmem>> -> memref<128xi32, #tpu.memory_space<vmem>>
      %dma_start3A_220 = arith.constant 0 : i32
      %dma_start3A_221 = tpu.memref_slice %arg8[%dma_start3A_220] : memref<1024xf32, #tpu.memory_space<vmem_shared>> -> memref<1024xf32, #tpu.memory_space<vmem_shared>>
      tpu.enqueue_indirect_dma source(%dma_start3A_216 : memref<128xf32, #tpu.memory_space<vmem>>) target(%dma_start3A_221 : memref<1024xf32, #tpu.memory_space<vmem_shared>>) offsets(%dma_start3A_219 : memref<128xi32, #tpu.memory_space<vmem>>) semaphore(%arg9 : memref<!tpu.dma_semaphore, #tpu.memory_space<semaphore_mem>>) {add = true}
      %dma_start3A_222 = arith.constant 26 : i32
      %dma_start3A_223 = arith.constant 3328 : i32
      %dma_start3A_224 = tpu.memref_slice %arg5[%dma_start3A_223] : memref<6400xf32, #tpu.memory_space<vmem>> -> memref<128xf32, #tpu.memory_space<vmem>>
      %dma_start3A_225 = arith.constant 0 : i32
      %dma_start3A_226 = tpu.memref_slice %arg6[%dma_start3A_222, %dma_start3A_225] : memref<50x128xi32, #tpu.memory_space<vmem>> -> memref<1x128xi32, #tpu.memory_space<vmem>>
      %dma_start3A_227 = tpu.memref_squeeze %dma_start3A_226 : memref<1x128xi32, #tpu.memory_space<vmem>> -> memref<128xi32, #tpu.memory_space<vmem>>
      %dma_start3A_228 = arith.constant 0 : i32
      %dma_start3A_229 = tpu.memref_slice %arg8[%dma_start3A_228] : memref<1024xf32, #tpu.memory_space<vmem_shared>> -> memref<1024xf32, #tpu.memory_space<vmem_shared>>
      tpu.enqueue_indirect_dma source(%dma_start3A_224 : memref<128xf32, #tpu.memory_space<vmem>>) target(%dma_start3A_229 : memref<1024xf32, #tpu.memory_space<vmem_shared>>) offsets(%dma_start3A_227 : memref<128xi32, #tpu.memory_space<vmem>>) semaphore(%arg9 : memref<!tpu.dma_semaphore, #tpu.memory_space<semaphore_mem>>) {add = true}
      %dma_start3A_230 = arith.constant 27 : i32
      %dma_start3A_231 = arith.constant 3456 : i32
      %dma_start3A_232 = tpu.memref_slice %arg5[%dma_start3A_231] : memref<6400xf32, #tpu.memory_space<vmem>> -> memref<128xf32, #tpu.memory_space<vmem>>
      %dma_start3A_233 = arith.constant 0 : i32
      %dma_start3A_234 = tpu.memref_slice %arg6[%dma_start3A_230, %dma_start3A_233] : memref<50x128xi32, #tpu.memory_space<vmem>> -> memref<1x128xi32, #tpu.memory_space<vmem>>
      %dma_start3A_235 = tpu.memref_squeeze %dma_start3A_234 : memref<1x128xi32, #tpu.memory_space<vmem>> -> memref<128xi32, #tpu.memory_space<vmem>>
      %dma_start3A_236 = arith.constant 0 : i32
      %dma_start3A_237 = tpu.memref_slice %arg8[%dma_start3A_236] : memref<1024xf32, #tpu.memory_space<vmem_shared>> -> memref<1024xf32, #tpu.memory_space<vmem_shared>>
      tpu.enqueue_indirect_dma source(%dma_start3A_232 : memref<128xf32, #tpu.memory_space<vmem>>) target(%dma_start3A_237 : memref<1024xf32, #tpu.memory_space<vmem_shared>>) offsets(%dma_start3A_235 : memref<128xi32, #tpu.memory_space<vmem>>) semaphore(%arg9 : memref<!tpu.dma_semaphore, #tpu.memory_space<semaphore_mem>>) {add = true}
      %dma_start3A_238 = arith.constant 28 : i32
      %dma_start3A_239 = arith.constant 3584 : i32
      %dma_start3A_240 = tpu.memref_slice %arg5[%dma_start3A_239] : memref<6400xf32, #tpu.memory_space<vmem>> -> memref<128xf32, #tpu.memory_space<vmem>>
      %dma_start3A_241 = arith.constant 0 : i32
      %dma_start3A_242 = tpu.memref_slice %arg6[%dma_start3A_238, %dma_start3A_241] : memref<50x128xi32, #tpu.memory_space<vmem>> -> memref<1x128xi32, #tpu.memory_space<vmem>>
      %dma_start3A_243 = tpu.memref_squeeze %dma_start3A_242 : memref<1x128xi32, #tpu.memory_space<vmem>> -> memref<128xi32, #tpu.memory_space<vmem>>
      %dma_start3A_244 = arith.constant 0 : i32
      %dma_start3A_245 = tpu.memref_slice %arg8[%dma_start3A_244] : memref<1024xf32, #tpu.memory_space<vmem_shared>> -> memref<1024xf32, #tpu.memory_space<vmem_shared>>
      tpu.enqueue_indirect_dma source(%dma_start3A_240 : memref<128xf32, #tpu.memory_space<vmem>>) target(%dma_start3A_245 : memref<1024xf32, #tpu.memory_space<vmem_shared>>) offsets(%dma_start3A_243 : memref<128xi32, #tpu.memory_space<vmem>>) semaphore(%arg9 : memref<!tpu.dma_semaphore, #tpu.memory_space<semaphore_mem>>) {add = true}
      %dma_start3A_246 = arith.constant 29 : i32
      %dma_start3A_247 = arith.constant 3712 : i32
      %dma_start3A_248 = tpu.memref_slice %arg5[%dma_start3A_247] : memref<6400xf32, #tpu.memory_space<vmem>> -> memref<128xf32, #tpu.memory_space<vmem>>
      %dma_start3A_249 = arith.constant 0 : i32
      %dma_start3A_250 = tpu.memref_slice %arg6[%dma_start3A_246, %dma_start3A_249] : memref<50x128xi32, #tpu.memory_space<vmem>> -> memref<1x128xi32, #tpu.memory_space<vmem>>
      %dma_start3A_251 = tpu.memref_squeeze %dma_start3A_250 : memref<1x128xi32, #tpu.memory_space<vmem>> -> memref<128xi32, #tpu.memory_space<vmem>>
      %dma_start3A_252 = arith.constant 0 : i32
      %dma_start3A_253 = tpu.memref_slice %arg8[%dma_start3A_252] : memref<1024xf32, #tpu.memory_space<vmem_shared>> -> memref<1024xf32, #tpu.memory_space<vmem_shared>>
      tpu.enqueue_indirect_dma source(%dma_start3A_248 : memref<128xf32, #tpu.memory_space<vmem>>) target(%dma_start3A_253 : memref<1024xf32, #tpu.memory_space<vmem_shared>>) offsets(%dma_start3A_251 : memref<128xi32, #tpu.memory_space<vmem>>) semaphore(%arg9 : memref<!tpu.dma_semaphore, #tpu.memory_space<semaphore_mem>>) {add = true}
      %dma_start3A_254 = arith.constant 30 : i32
      %dma_start3A_255 = arith.constant 3840 : i32
      %dma_start3A_256 = tpu.memref_slice %arg5[%dma_start3A_255] : memref<6400xf32, #tpu.memory_space<vmem>> -> memref<128xf32, #tpu.memory_space<vmem>>
      %dma_start3A_257 = arith.constant 0 : i32
      %dma_start3A_258 = tpu.memref_slice %arg6[%dma_start3A_254, %dma_start3A_257] : memref<50x128xi32, #tpu.memory_space<vmem>> -> memref<1x128xi32, #tpu.memory_space<vmem>>
      %dma_start3A_259 = tpu.memref_squeeze %dma_start3A_258 : memref<1x128xi32, #tpu.memory_space<vmem>> -> memref<128xi32, #tpu.memory_space<vmem>>
      %dma_start3A_260 = arith.constant 0 : i32
      %dma_start3A_261 = tpu.memref_slice %arg8[%dma_start3A_260] : memref<1024xf32, #tpu.memory_space<vmem_shared>> -> memref<1024xf32, #tpu.memory_space<vmem_shared>>
      tpu.enqueue_indirect_dma source(%dma_start3A_256 : memref<128xf32, #tpu.memory_space<vmem>>) target(%dma_start3A_261 : memref<1024xf32, #tpu.memory_space<vmem_shared>>) offsets(%dma_start3A_259 : memref<128xi32, #tpu.memory_space<vmem>>) semaphore(%arg9 : memref<!tpu.dma_semaphore, #tpu.memory_space<semaphore_mem>>) {add = true}
      %dma_start3A_262 = arith.constant 31 : i32
      %dma_start3A_263 = arith.constant 3968 : i32
      %dma_start3A_264 = tpu.memref_slice %arg5[%dma_start3A_263] : memref<6400xf32, #tpu.memory_space<vmem>> -> memref<128xf32, #tpu.memory_space<vmem>>
      %dma_start3A_265 = arith.constant 0 : i32
      %dma_start3A_266 = tpu.memref_slice %arg6[%dma_start3A_262, %dma_start3A_265] : memref<50x128xi32, #tpu.memory_space<vmem>> -> memref<1x128xi32, #tpu.memory_space<vmem>>
      %dma_start3A_267 = tpu.memref_squeeze %dma_start3A_266 : memref<1x128xi32, #tpu.memory_space<vmem>> -> memref<128xi32, #tpu.memory_space<vmem>>
      %dma_start3A_268 = arith.constant 0 : i32
      %dma_start3A_269 = tpu.memref_slice %arg8[%dma_start3A_268] : memref<1024xf32, #tpu.memory_space<vmem_shared>> -> memref<1024xf32, #tpu.memory_space<vmem_shared>>
      tpu.enqueue_indirect_dma source(%dma_start3A_264 : memref<128xf32, #tpu.memory_space<vmem>>) target(%dma_start3A_269 : memref<1024xf32, #tpu.memory_space<vmem_shared>>) offsets(%dma_start3A_267 : memref<128xi32, #tpu.memory_space<vmem>>) semaphore(%arg9 : memref<!tpu.dma_semaphore, #tpu.memory_space<semaphore_mem>>) {add = true}
      %dma_start3A_270 = arith.constant 32 : i32
      %dma_start3A_271 = arith.constant 4096 : i32
      %dma_start3A_272 = tpu.memref_slice %arg5[%dma_start3A_271] : memref<6400xf32, #tpu.memory_space<vmem>> -> memref<128xf32, #tpu.memory_space<vmem>>
      %dma_start3A_273 = arith.constant 0 : i32
      %dma_start3A_274 = tpu.memref_slice %arg6[%dma_start3A_270, %dma_start3A_273] : memref<50x128xi32, #tpu.memory_space<vmem>> -> memref<1x128xi32, #tpu.memory_space<vmem>>
      %dma_start3A_275 = tpu.memref_squeeze %dma_start3A_274 : memref<1x128xi32, #tpu.memory_space<vmem>> -> memref<128xi32, #tpu.memory_space<vmem>>
      %dma_start3A_276 = arith.constant 0 : i32
      %dma_start3A_277 = tpu.memref_slice %arg8[%dma_start3A_276] : memref<1024xf32, #tpu.memory_space<vmem_shared>> -> memref<1024xf32, #tpu.memory_space<vmem_shared>>
      tpu.enqueue_indirect_dma source(%dma_start3A_272 : memref<128xf32, #tpu.memory_space<vmem>>) target(%dma_start3A_277 : memref<1024xf32, #tpu.memory_space<vmem_shared>>) offsets(%dma_start3A_275 : memref<128xi32, #tpu.memory_space<vmem>>) semaphore(%arg9 : memref<!tpu.dma_semaphore, #tpu.memory_space<semaphore_mem>>) {add = true}
      %dma_start3A_278 = arith.constant 33 : i32
      %dma_start3A_279 = arith.constant 4224 : i32
      %dma_start3A_280 = tpu.memref_slice %arg5[%dma_start3A_279] : memref<6400xf32, #tpu.memory_space<vmem>> -> memref<128xf32, #tpu.memory_space<vmem>>
      %dma_start3A_281 = arith.constant 0 : i32
      %dma_start3A_282 = tpu.memref_slice %arg6[%dma_start3A_278, %dma_start3A_281] : memref<50x128xi32, #tpu.memory_space<vmem>> -> memref<1x128xi32, #tpu.memory_space<vmem>>
      %dma_start3A_283 = tpu.memref_squeeze %dma_start3A_282 : memref<1x128xi32, #tpu.memory_space<vmem>> -> memref<128xi32, #tpu.memory_space<vmem>>
      %dma_start3A_284 = arith.constant 0 : i32
      %dma_start3A_285 = tpu.memref_slice %arg8[%dma_start3A_284] : memref<1024xf32, #tpu.memory_space<vmem_shared>> -> memref<1024xf32, #tpu.memory_space<vmem_shared>>
      tpu.enqueue_indirect_dma source(%dma_start3A_280 : memref<128xf32, #tpu.memory_space<vmem>>) target(%dma_start3A_285 : memref<1024xf32, #tpu.memory_space<vmem_shared>>) offsets(%dma_start3A_283 : memref<128xi32, #tpu.memory_space<vmem>>) semaphore(%arg9 : memref<!tpu.dma_semaphore, #tpu.memory_space<semaphore_mem>>) {add = true}
      %dma_start3A_286 = arith.constant 34 : i32
      %dma_start3A_287 = arith.constant 4352 : i32
      %dma_start3A_288 = tpu.memref_slice %arg5[%dma_start3A_287] : memref<6400xf32, #tpu.memory_space<vmem>> -> memref<128xf32, #tpu.memory_space<vmem>>
      %dma_start3A_289 = arith.constant 0 : i32
      %dma_start3A_290 = tpu.memref_slice %arg6[%dma_start3A_286, %dma_start3A_289] : memref<50x128xi32, #tpu.memory_space<vmem>> -> memref<1x128xi32, #tpu.memory_space<vmem>>
      %dma_start3A_291 = tpu.memref_squeeze %dma_start3A_290 : memref<1x128xi32, #tpu.memory_space<vmem>> -> memref<128xi32, #tpu.memory_space<vmem>>
      %dma_start3A_292 = arith.constant 0 : i32
      %dma_start3A_293 = tpu.memref_slice %arg8[%dma_start3A_292] : memref<1024xf32, #tpu.memory_space<vmem_shared>> -> memref<1024xf32, #tpu.memory_space<vmem_shared>>
      tpu.enqueue_indirect_dma source(%dma_start3A_288 : memref<128xf32, #tpu.memory_space<vmem>>) target(%dma_start3A_293 : memref<1024xf32, #tpu.memory_space<vmem_shared>>) offsets(%dma_start3A_291 : memref<128xi32, #tpu.memory_space<vmem>>) semaphore(%arg9 : memref<!tpu.dma_semaphore, #tpu.memory_space<semaphore_mem>>) {add = true}
      %dma_start3A_294 = arith.constant 35 : i32
      %dma_start3A_295 = arith.constant 4480 : i32
      %dma_start3A_296 = tpu.memref_slice %arg5[%dma_start3A_295] : memref<6400xf32, #tpu.memory_space<vmem>> -> memref<128xf32, #tpu.memory_space<vmem>>
      %dma_start3A_297 = arith.constant 0 : i32
      %dma_start3A_298 = tpu.memref_slice %arg6[%dma_start3A_294, %dma_start3A_297] : memref<50x128xi32, #tpu.memory_space<vmem>> -> memref<1x128xi32, #tpu.memory_space<vmem>>
      %dma_start3A_299 = tpu.memref_squeeze %dma_start3A_298 : memref<1x128xi32, #tpu.memory_space<vmem>> -> memref<128xi32, #tpu.memory_space<vmem>>
      %dma_start3A_300 = arith.constant 0 : i32
      %dma_start3A_301 = tpu.memref_slice %arg8[%dma_start3A_300] : memref<1024xf32, #tpu.memory_space<vmem_shared>> -> memref<1024xf32, #tpu.memory_space<vmem_shared>>
      tpu.enqueue_indirect_dma source(%dma_start3A_296 : memref<128xf32, #tpu.memory_space<vmem>>) target(%dma_start3A_301 : memref<1024xf32, #tpu.memory_space<vmem_shared>>) offsets(%dma_start3A_299 : memref<128xi32, #tpu.memory_space<vmem>>) semaphore(%arg9 : memref<!tpu.dma_semaphore, #tpu.memory_space<semaphore_mem>>) {add = true}
      %dma_start3A_302 = arith.constant 36 : i32
      %dma_start3A_303 = arith.constant 4608 : i32
      %dma_start3A_304 = tpu.memref_slice %arg5[%dma_start3A_303] : memref<6400xf32, #tpu.memory_space<vmem>> -> memref<128xf32, #tpu.memory_space<vmem>>
      %dma_start3A_305 = arith.constant 0 : i32
      %dma_start3A_306 = tpu.memref_slice %arg6[%dma_start3A_302, %dma_start3A_305] : memref<50x128xi32, #tpu.memory_space<vmem>> -> memref<1x128xi32, #tpu.memory_space<vmem>>
      %dma_start3A_307 = tpu.memref_squeeze %dma_start3A_306 : memref<1x128xi32, #tpu.memory_space<vmem>> -> memref<128xi32, #tpu.memory_space<vmem>>
      %dma_start3A_308 = arith.constant 0 : i32
      %dma_start3A_309 = tpu.memref_slice %arg8[%dma_start3A_308] : memref<1024xf32, #tpu.memory_space<vmem_shared>> -> memref<1024xf32, #tpu.memory_space<vmem_shared>>
      tpu.enqueue_indirect_dma source(%dma_start3A_304 : memref<128xf32, #tpu.memory_space<vmem>>) target(%dma_start3A_309 : memref<1024xf32, #tpu.memory_space<vmem_shared>>) offsets(%dma_start3A_307 : memref<128xi32, #tpu.memory_space<vmem>>) semaphore(%arg9 : memref<!tpu.dma_semaphore, #tpu.memory_space<semaphore_mem>>) {add = true}
      %dma_start3A_310 = arith.constant 37 : i32
      %dma_start3A_311 = arith.constant 4736 : i32
      %dma_start3A_312 = tpu.memref_slice %arg5[%dma_start3A_311] : memref<6400xf32, #tpu.memory_space<vmem>> -> memref<128xf32, #tpu.memory_space<vmem>>
      %dma_start3A_313 = arith.constant 0 : i32
      %dma_start3A_314 = tpu.memref_slice %arg6[%dma_start3A_310, %dma_start3A_313] : memref<50x128xi32, #tpu.memory_space<vmem>> -> memref<1x128xi32, #tpu.memory_space<vmem>>
      %dma_start3A_315 = tpu.memref_squeeze %dma_start3A_314 : memref<1x128xi32, #tpu.memory_space<vmem>> -> memref<128xi32, #tpu.memory_space<vmem>>
      %dma_start3A_316 = arith.constant 0 : i32
      %dma_start3A_317 = tpu.memref_slice %arg8[%dma_start3A_316] : memref<1024xf32, #tpu.memory_space<vmem_shared>> -> memref<1024xf32, #tpu.memory_space<vmem_shared>>
      tpu.enqueue_indirect_dma source(%dma_start3A_312 : memref<128xf32, #tpu.memory_space<vmem>>) target(%dma_start3A_317 : memref<1024xf32, #tpu.memory_space<vmem_shared>>) offsets(%dma_start3A_315 : memref<128xi32, #tpu.memory_space<vmem>>) semaphore(%arg9 : memref<!tpu.dma_semaphore, #tpu.memory_space<semaphore_mem>>) {add = true}
      %dma_start3A_318 = arith.constant 38 : i32
      %dma_start3A_319 = arith.constant 4864 : i32
      %dma_start3A_320 = tpu.memref_slice %arg5[%dma_start3A_319] : memref<6400xf32, #tpu.memory_space<vmem>> -> memref<128xf32, #tpu.memory_space<vmem>>
      %dma_start3A_321 = arith.constant 0 : i32
      %dma_start3A_322 = tpu.memref_slice %arg6[%dma_start3A_318, %dma_start3A_321] : memref<50x128xi32, #tpu.memory_space<vmem>> -> memref<1x128xi32, #tpu.memory_space<vmem>>
      %dma_start3A_323 = tpu.memref_squeeze %dma_start3A_322 : memref<1x128xi32, #tpu.memory_space<vmem>> -> memref<128xi32, #tpu.memory_space<vmem>>
      %dma_start3A_324 = arith.constant 0 : i32
      %dma_start3A_325 = tpu.memref_slice %arg8[%dma_start3A_324] : memref<1024xf32, #tpu.memory_space<vmem_shared>> -> memref<1024xf32, #tpu.memory_space<vmem_shared>>
      tpu.enqueue_indirect_dma source(%dma_start3A_320 : memref<128xf32, #tpu.memory_space<vmem>>) target(%dma_start3A_325 : memref<1024xf32, #tpu.memory_space<vmem_shared>>) offsets(%dma_start3A_323 : memref<128xi32, #tpu.memory_space<vmem>>) semaphore(%arg9 : memref<!tpu.dma_semaphore, #tpu.memory_space<semaphore_mem>>) {add = true}
      %dma_start3A_326 = arith.constant 39 : i32
      %dma_start3A_327 = arith.constant 4992 : i32
      %dma_start3A_328 = tpu.memref_slice %arg5[%dma_start3A_327] : memref<6400xf32, #tpu.memory_space<vmem>> -> memref<128xf32, #tpu.memory_space<vmem>>
      %dma_start3A_329 = arith.constant 0 : i32
      %dma_start3A_330 = tpu.memref_slice %arg6[%dma_start3A_326, %dma_start3A_329] : memref<50x128xi32, #tpu.memory_space<vmem>> -> memref<1x128xi32, #tpu.memory_space<vmem>>
      %dma_start3A_331 = tpu.memref_squeeze %dma_start3A_330 : memref<1x128xi32, #tpu.memory_space<vmem>> -> memref<128xi32, #tpu.memory_space<vmem>>
      %dma_start3A_332 = arith.constant 0 : i32
      %dma_start3A_333 = tpu.memref_slice %arg8[%dma_start3A_332] : memref<1024xf32, #tpu.memory_space<vmem_shared>> -> memref<1024xf32, #tpu.memory_space<vmem_shared>>
      tpu.enqueue_indirect_dma source(%dma_start3A_328 : memref<128xf32, #tpu.memory_space<vmem>>) target(%dma_start3A_333 : memref<1024xf32, #tpu.memory_space<vmem_shared>>) offsets(%dma_start3A_331 : memref<128xi32, #tpu.memory_space<vmem>>) semaphore(%arg9 : memref<!tpu.dma_semaphore, #tpu.memory_space<semaphore_mem>>) {add = true}
      %dma_start3A_334 = arith.constant 40 : i32
      %dma_start3A_335 = arith.constant 5120 : i32
      %dma_start3A_336 = tpu.memref_slice %arg5[%dma_start3A_335] : memref<6400xf32, #tpu.memory_space<vmem>> -> memref<128xf32, #tpu.memory_space<vmem>>
      %dma_start3A_337 = arith.constant 0 : i32
      %dma_start3A_338 = tpu.memref_slice %arg6[%dma_start3A_334, %dma_start3A_337] : memref<50x128xi32, #tpu.memory_space<vmem>> -> memref<1x128xi32, #tpu.memory_space<vmem>>
      %dma_start3A_339 = tpu.memref_squeeze %dma_start3A_338 : memref<1x128xi32, #tpu.memory_space<vmem>> -> memref<128xi32, #tpu.memory_space<vmem>>
      %dma_start3A_340 = arith.constant 0 : i32
      %dma_start3A_341 = tpu.memref_slice %arg8[%dma_start3A_340] : memref<1024xf32, #tpu.memory_space<vmem_shared>> -> memref<1024xf32, #tpu.memory_space<vmem_shared>>
      tpu.enqueue_indirect_dma source(%dma_start3A_336 : memref<128xf32, #tpu.memory_space<vmem>>) target(%dma_start3A_341 : memref<1024xf32, #tpu.memory_space<vmem_shared>>) offsets(%dma_start3A_339 : memref<128xi32, #tpu.memory_space<vmem>>) semaphore(%arg9 : memref<!tpu.dma_semaphore, #tpu.memory_space<semaphore_mem>>) {add = true}
      %dma_start3A_342 = arith.constant 41 : i32
      %dma_start3A_343 = arith.constant 5248 : i32
      %dma_start3A_344 = tpu.memref_slice %arg5[%dma_start3A_343] : memref<6400xf32, #tpu.memory_space<vmem>> -> memref<128xf32, #tpu.memory_space<vmem>>
      %dma_start3A_345 = arith.constant 0 : i32
      %dma_start3A_346 = tpu.memref_slice %arg6[%dma_start3A_342, %dma_start3A_345] : memref<50x128xi32, #tpu.memory_space<vmem>> -> memref<1x128xi32, #tpu.memory_space<vmem>>
      %dma_start3A_347 = tpu.memref_squeeze %dma_start3A_346 : memref<1x128xi32, #tpu.memory_space<vmem>> -> memref<128xi32, #tpu.memory_space<vmem>>
      %dma_start3A_348 = arith.constant 0 : i32
      %dma_start3A_349 = tpu.memref_slice %arg8[%dma_start3A_348] : memref<1024xf32, #tpu.memory_space<vmem_shared>> -> memref<1024xf32, #tpu.memory_space<vmem_shared>>
      tpu.enqueue_indirect_dma source(%dma_start3A_344 : memref<128xf32, #tpu.memory_space<vmem>>) target(%dma_start3A_349 : memref<1024xf32, #tpu.memory_space<vmem_shared>>) offsets(%dma_start3A_347 : memref<128xi32, #tpu.memory_space<vmem>>) semaphore(%arg9 : memref<!tpu.dma_semaphore, #tpu.memory_space<semaphore_mem>>) {add = true}
      %dma_start3A_350 = arith.constant 42 : i32
      %dma_start3A_351 = arith.constant 5376 : i32
      %dma_start3A_352 = tpu.memref_slice %arg5[%dma_start3A_351] : memref<6400xf32, #tpu.memory_space<vmem>> -> memref<128xf32, #tpu.memory_space<vmem>>
      %dma_start3A_353 = arith.constant 0 : i32
      %dma_start3A_354 = tpu.memref_slice %arg6[%dma_start3A_350, %dma_start3A_353] : memref<50x128xi32, #tpu.memory_space<vmem>> -> memref<1x128xi32, #tpu.memory_space<vmem>>
      %dma_start3A_355 = tpu.memref_squeeze %dma_start3A_354 : memref<1x128xi32, #tpu.memory_space<vmem>> -> memref<128xi32, #tpu.memory_space<vmem>>
      %dma_start3A_356 = arith.constant 0 : i32
      %dma_start3A_357 = tpu.memref_slice %arg8[%dma_start3A_356] : memref<1024xf32, #tpu.memory_space<vmem_shared>> -> memref<1024xf32, #tpu.memory_space<vmem_shared>>
      tpu.enqueue_indirect_dma source(%dma_start3A_352 : memref<128xf32, #tpu.memory_space<vmem>>) target(%dma_start3A_357 : memref<1024xf32, #tpu.memory_space<vmem_shared>>) offsets(%dma_start3A_355 : memref<128xi32, #tpu.memory_space<vmem>>) semaphore(%arg9 : memref<!tpu.dma_semaphore, #tpu.memory_space<semaphore_mem>>) {add = true}
      %dma_start3A_358 = arith.constant 43 : i32
      %dma_start3A_359 = arith.constant 5504 : i32
      %dma_start3A_360 = tpu.memref_slice %arg5[%dma_start3A_359] : memref<6400xf32, #tpu.memory_space<vmem>> -> memref<128xf32, #tpu.memory_space<vmem>>
      %dma_start3A_361 = arith.constant 0 : i32
      %dma_start3A_362 = tpu.memref_slice %arg6[%dma_start3A_358, %dma_start3A_361] : memref<50x128xi32, #tpu.memory_space<vmem>> -> memref<1x128xi32, #tpu.memory_space<vmem>>
      %dma_start3A_363 = tpu.memref_squeeze %dma_start3A_362 : memref<1x128xi32, #tpu.memory_space<vmem>> -> memref<128xi32, #tpu.memory_space<vmem>>
      %dma_start3A_364 = arith.constant 0 : i32
      %dma_start3A_365 = tpu.memref_slice %arg8[%dma_start3A_364] : memref<1024xf32, #tpu.memory_space<vmem_shared>> -> memref<1024xf32, #tpu.memory_space<vmem_shared>>
      tpu.enqueue_indirect_dma source(%dma_start3A_360 : memref<128xf32, #tpu.memory_space<vmem>>) target(%dma_start3A_365 : memref<1024xf32, #tpu.memory_space<vmem_shared>>) offsets(%dma_start3A_363 : memref<128xi32, #tpu.memory_space<vmem>>) semaphore(%arg9 : memref<!tpu.dma_semaphore, #tpu.memory_space<semaphore_mem>>) {add = true}
      %dma_start3A_366 = arith.constant 44 : i32
      %dma_start3A_367 = arith.constant 5632 : i32
      %dma_start3A_368 = tpu.memref_slice %arg5[%dma_start3A_367] : memref<6400xf32, #tpu.memory_space<vmem>> -> memref<128xf32, #tpu.memory_space<vmem>>
      %dma_start3A_369 = arith.constant 0 : i32
      %dma_start3A_370 = tpu.memref_slice %arg6[%dma_start3A_366, %dma_start3A_369] : memref<50x128xi32, #tpu.memory_space<vmem>> -> memref<1x128xi32, #tpu.memory_space<vmem>>
      %dma_start3A_371 = tpu.memref_squeeze %dma_start3A_370 : memref<1x128xi32, #tpu.memory_space<vmem>> -> memref<128xi32, #tpu.memory_space<vmem>>
      %dma_start3A_372 = arith.constant 0 : i32
      %dma_start3A_373 = tpu.memref_slice %arg8[%dma_start3A_372] : memref<1024xf32, #tpu.memory_space<vmem_shared>> -> memref<1024xf32, #tpu.memory_space<vmem_shared>>
      tpu.enqueue_indirect_dma source(%dma_start3A_368 : memref<128xf32, #tpu.memory_space<vmem>>) target(%dma_start3A_373 : memref<1024xf32, #tpu.memory_space<vmem_shared>>) offsets(%dma_start3A_371 : memref<128xi32, #tpu.memory_space<vmem>>) semaphore(%arg9 : memref<!tpu.dma_semaphore, #tpu.memory_space<semaphore_mem>>) {add = true}
      %dma_start3A_374 = arith.constant 45 : i32
      %dma_start3A_375 = arith.constant 5760 : i32
      %dma_start3A_376 = tpu.memref_slice %arg5[%dma_start3A_375] : memref<6400xf32, #tpu.memory_space<vmem>> -> memref<128xf32, #tpu.memory_space<vmem>>
      %dma_start3A_377 = arith.constant 0 : i32
      %dma_start3A_378 = tpu.memref_slice %arg6[%dma_start3A_374, %dma_start3A_377] : memref<50x128xi32, #tpu.memory_space<vmem>> -> memref<1x128xi32, #tpu.memory_space<vmem>>
      %dma_start3A_379 = tpu.memref_squeeze %dma_start3A_378 : memref<1x128xi32, #tpu.memory_space<vmem>> -> memref<128xi32, #tpu.memory_space<vmem>>
      %dma_start3A_380 = arith.constant 0 : i32
      %dma_start3A_381 = tpu.memref_slice %arg8[%dma_start3A_380] : memref<1024xf32, #tpu.memory_space<vmem_shared>> -> memref<1024xf32, #tpu.memory_space<vmem_shared>>
      tpu.enqueue_indirect_dma source(%dma_start3A_376 : memref<128xf32, #tpu.memory_space<vmem>>) target(%dma_start3A_381 : memref<1024xf32, #tpu.memory_space<vmem_shared>>) offsets(%dma_start3A_379 : memref<128xi32, #tpu.memory_space<vmem>>) semaphore(%arg9 : memref<!tpu.dma_semaphore, #tpu.memory_space<semaphore_mem>>) {add = true}
      %dma_start3A_382 = arith.constant 46 : i32
      %dma_start3A_383 = arith.constant 5888 : i32
      %dma_start3A_384 = tpu.memref_slice %arg5[%dma_start3A_383] : memref<6400xf32, #tpu.memory_space<vmem>> -> memref<128xf32, #tpu.memory_space<vmem>>
      %dma_start3A_385 = arith.constant 0 : i32
      %dma_start3A_386 = tpu.memref_slice %arg6[%dma_start3A_382, %dma_start3A_385] : memref<50x128xi32, #tpu.memory_space<vmem>> -> memref<1x128xi32, #tpu.memory_space<vmem>>
      %dma_start3A_387 = tpu.memref_squeeze %dma_start3A_386 : memref<1x128xi32, #tpu.memory_space<vmem>> -> memref<128xi32, #tpu.memory_space<vmem>>
      %dma_start3A_388 = arith.constant 0 : i32
      %dma_start3A_389 = tpu.memref_slice %arg8[%dma_start3A_388] : memref<1024xf32, #tpu.memory_space<vmem_shared>> -> memref<1024xf32, #tpu.memory_space<vmem_shared>>
      tpu.enqueue_indirect_dma source(%dma_start3A_384 : memref<128xf32, #tpu.memory_space<vmem>>) target(%dma_start3A_389 : memref<1024xf32, #tpu.memory_space<vmem_shared>>) offsets(%dma_start3A_387 : memref<128xi32, #tpu.memory_space<vmem>>) semaphore(%arg9 : memref<!tpu.dma_semaphore, #tpu.memory_space<semaphore_mem>>) {add = true}
      %dma_start3A_390 = arith.constant 47 : i32
      %dma_start3A_391 = arith.constant 6016 : i32
      %dma_start3A_392 = tpu.memref_slice %arg5[%dma_start3A_391] : memref<6400xf32, #tpu.memory_space<vmem>> -> memref<128xf32, #tpu.memory_space<vmem>>
      %dma_start3A_393 = arith.constant 0 : i32
      %dma_start3A_394 = tpu.memref_slice %arg6[%dma_start3A_390, %dma_start3A_393] : memref<50x128xi32, #tpu.memory_space<vmem>> -> memref<1x128xi32, #tpu.memory_space<vmem>>
      %dma_start3A_395 = tpu.memref_squeeze %dma_start3A_394 : memref<1x128xi32, #tpu.memory_space<vmem>> -> memref<128xi32, #tpu.memory_space<vmem>>
      %dma_start3A_396 = arith.constant 0 : i32
      %dma_start3A_397 = tpu.memref_slice %arg8[%dma_start3A_396] : memref<1024xf32, #tpu.memory_space<vmem_shared>> -> memref<1024xf32, #tpu.memory_space<vmem_shared>>
      tpu.enqueue_indirect_dma source(%dma_start3A_392 : memref<128xf32, #tpu.memory_space<vmem>>) target(%dma_start3A_397 : memref<1024xf32, #tpu.memory_space<vmem_shared>>) offsets(%dma_start3A_395 : memref<128xi32, #tpu.memory_space<vmem>>) semaphore(%arg9 : memref<!tpu.dma_semaphore, #tpu.memory_space<semaphore_mem>>) {add = true}
      %dma_start3A_398 = arith.constant 48 : i32
      %dma_start3A_399 = arith.constant 6144 : i32
      %dma_start3A_400 = tpu.memref_slice %arg5[%dma_start3A_399] : memref<6400xf32, #tpu.memory_space<vmem>> -> memref<128xf32, #tpu.memory_space<vmem>>
      %dma_start3A_401 = arith.constant 0 : i32
      %dma_start3A_402 = tpu.memref_slice %arg6[%dma_start3A_398, %dma_start3A_401] : memref<50x128xi32, #tpu.memory_space<vmem>> -> memref<1x128xi32, #tpu.memory_space<vmem>>
      %dma_start3A_403 = tpu.memref_squeeze %dma_start3A_402 : memref<1x128xi32, #tpu.memory_space<vmem>> -> memref<128xi32, #tpu.memory_space<vmem>>
      %dma_start3A_404 = arith.constant 0 : i32
      %dma_start3A_405 = tpu.memref_slice %arg8[%dma_start3A_404] : memref<1024xf32, #tpu.memory_space<vmem_shared>> -> memref<1024xf32, #tpu.memory_space<vmem_shared>>
      tpu.enqueue_indirect_dma source(%dma_start3A_400 : memref<128xf32, #tpu.memory_space<vmem>>) target(%dma_start3A_405 : memref<1024xf32, #tpu.memory_space<vmem_shared>>) offsets(%dma_start3A_403 : memref<128xi32, #tpu.memory_space<vmem>>) semaphore(%arg9 : memref<!tpu.dma_semaphore, #tpu.memory_space<semaphore_mem>>) {add = true}
      %dma_start3A_406 = arith.constant 49 : i32
      %dma_start3A_407 = arith.constant 6272 : i32
      %dma_start3A_408 = tpu.memref_slice %arg5[%dma_start3A_407] : memref<6400xf32, #tpu.memory_space<vmem>> -> memref<128xf32, #tpu.memory_space<vmem>>
      %dma_start3A_409 = arith.constant 0 : i32
      %dma_start3A_410 = tpu.memref_slice %arg6[%dma_start3A_406, %dma_start3A_409] : memref<50x128xi32, #tpu.memory_space<vmem>> -> memref<1x128xi32, #tpu.memory_space<vmem>>
      %dma_start3A_411 = tpu.memref_squeeze %dma_start3A_410 : memref<1x128xi32, #tpu.memory_space<vmem>> -> memref<128xi32, #tpu.memory_space<vmem>>
      %dma_start3A_412 = arith.constant 0 : i32
      %dma_start3A_413 = tpu.memref_slice %arg8[%dma_start3A_412] : memref<1024xf32, #tpu.memory_space<vmem_shared>> -> memref<1024xf32, #tpu.memory_space<vmem_shared>>
      tpu.enqueue_indirect_dma source(%dma_start3A_408 : memref<128xf32, #tpu.memory_space<vmem>>) target(%dma_start3A_413 : memref<1024xf32, #tpu.memory_space<vmem_shared>>) offsets(%dma_start3A_411 : memref<128xi32, #tpu.memory_space<vmem>>) semaphore(%arg9 : memref<!tpu.dma_semaphore, #tpu.memory_space<semaphore_mem>>) {add = true}
      %dma_wait3A = arith.constant 0 : i32
      %dma_wait3A_414 = arith.constant 0 : i32
      %dma_wait3A_415 = tpu.memref_slice %arg5[%dma_wait3A_414] : memref<6400xf32, #tpu.memory_space<vmem>> -> memref<128xf32, #tpu.memory_space<vmem>>
      %dma_wait3A_416 = arith.constant 0 : i32
      %dma_wait3A_417 = tpu.memref_slice %arg6[%dma_wait3A, %dma_wait3A_416] : memref<50x128xi32, #tpu.memory_space<vmem>> -> memref<1x128xi32, #tpu.memory_space<vmem>>
      %dma_wait3A_418 = tpu.memref_squeeze %dma_wait3A_417 : memref<1x128xi32, #tpu.memory_space<vmem>> -> memref<128xi32, #tpu.memory_space<vmem>>
      %dma_wait3A_419 = arith.constant 0 : i32
      %dma_wait3A_420 = tpu.memref_slice %arg8[%dma_wait3A_419] : memref<1024xf32, #tpu.memory_space<vmem_shared>> -> memref<1024xf32, #tpu.memory_space<vmem_shared>>
      tpu.wait_indirect_dma semaphore(%arg9 : memref<!tpu.dma_semaphore, #tpu.memory_space<semaphore_mem>>) src(%dma_wait3A_415 : memref<128xf32, #tpu.memory_space<vmem>>) dst(%dma_wait3A_420 : memref<1024xf32, #tpu.memory_space<vmem_shared>>)
      %dma_wait3A_421 = arith.constant 1 : i32
      %dma_wait3A_422 = arith.constant 128 : i32
      %dma_wait3A_423 = tpu.memref_slice %arg5[%dma_wait3A_422] : memref<6400xf32, #tpu.memory_space<vmem>> -> memref<128xf32, #tpu.memory_space<vmem>>
      %dma_wait3A_424 = arith.constant 0 : i32
      %dma_wait3A_425 = tpu.memref_slice %arg6[%dma_wait3A_421, %dma_wait3A_424] : memref<50x128xi32, #tpu.memory_space<vmem>> -> memref<1x128xi32, #tpu.memory_space<vmem>>
      %dma_wait3A_426 = tpu.memref_squeeze %dma_wait3A_425 : memref<1x128xi32, #tpu.memory_space<vmem>> -> memref<128xi32, #tpu.memory_space<vmem>>
      %dma_wait3A_427 = arith.constant 0 : i32
      %dma_wait3A_428 = tpu.memref_slice %arg8[%dma_wait3A_427] : memref<1024xf32, #tpu.memory_space<vmem_shared>> -> memref<1024xf32, #tpu.memory_space<vmem_shared>>
      tpu.wait_indirect_dma semaphore(%arg9 : memref<!tpu.dma_semaphore, #tpu.memory_space<semaphore_mem>>) src(%dma_wait3A_423 : memref<128xf32, #tpu.memory_space<vmem>>) dst(%dma_wait3A_428 : memref<1024xf32, #tpu.memory_space<vmem_shared>>)
      %dma_wait3A_429 = arith.constant 2 : i32
      %dma_wait3A_430 = arith.constant 256 : i32
      %dma_wait3A_431 = tpu.memref_slice %arg5[%dma_wait3A_430] : memref<6400xf32, #tpu.memory_space<vmem>> -> memref<128xf32, #tpu.memory_space<vmem>>
      %dma_wait3A_432 = arith.constant 0 : i32
      %dma_wait3A_433 = tpu.memref_slice %arg6[%dma_wait3A_429, %dma_wait3A_432] : memref<50x128xi32, #tpu.memory_space<vmem>> -> memref<1x128xi32, #tpu.memory_space<vmem>>
      %dma_wait3A_434 = tpu.memref_squeeze %dma_wait3A_433 : memref<1x128xi32, #tpu.memory_space<vmem>> -> memref<128xi32, #tpu.memory_space<vmem>>
      %dma_wait3A_435 = arith.constant 0 : i32
      %dma_wait3A_436 = tpu.memref_slice %arg8[%dma_wait3A_435] : memref<1024xf32, #tpu.memory_space<vmem_shared>> -> memref<1024xf32, #tpu.memory_space<vmem_shared>>
      tpu.wait_indirect_dma semaphore(%arg9 : memref<!tpu.dma_semaphore, #tpu.memory_space<semaphore_mem>>) src(%dma_wait3A_431 : memref<128xf32, #tpu.memory_space<vmem>>) dst(%dma_wait3A_436 : memref<1024xf32, #tpu.memory_space<vmem_shared>>)
      %dma_wait3A_437 = arith.constant 3 : i32
      %dma_wait3A_438 = arith.constant 384 : i32
      %dma_wait3A_439 = tpu.memref_slice %arg5[%dma_wait3A_438] : memref<6400xf32, #tpu.memory_space<vmem>> -> memref<128xf32, #tpu.memory_space<vmem>>
      %dma_wait3A_440 = arith.constant 0 : i32
      %dma_wait3A_441 = tpu.memref_slice %arg6[%dma_wait3A_437, %dma_wait3A_440] : memref<50x128xi32, #tpu.memory_space<vmem>> -> memref<1x128xi32, #tpu.memory_space<vmem>>
      %dma_wait3A_442 = tpu.memref_squeeze %dma_wait3A_441 : memref<1x128xi32, #tpu.memory_space<vmem>> -> memref<128xi32, #tpu.memory_space<vmem>>
      %dma_wait3A_443 = arith.constant 0 : i32
      %dma_wait3A_444 = tpu.memref_slice %arg8[%dma_wait3A_443] : memref<1024xf32, #tpu.memory_space<vmem_shared>> -> memref<1024xf32, #tpu.memory_space<vmem_shared>>
      tpu.wait_indirect_dma semaphore(%arg9 : memref<!tpu.dma_semaphore, #tpu.memory_space<semaphore_mem>>) src(%dma_wait3A_439 : memref<128xf32, #tpu.memory_space<vmem>>) dst(%dma_wait3A_444 : memref<1024xf32, #tpu.memory_space<vmem_shared>>)
      %dma_wait3A_445 = arith.constant 4 : i32
      %dma_wait3A_446 = arith.constant 512 : i32
      %dma_wait3A_447 = tpu.memref_slice %arg5[%dma_wait3A_446] : memref<6400xf32, #tpu.memory_space<vmem>> -> memref<128xf32, #tpu.memory_space<vmem>>
      %dma_wait3A_448 = arith.constant 0 : i32
      %dma_wait3A_449 = tpu.memref_slice %arg6[%dma_wait3A_445, %dma_wait3A_448] : memref<50x128xi32, #tpu.memory_space<vmem>> -> memref<1x128xi32, #tpu.memory_space<vmem>>
      %dma_wait3A_450 = tpu.memref_squeeze %dma_wait3A_449 : memref<1x128xi32, #tpu.memory_space<vmem>> -> memref<128xi32, #tpu.memory_space<vmem>>
      %dma_wait3A_451 = arith.constant 0 : i32
      %dma_wait3A_452 = tpu.memref_slice %arg8[%dma_wait3A_451] : memref<1024xf32, #tpu.memory_space<vmem_shared>> -> memref<1024xf32, #tpu.memory_space<vmem_shared>>
      tpu.wait_indirect_dma semaphore(%arg9 : memref<!tpu.dma_semaphore, #tpu.memory_space<semaphore_mem>>) src(%dma_wait3A_447 : memref<128xf32, #tpu.memory_space<vmem>>) dst(%dma_wait3A_452 : memref<1024xf32, #tpu.memory_space<vmem_shared>>)
      %dma_wait3A_453 = arith.constant 5 : i32
      %dma_wait3A_454 = arith.constant 640 : i32
      %dma_wait3A_455 = tpu.memref_slice %arg5[%dma_wait3A_454] : memref<6400xf32, #tpu.memory_space<vmem>> -> memref<128xf32, #tpu.memory_space<vmem>>
      %dma_wait3A_456 = arith.constant 0 : i32
      %dma_wait3A_457 = tpu.memref_slice %arg6[%dma_wait3A_453, %dma_wait3A_456] : memref<50x128xi32, #tpu.memory_space<vmem>> -> memref<1x128xi32, #tpu.memory_space<vmem>>
      %dma_wait3A_458 = tpu.memref_squeeze %dma_wait3A_457 : memref<1x128xi32, #tpu.memory_space<vmem>> -> memref<128xi32, #tpu.memory_space<vmem>>
      %dma_wait3A_459 = arith.constant 0 : i32
      %dma_wait3A_460 = tpu.memref_slice %arg8[%dma_wait3A_459] : memref<1024xf32, #tpu.memory_space<vmem_shared>> -> memref<1024xf32, #tpu.memory_space<vmem_shared>>
      tpu.wait_indirect_dma semaphore(%arg9 : memref<!tpu.dma_semaphore, #tpu.memory_space<semaphore_mem>>) src(%dma_wait3A_455 : memref<128xf32, #tpu.memory_space<vmem>>) dst(%dma_wait3A_460 : memref<1024xf32, #tpu.memory_space<vmem_shared>>)
      %dma_wait3A_461 = arith.constant 6 : i32
      %dma_wait3A_462 = arith.constant 768 : i32
      %dma_wait3A_463 = tpu.memref_slice %arg5[%dma_wait3A_462] : memref<6400xf32, #tpu.memory_space<vmem>> -> memref<128xf32, #tpu.memory_space<vmem>>
      %dma_wait3A_464 = arith.constant 0 : i32
      %dma_wait3A_465 = tpu.memref_slice %arg6[%dma_wait3A_461, %dma_wait3A_464] : memref<50x128xi32, #tpu.memory_space<vmem>> -> memref<1x128xi32, #tpu.memory_space<vmem>>
      %dma_wait3A_466 = tpu.memref_squeeze %dma_wait3A_465 : memref<1x128xi32, #tpu.memory_space<vmem>> -> memref<128xi32, #tpu.memory_space<vmem>>
      %dma_wait3A_467 = arith.constant 0 : i32
      %dma_wait3A_468 = tpu.memref_slice %arg8[%dma_wait3A_467] : memref<1024xf32, #tpu.memory_space<vmem_shared>> -> memref<1024xf32, #tpu.memory_space<vmem_shared>>
      tpu.wait_indirect_dma semaphore(%arg9 : memref<!tpu.dma_semaphore, #tpu.memory_space<semaphore_mem>>) src(%dma_wait3A_463 : memref<128xf32, #tpu.memory_space<vmem>>) dst(%dma_wait3A_468 : memref<1024xf32, #tpu.memory_space<vmem_shared>>)
      %dma_wait3A_469 = arith.constant 7 : i32
      %dma_wait3A_470 = arith.constant 896 : i32
      %dma_wait3A_471 = tpu.memref_slice %arg5[%dma_wait3A_470] : memref<6400xf32, #tpu.memory_space<vmem>> -> memref<128xf32, #tpu.memory_space<vmem>>
      %dma_wait3A_472 = arith.constant 0 : i32
      %dma_wait3A_473 = tpu.memref_slice %arg6[%dma_wait3A_469, %dma_wait3A_472] : memref<50x128xi32, #tpu.memory_space<vmem>> -> memref<1x128xi32, #tpu.memory_space<vmem>>
      %dma_wait3A_474 = tpu.memref_squeeze %dma_wait3A_473 : memref<1x128xi32, #tpu.memory_space<vmem>> -> memref<128xi32, #tpu.memory_space<vmem>>
      %dma_wait3A_475 = arith.constant 0 : i32
      %dma_wait3A_476 = tpu.memref_slice %arg8[%dma_wait3A_475] : memref<1024xf32, #tpu.memory_space<vmem_shared>> -> memref<1024xf32, #tpu.memory_space<vmem_shared>>
      tpu.wait_indirect_dma semaphore(%arg9 : memref<!tpu.dma_semaphore, #tpu.memory_space<semaphore_mem>>) src(%dma_wait3A_471 : memref<128xf32, #tpu.memory_space<vmem>>) dst(%dma_wait3A_476 : memref<1024xf32, #tpu.memory_space<vmem_shared>>)
      %dma_wait3A_477 = arith.constant 8 : i32
      %dma_wait3A_478 = arith.constant 1024 : i32
      %dma_wait3A_479 = tpu.memref_slice %arg5[%dma_wait3A_478] : memref<6400xf32, #tpu.memory_space<vmem>> -> memref<128xf32, #tpu.memory_space<vmem>>
      %dma_wait3A_480 = arith.constant 0 : i32
      %dma_wait3A_481 = tpu.memref_slice %arg6[%dma_wait3A_477, %dma_wait3A_480] : memref<50x128xi32, #tpu.memory_space<vmem>> -> memref<1x128xi32, #tpu.memory_space<vmem>>
      %dma_wait3A_482 = tpu.memref_squeeze %dma_wait3A_481 : memref<1x128xi32, #tpu.memory_space<vmem>> -> memref<128xi32, #tpu.memory_space<vmem>>
      %dma_wait3A_483 = arith.constant 0 : i32
      %dma_wait3A_484 = tpu.memref_slice %arg8[%dma_wait3A_483] : memref<1024xf32, #tpu.memory_space<vmem_shared>> -> memref<1024xf32, #tpu.memory_space<vmem_shared>>
      tpu.wait_indirect_dma semaphore(%arg9 : memref<!tpu.dma_semaphore, #tpu.memory_space<semaphore_mem>>) src(%dma_wait3A_479 : memref<128xf32, #tpu.memory_space<vmem>>) dst(%dma_wait3A_484 : memref<1024xf32, #tpu.memory_space<vmem_shared>>)
      %dma_wait3A_485 = arith.constant 9 : i32
      %dma_wait3A_486 = arith.constant 1152 : i32
      %dma_wait3A_487 = tpu.memref_slice %arg5[%dma_wait3A_486] : memref<6400xf32, #tpu.memory_space<vmem>> -> memref<128xf32, #tpu.memory_space<vmem>>
      %dma_wait3A_488 = arith.constant 0 : i32
      %dma_wait3A_489 = tpu.memref_slice %arg6[%dma_wait3A_485, %dma_wait3A_488] : memref<50x128xi32, #tpu.memory_space<vmem>> -> memref<1x128xi32, #tpu.memory_space<vmem>>
      %dma_wait3A_490 = tpu.memref_squeeze %dma_wait3A_489 : memref<1x128xi32, #tpu.memory_space<vmem>> -> memref<128xi32, #tpu.memory_space<vmem>>
      %dma_wait3A_491 = arith.constant 0 : i32
      %dma_wait3A_492 = tpu.memref_slice %arg8[%dma_wait3A_491] : memref<1024xf32, #tpu.memory_space<vmem_shared>> -> memref<1024xf32, #tpu.memory_space<vmem_shared>>
      tpu.wait_indirect_dma semaphore(%arg9 : memref<!tpu.dma_semaphore, #tpu.memory_space<semaphore_mem>>) src(%dma_wait3A_487 : memref<128xf32, #tpu.memory_space<vmem>>) dst(%dma_wait3A_492 : memref<1024xf32, #tpu.memory_space<vmem_shared>>)
      %dma_wait3A_493 = arith.constant 10 : i32
      %dma_wait3A_494 = arith.constant 1280 : i32
      %dma_wait3A_495 = tpu.memref_slice %arg5[%dma_wait3A_494] : memref<6400xf32, #tpu.memory_space<vmem>> -> memref<128xf32, #tpu.memory_space<vmem>>
      %dma_wait3A_496 = arith.constant 0 : i32
      %dma_wait3A_497 = tpu.memref_slice %arg6[%dma_wait3A_493, %dma_wait3A_496] : memref<50x128xi32, #tpu.memory_space<vmem>> -> memref<1x128xi32, #tpu.memory_space<vmem>>
      %dma_wait3A_498 = tpu.memref_squeeze %dma_wait3A_497 : memref<1x128xi32, #tpu.memory_space<vmem>> -> memref<128xi32, #tpu.memory_space<vmem>>
      %dma_wait3A_499 = arith.constant 0 : i32
      %dma_wait3A_500 = tpu.memref_slice %arg8[%dma_wait3A_499] : memref<1024xf32, #tpu.memory_space<vmem_shared>> -> memref<1024xf32, #tpu.memory_space<vmem_shared>>
      tpu.wait_indirect_dma semaphore(%arg9 : memref<!tpu.dma_semaphore, #tpu.memory_space<semaphore_mem>>) src(%dma_wait3A_495 : memref<128xf32, #tpu.memory_space<vmem>>) dst(%dma_wait3A_500 : memref<1024xf32, #tpu.memory_space<vmem_shared>>)
      %dma_wait3A_501 = arith.constant 11 : i32
      %dma_wait3A_502 = arith.constant 1408 : i32
      %dma_wait3A_503 = tpu.memref_slice %arg5[%dma_wait3A_502] : memref<6400xf32, #tpu.memory_space<vmem>> -> memref<128xf32, #tpu.memory_space<vmem>>
      %dma_wait3A_504 = arith.constant 0 : i32
      %dma_wait3A_505 = tpu.memref_slice %arg6[%dma_wait3A_501, %dma_wait3A_504] : memref<50x128xi32, #tpu.memory_space<vmem>> -> memref<1x128xi32, #tpu.memory_space<vmem>>
      %dma_wait3A_506 = tpu.memref_squeeze %dma_wait3A_505 : memref<1x128xi32, #tpu.memory_space<vmem>> -> memref<128xi32, #tpu.memory_space<vmem>>
      %dma_wait3A_507 = arith.constant 0 : i32
      %dma_wait3A_508 = tpu.memref_slice %arg8[%dma_wait3A_507] : memref<1024xf32, #tpu.memory_space<vmem_shared>> -> memref<1024xf32, #tpu.memory_space<vmem_shared>>
      tpu.wait_indirect_dma semaphore(%arg9 : memref<!tpu.dma_semaphore, #tpu.memory_space<semaphore_mem>>) src(%dma_wait3A_503 : memref<128xf32, #tpu.memory_space<vmem>>) dst(%dma_wait3A_508 : memref<1024xf32, #tpu.memory_space<vmem_shared>>)
      %dma_wait3A_509 = arith.constant 12 : i32
      %dma_wait3A_510 = arith.constant 1536 : i32
      %dma_wait3A_511 = tpu.memref_slice %arg5[%dma_wait3A_510] : memref<6400xf32, #tpu.memory_space<vmem>> -> memref<128xf32, #tpu.memory_space<vmem>>
      %dma_wait3A_512 = arith.constant 0 : i32
      %dma_wait3A_513 = tpu.memref_slice %arg6[%dma_wait3A_509, %dma_wait3A_512] : memref<50x128xi32, #tpu.memory_space<vmem>> -> memref<1x128xi32, #tpu.memory_space<vmem>>
      %dma_wait3A_514 = tpu.memref_squeeze %dma_wait3A_513 : memref<1x128xi32, #tpu.memory_space<vmem>> -> memref<128xi32, #tpu.memory_space<vmem>>
      %dma_wait3A_515 = arith.constant 0 : i32
      %dma_wait3A_516 = tpu.memref_slice %arg8[%dma_wait3A_515] : memref<1024xf32, #tpu.memory_space<vmem_shared>> -> memref<1024xf32, #tpu.memory_space<vmem_shared>>
      tpu.wait_indirect_dma semaphore(%arg9 : memref<!tpu.dma_semaphore, #tpu.memory_space<semaphore_mem>>) src(%dma_wait3A_511 : memref<128xf32, #tpu.memory_space<vmem>>) dst(%dma_wait3A_516 : memref<1024xf32, #tpu.memory_space<vmem_shared>>)
      %dma_wait3A_517 = arith.constant 13 : i32
      %dma_wait3A_518 = arith.constant 1664 : i32
      %dma_wait3A_519 = tpu.memref_slice %arg5[%dma_wait3A_518] : memref<6400xf32, #tpu.memory_space<vmem>> -> memref<128xf32, #tpu.memory_space<vmem>>
      %dma_wait3A_520 = arith.constant 0 : i32
      %dma_wait3A_521 = tpu.memref_slice %arg6[%dma_wait3A_517, %dma_wait3A_520] : memref<50x128xi32, #tpu.memory_space<vmem>> -> memref<1x128xi32, #tpu.memory_space<vmem>>
      %dma_wait3A_522 = tpu.memref_squeeze %dma_wait3A_521 : memref<1x128xi32, #tpu.memory_space<vmem>> -> memref<128xi32, #tpu.memory_space<vmem>>
      %dma_wait3A_523 = arith.constant 0 : i32
      %dma_wait3A_524 = tpu.memref_slice %arg8[%dma_wait3A_523] : memref<1024xf32, #tpu.memory_space<vmem_shared>> -> memref<1024xf32, #tpu.memory_space<vmem_shared>>
      tpu.wait_indirect_dma semaphore(%arg9 : memref<!tpu.dma_semaphore, #tpu.memory_space<semaphore_mem>>) src(%dma_wait3A_519 : memref<128xf32, #tpu.memory_space<vmem>>) dst(%dma_wait3A_524 : memref<1024xf32, #tpu.memory_space<vmem_shared>>)
      %dma_wait3A_525 = arith.constant 14 : i32
      %dma_wait3A_526 = arith.constant 1792 : i32
      %dma_wait3A_527 = tpu.memref_slice %arg5[%dma_wait3A_526] : memref<6400xf32, #tpu.memory_space<vmem>> -> memref<128xf32, #tpu.memory_space<vmem>>
      %dma_wait3A_528 = arith.constant 0 : i32
      %dma_wait3A_529 = tpu.memref_slice %arg6[%dma_wait3A_525, %dma_wait3A_528] : memref<50x128xi32, #tpu.memory_space<vmem>> -> memref<1x128xi32, #tpu.memory_space<vmem>>
      %dma_wait3A_530 = tpu.memref_squeeze %dma_wait3A_529 : memref<1x128xi32, #tpu.memory_space<vmem>> -> memref<128xi32, #tpu.memory_space<vmem>>
      %dma_wait3A_531 = arith.constant 0 : i32
      %dma_wait3A_532 = tpu.memref_slice %arg8[%dma_wait3A_531] : memref<1024xf32, #tpu.memory_space<vmem_shared>> -> memref<1024xf32, #tpu.memory_space<vmem_shared>>
      tpu.wait_indirect_dma semaphore(%arg9 : memref<!tpu.dma_semaphore, #tpu.memory_space<semaphore_mem>>) src(%dma_wait3A_527 : memref<128xf32, #tpu.memory_space<vmem>>) dst(%dma_wait3A_532 : memref<1024xf32, #tpu.memory_space<vmem_shared>>)
      %dma_wait3A_533 = arith.constant 15 : i32
      %dma_wait3A_534 = arith.constant 1920 : i32
      %dma_wait3A_535 = tpu.memref_slice %arg5[%dma_wait3A_534] : memref<6400xf32, #tpu.memory_space<vmem>> -> memref<128xf32, #tpu.memory_space<vmem>>
      %dma_wait3A_536 = arith.constant 0 : i32
      %dma_wait3A_537 = tpu.memref_slice %arg6[%dma_wait3A_533, %dma_wait3A_536] : memref<50x128xi32, #tpu.memory_space<vmem>> -> memref<1x128xi32, #tpu.memory_space<vmem>>
      %dma_wait3A_538 = tpu.memref_squeeze %dma_wait3A_537 : memref<1x128xi32, #tpu.memory_space<vmem>> -> memref<128xi32, #tpu.memory_space<vmem>>
      %dma_wait3A_539 = arith.constant 0 : i32
      %dma_wait3A_540 = tpu.memref_slice %arg8[%dma_wait3A_539] : memref<1024xf32, #tpu.memory_space<vmem_shared>> -> memref<1024xf32, #tpu.memory_space<vmem_shared>>
      tpu.wait_indirect_dma semaphore(%arg9 : memref<!tpu.dma_semaphore, #tpu.memory_space<semaphore_mem>>) src(%dma_wait3A_535 : memref<128xf32, #tpu.memory_space<vmem>>) dst(%dma_wait3A_540 : memref<1024xf32, #tpu.memory_space<vmem_shared>>)
      %dma_wait3A_541 = arith.constant 16 : i32
      %dma_wait3A_542 = arith.constant 2048 : i32
      %dma_wait3A_543 = tpu.memref_slice %arg5[%dma_wait3A_542] : memref<6400xf32, #tpu.memory_space<vmem>> -> memref<128xf32, #tpu.memory_space<vmem>>
      %dma_wait3A_544 = arith.constant 0 : i32
      %dma_wait3A_545 = tpu.memref_slice %arg6[%dma_wait3A_541, %dma_wait3A_544] : memref<50x128xi32, #tpu.memory_space<vmem>> -> memref<1x128xi32, #tpu.memory_space<vmem>>
      %dma_wait3A_546 = tpu.memref_squeeze %dma_wait3A_545 : memref<1x128xi32, #tpu.memory_space<vmem>> -> memref<128xi32, #tpu.memory_space<vmem>>
      %dma_wait3A_547 = arith.constant 0 : i32
      %dma_wait3A_548 = tpu.memref_slice %arg8[%dma_wait3A_547] : memref<1024xf32, #tpu.memory_space<vmem_shared>> -> memref<1024xf32, #tpu.memory_space<vmem_shared>>
      tpu.wait_indirect_dma semaphore(%arg9 : memref<!tpu.dma_semaphore, #tpu.memory_space<semaphore_mem>>) src(%dma_wait3A_543 : memref<128xf32, #tpu.memory_space<vmem>>) dst(%dma_wait3A_548 : memref<1024xf32, #tpu.memory_space<vmem_shared>>)
      %dma_wait3A_549 = arith.constant 17 : i32
      %dma_wait3A_550 = arith.constant 2176 : i32
      %dma_wait3A_551 = tpu.memref_slice %arg5[%dma_wait3A_550] : memref<6400xf32, #tpu.memory_space<vmem>> -> memref<128xf32, #tpu.memory_space<vmem>>
      %dma_wait3A_552 = arith.constant 0 : i32
      %dma_wait3A_553 = tpu.memref_slice %arg6[%dma_wait3A_549, %dma_wait3A_552] : memref<50x128xi32, #tpu.memory_space<vmem>> -> memref<1x128xi32, #tpu.memory_space<vmem>>
      %dma_wait3A_554 = tpu.memref_squeeze %dma_wait3A_553 : memref<1x128xi32, #tpu.memory_space<vmem>> -> memref<128xi32, #tpu.memory_space<vmem>>
      %dma_wait3A_555 = arith.constant 0 : i32
      %dma_wait3A_556 = tpu.memref_slice %arg8[%dma_wait3A_555] : memref<1024xf32, #tpu.memory_space<vmem_shared>> -> memref<1024xf32, #tpu.memory_space<vmem_shared>>
      tpu.wait_indirect_dma semaphore(%arg9 : memref<!tpu.dma_semaphore, #tpu.memory_space<semaphore_mem>>) src(%dma_wait3A_551 : memref<128xf32, #tpu.memory_space<vmem>>) dst(%dma_wait3A_556 : memref<1024xf32, #tpu.memory_space<vmem_shared>>)
      %dma_wait3A_557 = arith.constant 18 : i32
      %dma_wait3A_558 = arith.constant 2304 : i32
      %dma_wait3A_559 = tpu.memref_slice %arg5[%dma_wait3A_558] : memref<6400xf32, #tpu.memory_space<vmem>> -> memref<128xf32, #tpu.memory_space<vmem>>
      %dma_wait3A_560 = arith.constant 0 : i32
      %dma_wait3A_561 = tpu.memref_slice %arg6[%dma_wait3A_557, %dma_wait3A_560] : memref<50x128xi32, #tpu.memory_space<vmem>> -> memref<1x128xi32, #tpu.memory_space<vmem>>
      %dma_wait3A_562 = tpu.memref_squeeze %dma_wait3A_561 : memref<1x128xi32, #tpu.memory_space<vmem>> -> memref<128xi32, #tpu.memory_space<vmem>>
      %dma_wait3A_563 = arith.constant 0 : i32
      %dma_wait3A_564 = tpu.memref_slice %arg8[%dma_wait3A_563] : memref<1024xf32, #tpu.memory_space<vmem_shared>> -> memref<1024xf32, #tpu.memory_space<vmem_shared>>
      tpu.wait_indirect_dma semaphore(%arg9 : memref<!tpu.dma_semaphore, #tpu.memory_space<semaphore_mem>>) src(%dma_wait3A_559 : memref<128xf32, #tpu.memory_space<vmem>>) dst(%dma_wait3A_564 : memref<1024xf32, #tpu.memory_space<vmem_shared>>)
      %dma_wait3A_565 = arith.constant 19 : i32
      %dma_wait3A_566 = arith.constant 2432 : i32
      %dma_wait3A_567 = tpu.memref_slice %arg5[%dma_wait3A_566] : memref<6400xf32, #tpu.memory_space<vmem>> -> memref<128xf32, #tpu.memory_space<vmem>>
      %dma_wait3A_568 = arith.constant 0 : i32
      %dma_wait3A_569 = tpu.memref_slice %arg6[%dma_wait3A_565, %dma_wait3A_568] : memref<50x128xi32, #tpu.memory_space<vmem>> -> memref<1x128xi32, #tpu.memory_space<vmem>>
      %dma_wait3A_570 = tpu.memref_squeeze %dma_wait3A_569 : memref<1x128xi32, #tpu.memory_space<vmem>> -> memref<128xi32, #tpu.memory_space<vmem>>
      %dma_wait3A_571 = arith.constant 0 : i32
      %dma_wait3A_572 = tpu.memref_slice %arg8[%dma_wait3A_571] : memref<1024xf32, #tpu.memory_space<vmem_shared>> -> memref<1024xf32, #tpu.memory_space<vmem_shared>>
      tpu.wait_indirect_dma semaphore(%arg9 : memref<!tpu.dma_semaphore, #tpu.memory_space<semaphore_mem>>) src(%dma_wait3A_567 : memref<128xf32, #tpu.memory_space<vmem>>) dst(%dma_wait3A_572 : memref<1024xf32, #tpu.memory_space<vmem_shared>>)
      %dma_wait3A_573 = arith.constant 20 : i32
      %dma_wait3A_574 = arith.constant 2560 : i32
      %dma_wait3A_575 = tpu.memref_slice %arg5[%dma_wait3A_574] : memref<6400xf32, #tpu.memory_space<vmem>> -> memref<128xf32, #tpu.memory_space<vmem>>
      %dma_wait3A_576 = arith.constant 0 : i32
      %dma_wait3A_577 = tpu.memref_slice %arg6[%dma_wait3A_573, %dma_wait3A_576] : memref<50x128xi32, #tpu.memory_space<vmem>> -> memref<1x128xi32, #tpu.memory_space<vmem>>
      %dma_wait3A_578 = tpu.memref_squeeze %dma_wait3A_577 : memref<1x128xi32, #tpu.memory_space<vmem>> -> memref<128xi32, #tpu.memory_space<vmem>>
      %dma_wait3A_579 = arith.constant 0 : i32
      %dma_wait3A_580 = tpu.memref_slice %arg8[%dma_wait3A_579] : memref<1024xf32, #tpu.memory_space<vmem_shared>> -> memref<1024xf32, #tpu.memory_space<vmem_shared>>
      tpu.wait_indirect_dma semaphore(%arg9 : memref<!tpu.dma_semaphore, #tpu.memory_space<semaphore_mem>>) src(%dma_wait3A_575 : memref<128xf32, #tpu.memory_space<vmem>>) dst(%dma_wait3A_580 : memref<1024xf32, #tpu.memory_space<vmem_shared>>)
      %dma_wait3A_581 = arith.constant 21 : i32
      %dma_wait3A_582 = arith.constant 2688 : i32
      %dma_wait3A_583 = tpu.memref_slice %arg5[%dma_wait3A_582] : memref<6400xf32, #tpu.memory_space<vmem>> -> memref<128xf32, #tpu.memory_space<vmem>>
      %dma_wait3A_584 = arith.constant 0 : i32
      %dma_wait3A_585 = tpu.memref_slice %arg6[%dma_wait3A_581, %dma_wait3A_584] : memref<50x128xi32, #tpu.memory_space<vmem>> -> memref<1x128xi32, #tpu.memory_space<vmem>>
      %dma_wait3A_586 = tpu.memref_squeeze %dma_wait3A_585 : memref<1x128xi32, #tpu.memory_space<vmem>> -> memref<128xi32, #tpu.memory_space<vmem>>
      %dma_wait3A_587 = arith.constant 0 : i32
      %dma_wait3A_588 = tpu.memref_slice %arg8[%dma_wait3A_587] : memref<1024xf32, #tpu.memory_space<vmem_shared>> -> memref<1024xf32, #tpu.memory_space<vmem_shared>>
      tpu.wait_indirect_dma semaphore(%arg9 : memref<!tpu.dma_semaphore, #tpu.memory_space<semaphore_mem>>) src(%dma_wait3A_583 : memref<128xf32, #tpu.memory_space<vmem>>) dst(%dma_wait3A_588 : memref<1024xf32, #tpu.memory_space<vmem_shared>>)
      %dma_wait3A_589 = arith.constant 22 : i32
      %dma_wait3A_590 = arith.constant 2816 : i32
      %dma_wait3A_591 = tpu.memref_slice %arg5[%dma_wait3A_590] : memref<6400xf32, #tpu.memory_space<vmem>> -> memref<128xf32, #tpu.memory_space<vmem>>
      %dma_wait3A_592 = arith.constant 0 : i32
      %dma_wait3A_593 = tpu.memref_slice %arg6[%dma_wait3A_589, %dma_wait3A_592] : memref<50x128xi32, #tpu.memory_space<vmem>> -> memref<1x128xi32, #tpu.memory_space<vmem>>
      %dma_wait3A_594 = tpu.memref_squeeze %dma_wait3A_593 : memref<1x128xi32, #tpu.memory_space<vmem>> -> memref<128xi32, #tpu.memory_space<vmem>>
      %dma_wait3A_595 = arith.constant 0 : i32
      %dma_wait3A_596 = tpu.memref_slice %arg8[%dma_wait3A_595] : memref<1024xf32, #tpu.memory_space<vmem_shared>> -> memref<1024xf32, #tpu.memory_space<vmem_shared>>
      tpu.wait_indirect_dma semaphore(%arg9 : memref<!tpu.dma_semaphore, #tpu.memory_space<semaphore_mem>>) src(%dma_wait3A_591 : memref<128xf32, #tpu.memory_space<vmem>>) dst(%dma_wait3A_596 : memref<1024xf32, #tpu.memory_space<vmem_shared>>)
      %dma_wait3A_597 = arith.constant 23 : i32
      %dma_wait3A_598 = arith.constant 2944 : i32
      %dma_wait3A_599 = tpu.memref_slice %arg5[%dma_wait3A_598] : memref<6400xf32, #tpu.memory_space<vmem>> -> memref<128xf32, #tpu.memory_space<vmem>>
      %dma_wait3A_600 = arith.constant 0 : i32
      %dma_wait3A_601 = tpu.memref_slice %arg6[%dma_wait3A_597, %dma_wait3A_600] : memref<50x128xi32, #tpu.memory_space<vmem>> -> memref<1x128xi32, #tpu.memory_space<vmem>>
      %dma_wait3A_602 = tpu.memref_squeeze %dma_wait3A_601 : memref<1x128xi32, #tpu.memory_space<vmem>> -> memref<128xi32, #tpu.memory_space<vmem>>
      %dma_wait3A_603 = arith.constant 0 : i32
      %dma_wait3A_604 = tpu.memref_slice %arg8[%dma_wait3A_603] : memref<1024xf32, #tpu.memory_space<vmem_shared>> -> memref<1024xf32, #tpu.memory_space<vmem_shared>>
      tpu.wait_indirect_dma semaphore(%arg9 : memref<!tpu.dma_semaphore, #tpu.memory_space<semaphore_mem>>) src(%dma_wait3A_599 : memref<128xf32, #tpu.memory_space<vmem>>) dst(%dma_wait3A_604 : memref<1024xf32, #tpu.memory_space<vmem_shared>>)
      %dma_wait3A_605 = arith.constant 24 : i32
      %dma_wait3A_606 = arith.constant 3072 : i32
      %dma_wait3A_607 = tpu.memref_slice %arg5[%dma_wait3A_606] : memref<6400xf32, #tpu.memory_space<vmem>> -> memref<128xf32, #tpu.memory_space<vmem>>
      %dma_wait3A_608 = arith.constant 0 : i32
      %dma_wait3A_609 = tpu.memref_slice %arg6[%dma_wait3A_605, %dma_wait3A_608] : memref<50x128xi32, #tpu.memory_space<vmem>> -> memref<1x128xi32, #tpu.memory_space<vmem>>
      %dma_wait3A_610 = tpu.memref_squeeze %dma_wait3A_609 : memref<1x128xi32, #tpu.memory_space<vmem>> -> memref<128xi32, #tpu.memory_space<vmem>>
      %dma_wait3A_611 = arith.constant 0 : i32
      %dma_wait3A_612 = tpu.memref_slice %arg8[%dma_wait3A_611] : memref<1024xf32, #tpu.memory_space<vmem_shared>> -> memref<1024xf32, #tpu.memory_space<vmem_shared>>
      tpu.wait_indirect_dma semaphore(%arg9 : memref<!tpu.dma_semaphore, #tpu.memory_space<semaphore_mem>>) src(%dma_wait3A_607 : memref<128xf32, #tpu.memory_space<vmem>>) dst(%dma_wait3A_612 : memref<1024xf32, #tpu.memory_space<vmem_shared>>)
      %dma_wait3A_613 = arith.constant 25 : i32
      %dma_wait3A_614 = arith.constant 3200 : i32
      %dma_wait3A_615 = tpu.memref_slice %arg5[%dma_wait3A_614] : memref<6400xf32, #tpu.memory_space<vmem>> -> memref<128xf32, #tpu.memory_space<vmem>>
      %dma_wait3A_616 = arith.constant 0 : i32
      %dma_wait3A_617 = tpu.memref_slice %arg6[%dma_wait3A_613, %dma_wait3A_616] : memref<50x128xi32, #tpu.memory_space<vmem>> -> memref<1x128xi32, #tpu.memory_space<vmem>>
      %dma_wait3A_618 = tpu.memref_squeeze %dma_wait3A_617 : memref<1x128xi32, #tpu.memory_space<vmem>> -> memref<128xi32, #tpu.memory_space<vmem>>
      %dma_wait3A_619 = arith.constant 0 : i32
      %dma_wait3A_620 = tpu.memref_slice %arg8[%dma_wait3A_619] : memref<1024xf32, #tpu.memory_space<vmem_shared>> -> memref<1024xf32, #tpu.memory_space<vmem_shared>>
      tpu.wait_indirect_dma semaphore(%arg9 : memref<!tpu.dma_semaphore, #tpu.memory_space<semaphore_mem>>) src(%dma_wait3A_615 : memref<128xf32, #tpu.memory_space<vmem>>) dst(%dma_wait3A_620 : memref<1024xf32, #tpu.memory_space<vmem_shared>>)
      %dma_wait3A_621 = arith.constant 26 : i32
      %dma_wait3A_622 = arith.constant 3328 : i32
      %dma_wait3A_623 = tpu.memref_slice %arg5[%dma_wait3A_622] : memref<6400xf32, #tpu.memory_space<vmem>> -> memref<128xf32, #tpu.memory_space<vmem>>
      %dma_wait3A_624 = arith.constant 0 : i32
      %dma_wait3A_625 = tpu.memref_slice %arg6[%dma_wait3A_621, %dma_wait3A_624] : memref<50x128xi32, #tpu.memory_space<vmem>> -> memref<1x128xi32, #tpu.memory_space<vmem>>
      %dma_wait3A_626 = tpu.memref_squeeze %dma_wait3A_625 : memref<1x128xi32, #tpu.memory_space<vmem>> -> memref<128xi32, #tpu.memory_space<vmem>>
      %dma_wait3A_627 = arith.constant 0 : i32
      %dma_wait3A_628 = tpu.memref_slice %arg8[%dma_wait3A_627] : memref<1024xf32, #tpu.memory_space<vmem_shared>> -> memref<1024xf32, #tpu.memory_space<vmem_shared>>
      tpu.wait_indirect_dma semaphore(%arg9 : memref<!tpu.dma_semaphore, #tpu.memory_space<semaphore_mem>>) src(%dma_wait3A_623 : memref<128xf32, #tpu.memory_space<vmem>>) dst(%dma_wait3A_628 : memref<1024xf32, #tpu.memory_space<vmem_shared>>)
      %dma_wait3A_629 = arith.constant 27 : i32
      %dma_wait3A_630 = arith.constant 3456 : i32
      %dma_wait3A_631 = tpu.memref_slice %arg5[%dma_wait3A_630] : memref<6400xf32, #tpu.memory_space<vmem>> -> memref<128xf32, #tpu.memory_space<vmem>>
      %dma_wait3A_632 = arith.constant 0 : i32
      %dma_wait3A_633 = tpu.memref_slice %arg6[%dma_wait3A_629, %dma_wait3A_632] : memref<50x128xi32, #tpu.memory_space<vmem>> -> memref<1x128xi32, #tpu.memory_space<vmem>>
      %dma_wait3A_634 = tpu.memref_squeeze %dma_wait3A_633 : memref<1x128xi32, #tpu.memory_space<vmem>> -> memref<128xi32, #tpu.memory_space<vmem>>
      %dma_wait3A_635 = arith.constant 0 : i32
      %dma_wait3A_636 = tpu.memref_slice %arg8[%dma_wait3A_635] : memref<1024xf32, #tpu.memory_space<vmem_shared>> -> memref<1024xf32, #tpu.memory_space<vmem_shared>>
      tpu.wait_indirect_dma semaphore(%arg9 : memref<!tpu.dma_semaphore, #tpu.memory_space<semaphore_mem>>) src(%dma_wait3A_631 : memref<128xf32, #tpu.memory_space<vmem>>) dst(%dma_wait3A_636 : memref<1024xf32, #tpu.memory_space<vmem_shared>>)
      %dma_wait3A_637 = arith.constant 28 : i32
      %dma_wait3A_638 = arith.constant 3584 : i32
      %dma_wait3A_639 = tpu.memref_slice %arg5[%dma_wait3A_638] : memref<6400xf32, #tpu.memory_space<vmem>> -> memref<128xf32, #tpu.memory_space<vmem>>
      %dma_wait3A_640 = arith.constant 0 : i32
      %dma_wait3A_641 = tpu.memref_slice %arg6[%dma_wait3A_637, %dma_wait3A_640] : memref<50x128xi32, #tpu.memory_space<vmem>> -> memref<1x128xi32, #tpu.memory_space<vmem>>
      %dma_wait3A_642 = tpu.memref_squeeze %dma_wait3A_641 : memref<1x128xi32, #tpu.memory_space<vmem>> -> memref<128xi32, #tpu.memory_space<vmem>>
      %dma_wait3A_643 = arith.constant 0 : i32
      %dma_wait3A_644 = tpu.memref_slice %arg8[%dma_wait3A_643] : memref<1024xf32, #tpu.memory_space<vmem_shared>> -> memref<1024xf32, #tpu.memory_space<vmem_shared>>
      tpu.wait_indirect_dma semaphore(%arg9 : memref<!tpu.dma_semaphore, #tpu.memory_space<semaphore_mem>>) src(%dma_wait3A_639 : memref<128xf32, #tpu.memory_space<vmem>>) dst(%dma_wait3A_644 : memref<1024xf32, #tpu.memory_space<vmem_shared>>)
      %dma_wait3A_645 = arith.constant 29 : i32
      %dma_wait3A_646 = arith.constant 3712 : i32
      %dma_wait3A_647 = tpu.memref_slice %arg5[%dma_wait3A_646] : memref<6400xf32, #tpu.memory_space<vmem>> -> memref<128xf32, #tpu.memory_space<vmem>>
      %dma_wait3A_648 = arith.constant 0 : i32
      %dma_wait3A_649 = tpu.memref_slice %arg6[%dma_wait3A_645, %dma_wait3A_648] : memref<50x128xi32, #tpu.memory_space<vmem>> -> memref<1x128xi32, #tpu.memory_space<vmem>>
      %dma_wait3A_650 = tpu.memref_squeeze %dma_wait3A_649 : memref<1x128xi32, #tpu.memory_space<vmem>> -> memref<128xi32, #tpu.memory_space<vmem>>
      %dma_wait3A_651 = arith.constant 0 : i32
      %dma_wait3A_652 = tpu.memref_slice %arg8[%dma_wait3A_651] : memref<1024xf32, #tpu.memory_space<vmem_shared>> -> memref<1024xf32, #tpu.memory_space<vmem_shared>>
      tpu.wait_indirect_dma semaphore(%arg9 : memref<!tpu.dma_semaphore, #tpu.memory_space<semaphore_mem>>) src(%dma_wait3A_647 : memref<128xf32, #tpu.memory_space<vmem>>) dst(%dma_wait3A_652 : memref<1024xf32, #tpu.memory_space<vmem_shared>>)
      %dma_wait3A_653 = arith.constant 30 : i32
      %dma_wait3A_654 = arith.constant 3840 : i32
      %dma_wait3A_655 = tpu.memref_slice %arg5[%dma_wait3A_654] : memref<6400xf32, #tpu.memory_space<vmem>> -> memref<128xf32, #tpu.memory_space<vmem>>
      %dma_wait3A_656 = arith.constant 0 : i32
      %dma_wait3A_657 = tpu.memref_slice %arg6[%dma_wait3A_653, %dma_wait3A_656] : memref<50x128xi32, #tpu.memory_space<vmem>> -> memref<1x128xi32, #tpu.memory_space<vmem>>
      %dma_wait3A_658 = tpu.memref_squeeze %dma_wait3A_657 : memref<1x128xi32, #tpu.memory_space<vmem>> -> memref<128xi32, #tpu.memory_space<vmem>>
      %dma_wait3A_659 = arith.constant 0 : i32
      %dma_wait3A_660 = tpu.memref_slice %arg8[%dma_wait3A_659] : memref<1024xf32, #tpu.memory_space<vmem_shared>> -> memref<1024xf32, #tpu.memory_space<vmem_shared>>
      tpu.wait_indirect_dma semaphore(%arg9 : memref<!tpu.dma_semaphore, #tpu.memory_space<semaphore_mem>>) src(%dma_wait3A_655 : memref<128xf32, #tpu.memory_space<vmem>>) dst(%dma_wait3A_660 : memref<1024xf32, #tpu.memory_space<vmem_shared>>)
      %dma_wait3A_661 = arith.constant 31 : i32
      %dma_wait3A_662 = arith.constant 3968 : i32
      %dma_wait3A_663 = tpu.memref_slice %arg5[%dma_wait3A_662] : memref<6400xf32, #tpu.memory_space<vmem>> -> memref<128xf32, #tpu.memory_space<vmem>>
      %dma_wait3A_664 = arith.constant 0 : i32
      %dma_wait3A_665 = tpu.memref_slice %arg6[%dma_wait3A_661, %dma_wait3A_664] : memref<50x128xi32, #tpu.memory_space<vmem>> -> memref<1x128xi32, #tpu.memory_space<vmem>>
      %dma_wait3A_666 = tpu.memref_squeeze %dma_wait3A_665 : memref<1x128xi32, #tpu.memory_space<vmem>> -> memref<128xi32, #tpu.memory_space<vmem>>
      %dma_wait3A_667 = arith.constant 0 : i32
      %dma_wait3A_668 = tpu.memref_slice %arg8[%dma_wait3A_667] : memref<1024xf32, #tpu.memory_space<vmem_shared>> -> memref<1024xf32, #tpu.memory_space<vmem_shared>>
      tpu.wait_indirect_dma semaphore(%arg9 : memref<!tpu.dma_semaphore, #tpu.memory_space<semaphore_mem>>) src(%dma_wait3A_663 : memref<128xf32, #tpu.memory_space<vmem>>) dst(%dma_wait3A_668 : memref<1024xf32, #tpu.memory_space<vmem_shared>>)
      %dma_wait3A_669 = arith.constant 32 : i32
      %dma_wait3A_670 = arith.constant 4096 : i32
      %dma_wait3A_671 = tpu.memref_slice %arg5[%dma_wait3A_670] : memref<6400xf32, #tpu.memory_space<vmem>> -> memref<128xf32, #tpu.memory_space<vmem>>
      %dma_wait3A_672 = arith.constant 0 : i32
      %dma_wait3A_673 = tpu.memref_slice %arg6[%dma_wait3A_669, %dma_wait3A_672] : memref<50x128xi32, #tpu.memory_space<vmem>> -> memref<1x128xi32, #tpu.memory_space<vmem>>
      %dma_wait3A_674 = tpu.memref_squeeze %dma_wait3A_673 : memref<1x128xi32, #tpu.memory_space<vmem>> -> memref<128xi32, #tpu.memory_space<vmem>>
      %dma_wait3A_675 = arith.constant 0 : i32
      %dma_wait3A_676 = tpu.memref_slice %arg8[%dma_wait3A_675] : memref<1024xf32, #tpu.memory_space<vmem_shared>> -> memref<1024xf32, #tpu.memory_space<vmem_shared>>
      tpu.wait_indirect_dma semaphore(%arg9 : memref<!tpu.dma_semaphore, #tpu.memory_space<semaphore_mem>>) src(%dma_wait3A_671 : memref<128xf32, #tpu.memory_space<vmem>>) dst(%dma_wait3A_676 : memref<1024xf32, #tpu.memory_space<vmem_shared>>)
      %dma_wait3A_677 = arith.constant 33 : i32
      %dma_wait3A_678 = arith.constant 4224 : i32
      %dma_wait3A_679 = tpu.memref_slice %arg5[%dma_wait3A_678] : memref<6400xf32, #tpu.memory_space<vmem>> -> memref<128xf32, #tpu.memory_space<vmem>>
      %dma_wait3A_680 = arith.constant 0 : i32
      %dma_wait3A_681 = tpu.memref_slice %arg6[%dma_wait3A_677, %dma_wait3A_680] : memref<50x128xi32, #tpu.memory_space<vmem>> -> memref<1x128xi32, #tpu.memory_space<vmem>>
      %dma_wait3A_682 = tpu.memref_squeeze %dma_wait3A_681 : memref<1x128xi32, #tpu.memory_space<vmem>> -> memref<128xi32, #tpu.memory_space<vmem>>
      %dma_wait3A_683 = arith.constant 0 : i32
      %dma_wait3A_684 = tpu.memref_slice %arg8[%dma_wait3A_683] : memref<1024xf32, #tpu.memory_space<vmem_shared>> -> memref<1024xf32, #tpu.memory_space<vmem_shared>>
      tpu.wait_indirect_dma semaphore(%arg9 : memref<!tpu.dma_semaphore, #tpu.memory_space<semaphore_mem>>) src(%dma_wait3A_679 : memref<128xf32, #tpu.memory_space<vmem>>) dst(%dma_wait3A_684 : memref<1024xf32, #tpu.memory_space<vmem_shared>>)
      %dma_wait3A_685 = arith.constant 34 : i32
      %dma_wait3A_686 = arith.constant 4352 : i32
      %dma_wait3A_687 = tpu.memref_slice %arg5[%dma_wait3A_686] : memref<6400xf32, #tpu.memory_space<vmem>> -> memref<128xf32, #tpu.memory_space<vmem>>
      %dma_wait3A_688 = arith.constant 0 : i32
      %dma_wait3A_689 = tpu.memref_slice %arg6[%dma_wait3A_685, %dma_wait3A_688] : memref<50x128xi32, #tpu.memory_space<vmem>> -> memref<1x128xi32, #tpu.memory_space<vmem>>
      %dma_wait3A_690 = tpu.memref_squeeze %dma_wait3A_689 : memref<1x128xi32, #tpu.memory_space<vmem>> -> memref<128xi32, #tpu.memory_space<vmem>>
      %dma_wait3A_691 = arith.constant 0 : i32
      %dma_wait3A_692 = tpu.memref_slice %arg8[%dma_wait3A_691] : memref<1024xf32, #tpu.memory_space<vmem_shared>> -> memref<1024xf32, #tpu.memory_space<vmem_shared>>
      tpu.wait_indirect_dma semaphore(%arg9 : memref<!tpu.dma_semaphore, #tpu.memory_space<semaphore_mem>>) src(%dma_wait3A_687 : memref<128xf32, #tpu.memory_space<vmem>>) dst(%dma_wait3A_692 : memref<1024xf32, #tpu.memory_space<vmem_shared>>)
      %dma_wait3A_693 = arith.constant 35 : i32
      %dma_wait3A_694 = arith.constant 4480 : i32
      %dma_wait3A_695 = tpu.memref_slice %arg5[%dma_wait3A_694] : memref<6400xf32, #tpu.memory_space<vmem>> -> memref<128xf32, #tpu.memory_space<vmem>>
      %dma_wait3A_696 = arith.constant 0 : i32
      %dma_wait3A_697 = tpu.memref_slice %arg6[%dma_wait3A_693, %dma_wait3A_696] : memref<50x128xi32, #tpu.memory_space<vmem>> -> memref<1x128xi32, #tpu.memory_space<vmem>>
      %dma_wait3A_698 = tpu.memref_squeeze %dma_wait3A_697 : memref<1x128xi32, #tpu.memory_space<vmem>> -> memref<128xi32, #tpu.memory_space<vmem>>
      %dma_wait3A_699 = arith.constant 0 : i32
      %dma_wait3A_700 = tpu.memref_slice %arg8[%dma_wait3A_699] : memref<1024xf32, #tpu.memory_space<vmem_shared>> -> memref<1024xf32, #tpu.memory_space<vmem_shared>>
      tpu.wait_indirect_dma semaphore(%arg9 : memref<!tpu.dma_semaphore, #tpu.memory_space<semaphore_mem>>) src(%dma_wait3A_695 : memref<128xf32, #tpu.memory_space<vmem>>) dst(%dma_wait3A_700 : memref<1024xf32, #tpu.memory_space<vmem_shared>>)
      %dma_wait3A_701 = arith.constant 36 : i32
      %dma_wait3A_702 = arith.constant 4608 : i32
      %dma_wait3A_703 = tpu.memref_slice %arg5[%dma_wait3A_702] : memref<6400xf32, #tpu.memory_space<vmem>> -> memref<128xf32, #tpu.memory_space<vmem>>
      %dma_wait3A_704 = arith.constant 0 : i32
      %dma_wait3A_705 = tpu.memref_slice %arg6[%dma_wait3A_701, %dma_wait3A_704] : memref<50x128xi32, #tpu.memory_space<vmem>> -> memref<1x128xi32, #tpu.memory_space<vmem>>
      %dma_wait3A_706 = tpu.memref_squeeze %dma_wait3A_705 : memref<1x128xi32, #tpu.memory_space<vmem>> -> memref<128xi32, #tpu.memory_space<vmem>>
      %dma_wait3A_707 = arith.constant 0 : i32
      %dma_wait3A_708 = tpu.memref_slice %arg8[%dma_wait3A_707] : memref<1024xf32, #tpu.memory_space<vmem_shared>> -> memref<1024xf32, #tpu.memory_space<vmem_shared>>
      tpu.wait_indirect_dma semaphore(%arg9 : memref<!tpu.dma_semaphore, #tpu.memory_space<semaphore_mem>>) src(%dma_wait3A_703 : memref<128xf32, #tpu.memory_space<vmem>>) dst(%dma_wait3A_708 : memref<1024xf32, #tpu.memory_space<vmem_shared>>)
      %dma_wait3A_709 = arith.constant 37 : i32
      %dma_wait3A_710 = arith.constant 4736 : i32
      %dma_wait3A_711 = tpu.memref_slice %arg5[%dma_wait3A_710] : memref<6400xf32, #tpu.memory_space<vmem>> -> memref<128xf32, #tpu.memory_space<vmem>>
      %dma_wait3A_712 = arith.constant 0 : i32
      %dma_wait3A_713 = tpu.memref_slice %arg6[%dma_wait3A_709, %dma_wait3A_712] : memref<50x128xi32, #tpu.memory_space<vmem>> -> memref<1x128xi32, #tpu.memory_space<vmem>>
      %dma_wait3A_714 = tpu.memref_squeeze %dma_wait3A_713 : memref<1x128xi32, #tpu.memory_space<vmem>> -> memref<128xi32, #tpu.memory_space<vmem>>
      %dma_wait3A_715 = arith.constant 0 : i32
      %dma_wait3A_716 = tpu.memref_slice %arg8[%dma_wait3A_715] : memref<1024xf32, #tpu.memory_space<vmem_shared>> -> memref<1024xf32, #tpu.memory_space<vmem_shared>>
      tpu.wait_indirect_dma semaphore(%arg9 : memref<!tpu.dma_semaphore, #tpu.memory_space<semaphore_mem>>) src(%dma_wait3A_711 : memref<128xf32, #tpu.memory_space<vmem>>) dst(%dma_wait3A_716 : memref<1024xf32, #tpu.memory_space<vmem_shared>>)
      %dma_wait3A_717 = arith.constant 38 : i32
      %dma_wait3A_718 = arith.constant 4864 : i32
      %dma_wait3A_719 = tpu.memref_slice %arg5[%dma_wait3A_718] : memref<6400xf32, #tpu.memory_space<vmem>> -> memref<128xf32, #tpu.memory_space<vmem>>
      %dma_wait3A_720 = arith.constant 0 : i32
      %dma_wait3A_721 = tpu.memref_slice %arg6[%dma_wait3A_717, %dma_wait3A_720] : memref<50x128xi32, #tpu.memory_space<vmem>> -> memref<1x128xi32, #tpu.memory_space<vmem>>
      %dma_wait3A_722 = tpu.memref_squeeze %dma_wait3A_721 : memref<1x128xi32, #tpu.memory_space<vmem>> -> memref<128xi32, #tpu.memory_space<vmem>>
      %dma_wait3A_723 = arith.constant 0 : i32
      %dma_wait3A_724 = tpu.memref_slice %arg8[%dma_wait3A_723] : memref<1024xf32, #tpu.memory_space<vmem_shared>> -> memref<1024xf32, #tpu.memory_space<vmem_shared>>
      tpu.wait_indirect_dma semaphore(%arg9 : memref<!tpu.dma_semaphore, #tpu.memory_space<semaphore_mem>>) src(%dma_wait3A_719 : memref<128xf32, #tpu.memory_space<vmem>>) dst(%dma_wait3A_724 : memref<1024xf32, #tpu.memory_space<vmem_shared>>)
      %dma_wait3A_725 = arith.constant 39 : i32
      %dma_wait3A_726 = arith.constant 4992 : i32
      %dma_wait3A_727 = tpu.memref_slice %arg5[%dma_wait3A_726] : memref<6400xf32, #tpu.memory_space<vmem>> -> memref<128xf32, #tpu.memory_space<vmem>>
      %dma_wait3A_728 = arith.constant 0 : i32
      %dma_wait3A_729 = tpu.memref_slice %arg6[%dma_wait3A_725, %dma_wait3A_728] : memref<50x128xi32, #tpu.memory_space<vmem>> -> memref<1x128xi32, #tpu.memory_space<vmem>>
      %dma_wait3A_730 = tpu.memref_squeeze %dma_wait3A_729 : memref<1x128xi32, #tpu.memory_space<vmem>> -> memref<128xi32, #tpu.memory_space<vmem>>
      %dma_wait3A_731 = arith.constant 0 : i32
      %dma_wait3A_732 = tpu.memref_slice %arg8[%dma_wait3A_731] : memref<1024xf32, #tpu.memory_space<vmem_shared>> -> memref<1024xf32, #tpu.memory_space<vmem_shared>>
      tpu.wait_indirect_dma semaphore(%arg9 : memref<!tpu.dma_semaphore, #tpu.memory_space<semaphore_mem>>) src(%dma_wait3A_727 : memref<128xf32, #tpu.memory_space<vmem>>) dst(%dma_wait3A_732 : memref<1024xf32, #tpu.memory_space<vmem_shared>>)
      %dma_wait3A_733 = arith.constant 40 : i32
      %dma_wait3A_734 = arith.constant 5120 : i32
      %dma_wait3A_735 = tpu.memref_slice %arg5[%dma_wait3A_734] : memref<6400xf32, #tpu.memory_space<vmem>> -> memref<128xf32, #tpu.memory_space<vmem>>
      %dma_wait3A_736 = arith.constant 0 : i32
      %dma_wait3A_737 = tpu.memref_slice %arg6[%dma_wait3A_733, %dma_wait3A_736] : memref<50x128xi32, #tpu.memory_space<vmem>> -> memref<1x128xi32, #tpu.memory_space<vmem>>
      %dma_wait3A_738 = tpu.memref_squeeze %dma_wait3A_737 : memref<1x128xi32, #tpu.memory_space<vmem>> -> memref<128xi32, #tpu.memory_space<vmem>>
      %dma_wait3A_739 = arith.constant 0 : i32
      %dma_wait3A_740 = tpu.memref_slice %arg8[%dma_wait3A_739] : memref<1024xf32, #tpu.memory_space<vmem_shared>> -> memref<1024xf32, #tpu.memory_space<vmem_shared>>
      tpu.wait_indirect_dma semaphore(%arg9 : memref<!tpu.dma_semaphore, #tpu.memory_space<semaphore_mem>>) src(%dma_wait3A_735 : memref<128xf32, #tpu.memory_space<vmem>>) dst(%dma_wait3A_740 : memref<1024xf32, #tpu.memory_space<vmem_shared>>)
      %dma_wait3A_741 = arith.constant 41 : i32
      %dma_wait3A_742 = arith.constant 5248 : i32
      %dma_wait3A_743 = tpu.memref_slice %arg5[%dma_wait3A_742] : memref<6400xf32, #tpu.memory_space<vmem>> -> memref<128xf32, #tpu.memory_space<vmem>>
      %dma_wait3A_744 = arith.constant 0 : i32
      %dma_wait3A_745 = tpu.memref_slice %arg6[%dma_wait3A_741, %dma_wait3A_744] : memref<50x128xi32, #tpu.memory_space<vmem>> -> memref<1x128xi32, #tpu.memory_space<vmem>>
      %dma_wait3A_746 = tpu.memref_squeeze %dma_wait3A_745 : memref<1x128xi32, #tpu.memory_space<vmem>> -> memref<128xi32, #tpu.memory_space<vmem>>
      %dma_wait3A_747 = arith.constant 0 : i32
      %dma_wait3A_748 = tpu.memref_slice %arg8[%dma_wait3A_747] : memref<1024xf32, #tpu.memory_space<vmem_shared>> -> memref<1024xf32, #tpu.memory_space<vmem_shared>>
      tpu.wait_indirect_dma semaphore(%arg9 : memref<!tpu.dma_semaphore, #tpu.memory_space<semaphore_mem>>) src(%dma_wait3A_743 : memref<128xf32, #tpu.memory_space<vmem>>) dst(%dma_wait3A_748 : memref<1024xf32, #tpu.memory_space<vmem_shared>>)
      %dma_wait3A_749 = arith.constant 42 : i32
      %dma_wait3A_750 = arith.constant 5376 : i32
      %dma_wait3A_751 = tpu.memref_slice %arg5[%dma_wait3A_750] : memref<6400xf32, #tpu.memory_space<vmem>> -> memref<128xf32, #tpu.memory_space<vmem>>
      %dma_wait3A_752 = arith.constant 0 : i32
      %dma_wait3A_753 = tpu.memref_slice %arg6[%dma_wait3A_749, %dma_wait3A_752] : memref<50x128xi32, #tpu.memory_space<vmem>> -> memref<1x128xi32, #tpu.memory_space<vmem>>
      %dma_wait3A_754 = tpu.memref_squeeze %dma_wait3A_753 : memref<1x128xi32, #tpu.memory_space<vmem>> -> memref<128xi32, #tpu.memory_space<vmem>>
      %dma_wait3A_755 = arith.constant 0 : i32
      %dma_wait3A_756 = tpu.memref_slice %arg8[%dma_wait3A_755] : memref<1024xf32, #tpu.memory_space<vmem_shared>> -> memref<1024xf32, #tpu.memory_space<vmem_shared>>
      tpu.wait_indirect_dma semaphore(%arg9 : memref<!tpu.dma_semaphore, #tpu.memory_space<semaphore_mem>>) src(%dma_wait3A_751 : memref<128xf32, #tpu.memory_space<vmem>>) dst(%dma_wait3A_756 : memref<1024xf32, #tpu.memory_space<vmem_shared>>)
      %dma_wait3A_757 = arith.constant 43 : i32
      %dma_wait3A_758 = arith.constant 5504 : i32
      %dma_wait3A_759 = tpu.memref_slice %arg5[%dma_wait3A_758] : memref<6400xf32, #tpu.memory_space<vmem>> -> memref<128xf32, #tpu.memory_space<vmem>>
      %dma_wait3A_760 = arith.constant 0 : i32
      %dma_wait3A_761 = tpu.memref_slice %arg6[%dma_wait3A_757, %dma_wait3A_760] : memref<50x128xi32, #tpu.memory_space<vmem>> -> memref<1x128xi32, #tpu.memory_space<vmem>>
      %dma_wait3A_762 = tpu.memref_squeeze %dma_wait3A_761 : memref<1x128xi32, #tpu.memory_space<vmem>> -> memref<128xi32, #tpu.memory_space<vmem>>
      %dma_wait3A_763 = arith.constant 0 : i32
      %dma_wait3A_764 = tpu.memref_slice %arg8[%dma_wait3A_763] : memref<1024xf32, #tpu.memory_space<vmem_shared>> -> memref<1024xf32, #tpu.memory_space<vmem_shared>>
      tpu.wait_indirect_dma semaphore(%arg9 : memref<!tpu.dma_semaphore, #tpu.memory_space<semaphore_mem>>) src(%dma_wait3A_759 : memref<128xf32, #tpu.memory_space<vmem>>) dst(%dma_wait3A_764 : memref<1024xf32, #tpu.memory_space<vmem_shared>>)
      %dma_wait3A_765 = arith.constant 44 : i32
      %dma_wait3A_766 = arith.constant 5632 : i32
      %dma_wait3A_767 = tpu.memref_slice %arg5[%dma_wait3A_766] : memref<6400xf32, #tpu.memory_space<vmem>> -> memref<128xf32, #tpu.memory_space<vmem>>
      %dma_wait3A_768 = arith.constant 0 : i32
      %dma_wait3A_769 = tpu.memref_slice %arg6[%dma_wait3A_765, %dma_wait3A_768] : memref<50x128xi32, #tpu.memory_space<vmem>> -> memref<1x128xi32, #tpu.memory_space<vmem>>
      %dma_wait3A_770 = tpu.memref_squeeze %dma_wait3A_769 : memref<1x128xi32, #tpu.memory_space<vmem>> -> memref<128xi32, #tpu.memory_space<vmem>>
      %dma_wait3A_771 = arith.constant 0 : i32
      %dma_wait3A_772 = tpu.memref_slice %arg8[%dma_wait3A_771] : memref<1024xf32, #tpu.memory_space<vmem_shared>> -> memref<1024xf32, #tpu.memory_space<vmem_shared>>
      tpu.wait_indirect_dma semaphore(%arg9 : memref<!tpu.dma_semaphore, #tpu.memory_space<semaphore_mem>>) src(%dma_wait3A_767 : memref<128xf32, #tpu.memory_space<vmem>>) dst(%dma_wait3A_772 : memref<1024xf32, #tpu.memory_space<vmem_shared>>)
      %dma_wait3A_773 = arith.constant 45 : i32
      %dma_wait3A_774 = arith.constant 5760 : i32
      %dma_wait3A_775 = tpu.memref_slice %arg5[%dma_wait3A_774] : memref<6400xf32, #tpu.memory_space<vmem>> -> memref<128xf32, #tpu.memory_space<vmem>>
      %dma_wait3A_776 = arith.constant 0 : i32
      %dma_wait3A_777 = tpu.memref_slice %arg6[%dma_wait3A_773, %dma_wait3A_776] : memref<50x128xi32, #tpu.memory_space<vmem>> -> memref<1x128xi32, #tpu.memory_space<vmem>>
      %dma_wait3A_778 = tpu.memref_squeeze %dma_wait3A_777 : memref<1x128xi32, #tpu.memory_space<vmem>> -> memref<128xi32, #tpu.memory_space<vmem>>
      %dma_wait3A_779 = arith.constant 0 : i32
      %dma_wait3A_780 = tpu.memref_slice %arg8[%dma_wait3A_779] : memref<1024xf32, #tpu.memory_space<vmem_shared>> -> memref<1024xf32, #tpu.memory_space<vmem_shared>>
      tpu.wait_indirect_dma semaphore(%arg9 : memref<!tpu.dma_semaphore, #tpu.memory_space<semaphore_mem>>) src(%dma_wait3A_775 : memref<128xf32, #tpu.memory_space<vmem>>) dst(%dma_wait3A_780 : memref<1024xf32, #tpu.memory_space<vmem_shared>>)
      %dma_wait3A_781 = arith.constant 46 : i32
      %dma_wait3A_782 = arith.constant 5888 : i32
      %dma_wait3A_783 = tpu.memref_slice %arg5[%dma_wait3A_782] : memref<6400xf32, #tpu.memory_space<vmem>> -> memref<128xf32, #tpu.memory_space<vmem>>
      %dma_wait3A_784 = arith.constant 0 : i32
      %dma_wait3A_785 = tpu.memref_slice %arg6[%dma_wait3A_781, %dma_wait3A_784] : memref<50x128xi32, #tpu.memory_space<vmem>> -> memref<1x128xi32, #tpu.memory_space<vmem>>
      %dma_wait3A_786 = tpu.memref_squeeze %dma_wait3A_785 : memref<1x128xi32, #tpu.memory_space<vmem>> -> memref<128xi32, #tpu.memory_space<vmem>>
      %dma_wait3A_787 = arith.constant 0 : i32
      %dma_wait3A_788 = tpu.memref_slice %arg8[%dma_wait3A_787] : memref<1024xf32, #tpu.memory_space<vmem_shared>> -> memref<1024xf32, #tpu.memory_space<vmem_shared>>
      tpu.wait_indirect_dma semaphore(%arg9 : memref<!tpu.dma_semaphore, #tpu.memory_space<semaphore_mem>>) src(%dma_wait3A_783 : memref<128xf32, #tpu.memory_space<vmem>>) dst(%dma_wait3A_788 : memref<1024xf32, #tpu.memory_space<vmem_shared>>)
      %dma_wait3A_789 = arith.constant 47 : i32
      %dma_wait3A_790 = arith.constant 6016 : i32
      %dma_wait3A_791 = tpu.memref_slice %arg5[%dma_wait3A_790] : memref<6400xf32, #tpu.memory_space<vmem>> -> memref<128xf32, #tpu.memory_space<vmem>>
      %dma_wait3A_792 = arith.constant 0 : i32
      %dma_wait3A_793 = tpu.memref_slice %arg6[%dma_wait3A_789, %dma_wait3A_792] : memref<50x128xi32, #tpu.memory_space<vmem>> -> memref<1x128xi32, #tpu.memory_space<vmem>>
      %dma_wait3A_794 = tpu.memref_squeeze %dma_wait3A_793 : memref<1x128xi32, #tpu.memory_space<vmem>> -> memref<128xi32, #tpu.memory_space<vmem>>
      %dma_wait3A_795 = arith.constant 0 : i32
      %dma_wait3A_796 = tpu.memref_slice %arg8[%dma_wait3A_795] : memref<1024xf32, #tpu.memory_space<vmem_shared>> -> memref<1024xf32, #tpu.memory_space<vmem_shared>>
      tpu.wait_indirect_dma semaphore(%arg9 : memref<!tpu.dma_semaphore, #tpu.memory_space<semaphore_mem>>) src(%dma_wait3A_791 : memref<128xf32, #tpu.memory_space<vmem>>) dst(%dma_wait3A_796 : memref<1024xf32, #tpu.memory_space<vmem_shared>>)
      %dma_wait3A_797 = arith.constant 48 : i32
      %dma_wait3A_798 = arith.constant 6144 : i32
      %dma_wait3A_799 = tpu.memref_slice %arg5[%dma_wait3A_798] : memref<6400xf32, #tpu.memory_space<vmem>> -> memref<128xf32, #tpu.memory_space<vmem>>
      %dma_wait3A_800 = arith.constant 0 : i32
      %dma_wait3A_801 = tpu.memref_slice %arg6[%dma_wait3A_797, %dma_wait3A_800] : memref<50x128xi32, #tpu.memory_space<vmem>> -> memref<1x128xi32, #tpu.memory_space<vmem>>
      %dma_wait3A_802 = tpu.memref_squeeze %dma_wait3A_801 : memref<1x128xi32, #tpu.memory_space<vmem>> -> memref<128xi32, #tpu.memory_space<vmem>>
      %dma_wait3A_803 = arith.constant 0 : i32
      %dma_wait3A_804 = tpu.memref_slice %arg8[%dma_wait3A_803] : memref<1024xf32, #tpu.memory_space<vmem_shared>> -> memref<1024xf32, #tpu.memory_space<vmem_shared>>
      tpu.wait_indirect_dma semaphore(%arg9 : memref<!tpu.dma_semaphore, #tpu.memory_space<semaphore_mem>>) src(%dma_wait3A_799 : memref<128xf32, #tpu.memory_space<vmem>>) dst(%dma_wait3A_804 : memref<1024xf32, #tpu.memory_space<vmem_shared>>)
      %dma_wait3A_805 = arith.constant 49 : i32
      %dma_wait3A_806 = arith.constant 6272 : i32
      %dma_wait3A_807 = tpu.memref_slice %arg5[%dma_wait3A_806] : memref<6400xf32, #tpu.memory_space<vmem>> -> memref<128xf32, #tpu.memory_space<vmem>>
      %dma_wait3A_808 = arith.constant 0 : i32
      %dma_wait3A_809 = tpu.memref_slice %arg6[%dma_wait3A_805, %dma_wait3A_808] : memref<50x128xi32, #tpu.memory_space<vmem>> -> memref<1x128xi32, #tpu.memory_space<vmem>>
      %dma_wait3A_810 = tpu.memref_squeeze %dma_wait3A_809 : memref<1x128xi32, #tpu.memory_space<vmem>> -> memref<128xi32, #tpu.memory_space<vmem>>
      %dma_wait3A_811 = arith.constant 0 : i32
      %dma_wait3A_812 = tpu.memref_slice %arg8[%dma_wait3A_811] : memref<1024xf32, #tpu.memory_space<vmem_shared>> -> memref<1024xf32, #tpu.memory_space<vmem_shared>>
      tpu.wait_indirect_dma semaphore(%arg9 : memref<!tpu.dma_semaphore, #tpu.memory_space<semaphore_mem>>) src(%dma_wait3A_807 : memref<128xf32, #tpu.memory_space<vmem>>) dst(%dma_wait3A_812 : memref<1024xf32, #tpu.memory_space<vmem_shared>>)
    } else {
    }
    %barrier3A_7 = arith.constant 0 : index
    tpu.barrier barrier_id(%barrier3A_7)
    %eq3A_8 = arith.constant 0 : i32
    %eq3A_9 = arith.cmpi eq, %arg0, %eq3A_8 : i32
    %eq3A_10 = arith.constant 0 : i32
    %eq3A_11 = arith.cmpi eq, %arg1, %eq3A_10 : i32
    %and3A = arith.andi %eq3A_9, %eq3A_11 : i1
    %convert_element_type3A_12 = arith.extui %and3A : i1 to i32
    %cond3A_13 = arith.constant 0 : i32
    %cond3A_14 = arith.cmpi ne, %convert_element_type3A_12, %cond3A_13 : i32
    scf.if %cond3A_14 {
      "tpu.region"() ({
        %run_scoped3A = tpu.sem_alloc : memref<!tpu.dma_semaphore, #tpu.memory_space<semaphore_mem>>
        %dma_start3A = arith.constant 0 : i32
        %dma_start3A_15 = tpu.memref_slice %arg8[%dma_start3A] : memref<1024xf32, #tpu.memory_space<vmem_shared>> -> memref<512xf32, #tpu.memory_space<vmem_shared>>
        tpu.enqueue_dma source(%dma_start3A_15 : memref<512xf32, #tpu.memory_space<vmem_shared>>) target(%arg4 : memref<512xf32, #tpu.memory_space<hbm>>) target_semaphore(%run_scoped3A : memref<!tpu.dma_semaphore, #tpu.memory_space<semaphore_mem>>)
        %dma_wait3A = arith.constant 0 : i32
        %dma_wait3A_16 = tpu.memref_slice %arg8[%dma_wait3A] : memref<1024xf32, #tpu.memory_space<vmem_shared>> -> memref<512xf32, #tpu.memory_space<vmem_shared>>
        tpu.wait_dma2 semaphore(%run_scoped3A : memref<!tpu.dma_semaphore, #tpu.memory_space<semaphore_mem>>) src(%dma_wait3A_16 : memref<512xf32, #tpu.memory_space<vmem_shared>>) dst(%arg4 : memref<512xf32, #tpu.memory_space<hbm>>)
        tpu.yield
      }) : () -> ()
    } else {
    }
    return
  }
}

module attributes {stable_mosaic.version = 14 : i64} {
  func.func @_tc_body(%arg0: i32, %arg1: memref<10240x128xf32, #tpu.memory_space<vmem>>, %arg2: memref<3x10240xf32, #tpu.memory_space<vmem>>, %arg3: memref<128x128xf32, #tpu.memory_space<vmem>>, %arg4: memref<3x128xf32, #tpu.memory_space<vmem>>, %arg5: memref<1x128xf32, #tpu.memory_space<vmem>>, %arg6: memref<128x1xf32, #tpu.memory_space<vmem>>, %arg7: memref<1x128xf32, #tpu.memory_space<vmem>>, %arg8: memref<10240xf32, #tpu.memory_space<vmem>>, %arg9: memref<3x10240xf32, #tpu.memory_space<vmem>>) attributes {dimension_semantics = [#tpu.dimension_semantics<arbitrary>], iteration_bounds = array<i64: 10>, scalar_prefetch = 0 : i64, scratch_operands = 0 : i64, tpu.core_type = #tpu.core_type<tc>, window_params = [{transform_indices = @transform_0, window_bounds = array<i64: 10240, 128>}, {transform_indices = @transform_1, window_bounds = array<i64: 3, 10240>}, {pipeline_mode = #tpu.pipeline_mode<synchronous>, transform_indices = @transform_2, window_bounds = array<i64: 128, 128>}, {pipeline_mode = #tpu.pipeline_mode<synchronous>, transform_indices = @transform_3, window_bounds = array<i64: 3, 128>}, {pipeline_mode = #tpu.pipeline_mode<synchronous>, transform_indices = @transform_4, window_bounds = array<i64: 1, 128>}, {pipeline_mode = #tpu.pipeline_mode<synchronous>, transform_indices = @transform_5, window_bounds = array<i64: 128, 1>}, {pipeline_mode = #tpu.pipeline_mode<synchronous>, transform_indices = @transform_6, window_bounds = array<i64: 1, 128>}, {transform_indices = @transform_7, window_bounds = array<i64: 10240>}, {transform_indices = @transform_8, window_bounds = array<i64: 3, 10240>}]} {
    %get3A = arith.constant 0 : index
    %get3A_0 = arith.constant 0 : index
    %get3A_1 = vector.load %arg1[%get3A, %get3A_0] : memref<10240x128xf32, #tpu.memory_space<vmem>>, vector<10240x128xf32>
    %get3A_2 = arith.constant 0 : index
    %get3A_3 = arith.constant 0 : index
    %get3A_4 = vector.load %arg3[%get3A_2, %get3A_3] : memref<128x128xf32, #tpu.memory_space<vmem>>, vector<128x128xf32>
    %dot_general3A = arith.constant dense<0.000000e+00> : vector<10240x128xf32>
    %dot_general3A_5 = tpu.matmul %get3A_1, %get3A_4, %dot_general3A {dimension_numbers = #tpu.dot_dimension_numbers<[1], [0], [0], [1], [0, 0, 1, 1], [], []>, transpose_lhs_hint = false} : vector<10240x128xf32>, vector<128x128xf32>, vector<10240x128xf32> -> vector<10240x128xf32>
    %get3A_6 = arith.constant 0 : index
    %get3A_7 = arith.constant 0 : index
    %get3A_8 = vector.load %arg2[%get3A_6, %get3A_7] : memref<3x10240xf32, #tpu.memory_space<vmem>>, vector<3x10240xf32>
    %get3A_9 = arith.constant 0 : index
    %get3A_10 = arith.constant 0 : index
    %get3A_11 = vector.load %arg4[%get3A_9, %get3A_10] : memref<3x128xf32, #tpu.memory_space<vmem>>, vector<3x128xf32>
    %dot_general3A_12 = arith.constant dense<0.000000e+00> : vector<10240x128xf32>
    %dot_general3A_13 = tpu.matmul %get3A_8, %get3A_11, %dot_general3A_12 {dimension_numbers = #tpu.dot_dimension_numbers<[0], [0], [1], [1], [0, 1, 1, 1], [], []>, transpose_lhs_hint = false} : vector<3x10240xf32>, vector<3x128xf32>, vector<10240x128xf32> -> vector<10240x128xf32>
    %add3A = arith.addf %dot_general3A_5, %dot_general3A_13 : vector<10240x128xf32>
    %get3A_14 = arith.constant 0 : index
    %get3A_15 = arith.constant 0 : index
    %get3A_16 = vector.load %arg5[%get3A_14, %get3A_15] : memref<1x128xf32, #tpu.memory_space<vmem>>, vector<1x128xf32>
    %add3A_17 = vector.broadcast %get3A_16 : vector<1x128xf32> to vector<10240x128xf32>
    %add3A_18 = arith.addf %add3A, %add3A_17 : vector<10240x128xf32>
    %logistic3A = arith.negf %add3A_18 : vector<10240x128xf32>
    %logistic3A_19 = math.exp %logistic3A : vector<10240x128xf32>
    %logistic3A_20 = arith.constant 1.000000e+00 : f32
    %logistic3A_21 = vector.broadcast %logistic3A_20 : f32 to vector<10240x128xf32>
    %logistic3A_22 = arith.addf %logistic3A_21, %logistic3A_19 : vector<10240x128xf32>
    %logistic3A_23 = arith.divf %logistic3A_21, %logistic3A_22 : vector<10240x128xf32>
    %mul3A = arith.mulf %add3A_18, %logistic3A_23 : vector<10240x128xf32>
    %get3A_24 = arith.constant 0 : index
    %get3A_25 = arith.constant 0 : index
    %get3A_26 = vector.load %arg6[%get3A_24, %get3A_25] : memref<128x1xf32, #tpu.memory_space<vmem>>, vector<128x1xf32>
    %dot_general3A_27 = arith.constant dense<0.000000e+00> : vector<1x10240xf32>
    %dot_general3A_28 = tpu.matmul %get3A_26, %mul3A, %dot_general3A_27 {dimension_numbers = #tpu.dot_dimension_numbers<[0], [1], [1], [0], [0, 1, 1, 0], [], []>, transpose_lhs_hint = false} : vector<128x1xf32>, vector<10240x128xf32>, vector<1x10240xf32> -> vector<1x10240xf32>
    %reshape3A = vector.shape_cast %dot_general3A_28 : vector<1x10240xf32> to vector<10240xf32>
    %swap3A = arith.constant 0 : index
    %swap3A_29 = vector.load %arg8[%swap3A] : memref<10240xf32, #tpu.memory_space<vmem>>, vector<10240xf32>
    tpu.vector_store %arg8[%swap3A], %reshape3A {strides = array<i32>} : memref<10240xf32, #tpu.memory_space<vmem>>, vector<10240xf32>,
    %sub3A = arith.constant 1.000000e+00 : f32
    %sub3A_30 = vector.broadcast %sub3A : f32 to vector<10240x128xf32>
    %sub3A_31 = arith.subf %sub3A_30, %logistic3A_23 : vector<10240x128xf32>
    %mul3A_32 = arith.mulf %mul3A, %sub3A_31 : vector<10240x128xf32>
    %add3A_33 = arith.addf %logistic3A_23, %mul3A_32 : vector<10240x128xf32>
    %get3A_34 = arith.constant 0 : index
    %get3A_35 = arith.constant 0 : index
    %get3A_36 = vector.load %arg7[%get3A_34, %get3A_35] : memref<1x128xf32, #tpu.memory_space<vmem>>, vector<1x128xf32>
    %mul3A_37 = vector.broadcast %get3A_36 : vector<1x128xf32> to vector<10240x128xf32>
    %mul3A_38 = arith.mulf %add3A_33, %mul3A_37 : vector<10240x128xf32>
    %get3A_39 = arith.constant 0 : index
    %get3A_40 = arith.constant 0 : index
    %get3A_41 = vector.load %arg4[%get3A_39, %get3A_40] : memref<3x128xf32, #tpu.memory_space<vmem>>, vector<3x128xf32>
    %dot_general3A_42 = arith.constant dense<0.000000e+00> : vector<3x10240xf32>
    %dot_general3A_43 = tpu.matmul %get3A_41, %mul3A_38, %dot_general3A_42 {dimension_numbers = #tpu.dot_dimension_numbers<[1], [1], [0], [0], [0, 0, 1, 0], [], []>, transpose_lhs_hint = false} : vector<3x128xf32>, vector<10240x128xf32>, vector<3x10240xf32> -> vector<3x10240xf32>
    %neg3A = arith.constant 0.000000e+00 : f32
    %neg3A_44 = vector.broadcast %neg3A : f32 to vector<3x10240xf32>
    %neg3A_45 = arith.subf %neg3A_44, %dot_general3A_43 : vector<3x10240xf32>
    %swap3A_46 = arith.constant 0 : index
    %swap3A_47 = arith.constant 0 : index
    %swap3A_48 = vector.load %arg9[%swap3A_46, %swap3A_47] : memref<3x10240xf32, #tpu.memory_space<vmem>>, vector<3x10240xf32>
    tpu.vector_store %arg9[%swap3A_46, %swap3A_47], %neg3A_45 {strides = array<i32>} : memref<3x10240xf32, #tpu.memory_space<vmem>>, vector<3x10240xf32>,
    return
  }
  func.func @transform_0(%arg0: i32) -> (i32, i32) {
    %c0_i32 = arith.constant 0 : i32
    %c0_i32_0 = arith.constant 0 : i32
    return %arg0, %c0_i32 : i32, i32
  }
  func.func @transform_1(%arg0: i32) -> (i32, i32) {
    %c0_i32 = arith.constant 0 : i32
    %c0_i32_0 = arith.constant 0 : i32
    return %c0_i32, %arg0 : i32, i32
  }
  func.func @transform_2(%arg0: i32) -> (i32, i32) {
    %c0_i32 = arith.constant 0 : i32
    %c0_i32_0 = arith.constant 0 : i32
    %c0_i32_1 = arith.constant 0 : i32
    return %c0_i32, %c0_i32_0 : i32, i32
  }
  func.func @transform_3(%arg0: i32) -> (i32, i32) {
    %c0_i32 = arith.constant 0 : i32
    %c0_i32_0 = arith.constant 0 : i32
    %c0_i32_1 = arith.constant 0 : i32
    return %c0_i32, %c0_i32_0 : i32, i32
  }
  func.func @transform_4(%arg0: i32) -> (i32, i32) {
    %c0_i32 = arith.constant 0 : i32
    %c0_i32_0 = arith.constant 0 : i32
    %c0_i32_1 = arith.constant 0 : i32
    return %c0_i32, %c0_i32_0 : i32, i32
  }
  func.func @transform_5(%arg0: i32) -> (i32, i32) {
    %c0_i32 = arith.constant 0 : i32
    %c0_i32_0 = arith.constant 0 : i32
    %c0_i32_1 = arith.constant 0 : i32
    return %c0_i32, %c0_i32_0 : i32, i32
  }
  func.func @transform_6(%arg0: i32) -> (i32, i32) {
    %c0_i32 = arith.constant 0 : i32
    %c0_i32_0 = arith.constant 0 : i32
    %c0_i32_1 = arith.constant 0 : i32
    return %c0_i32, %c0_i32_0 : i32, i32
  }
  func.func @transform_7(%arg0: i32) -> i32 {
    %c0_i32 = arith.constant 0 : i32
    return %arg0 : i32
  }
  func.func @transform_8(%arg0: i32) -> (i32, i32) {
    %c0_i32 = arith.constant 0 : i32
    %c0_i32_0 = arith.constant 0 : i32
    return %c0_i32, %arg0 : i32, i32
  }
}

</mosaic_0001>

<sc_bundles>
// kernel: kernel.4.cloned.1.call-start
scs
__scs_entry_jumppad:
0x0: {  	(pc) =	sbr.rel $0x88, $3  }
0x1: {  	(tag) =	ssettag $0x0;
	lr =	simm.s32 $0x1  }
0x2: {  	[smem:$0x3F9A] =	sst lr;
	_ =	strace $0xD0000000  }
0x3: {  	_ = 	snop  }
0x4: {  	_ = 	snop  }
0x5: {  	_ = 	snop  }
0x6: {  	_ = 	snop  }
0x7: {  	_ = 	snop  }
__scs_overlays_trampoline_lowered:
0x8: {  	[smem:$0x3FA9] =	sst s0  }
0x9: {  	[smem:$0x3FAA] =	sst s1  }
0xa: {  	[smem:$0x3FAB] =	sst s2  }
0xb: {  	[smem:$0x3FAC] =	sst s3  }
0xc: {  	[smem:$0x3FAD] =	sst s4  }
0xd: {  	[smem:$0x3FAE] =	sst s5  }
0xe: {  	[smem:$0x3FAF] =	sst s6  }
0xf: {  	[smem:$0x3FB0] =	sst s7  }
0x10: {  	[smem:$0x3FB1] =	sst s8  }
0x11: {  	[smem:$0x3FB2] =	sst s9;
	s0 =	simm.s32 @!p0 $0x0  }
0x12: {  	s1 =	sld [smem:$0x3F98];
	s0 =	simm.s32 @p0 $0x1  }
0x13: {  	[smem:$0x3FB3] =	sst s0;
	s0 =	simm.s32 @!p1 $0x0  }
0x14: {  	s2 =	sld [smem:$0x3F97];
	s0 =	simm.s32 @p1 $0x1  }
0x15: {  	[smem:$0x3FB4] =	sst s0;
	s0 =	simm.s32 @!p2 $0x0  }
0x16: {  	s3 =	sld [smem:$0x3FDB];
	s0 =	simm.s32 @p2 $0x1  }
0x17: {  	s4 =	simm.s32 $0x1BF5;
	[smem:$0x3FB6] =	sst s0  }
0x18: {  	s0 =	sld [smem:$0x3F99];
	_ =	swait.ge [sflag:s4], $0x0  }
0x19: {  	s7 =	sld [smem:$0x3F9A]  }
0x1a: {  	s8 =	sadd.s32 $0xFFFFE003, lr  }
0x1b: {  	s9 =	sadd.s32 $0xFFFFFEF7, lr;
	s5 =	simm.s32 $0xFFFFFFFF;
	p2 =	slt.u32 s8, $0xFFFFF086  }
0x1c: {  	p1 =	slt.u32 s9, $0xF7A;
	s5 =	simm.s32 @!p2 $0x0  }
0x1d: {  	s5 =	simm.s32 @p1 $0x1;
	p0 =	seq.s32 s7, s2  }
0x1e: {  	s7 =	smul.u32 @!p0 $0xF7A, s2;
	p2 =	seq.s32 @!p0 s5, $0x0  }
0x1f: {  	s9 =	smul.u32 $0xF7A, s1;
	s8 =	simm.s32 @!p0 $0x1BF5;
	p2 =	por !p2, p0  }
0x20: {  	[sflag:s8] =	ssyncset.s32 @!p0 $0xFFFFF086;
	s6 =	sadd.s32 @!p0 s3, s7;
	s7 =	simm.s32 @!p0 $0x108  }
0x21: {  	s3 =	sadd.s32 s3, s9;
	s6 =	sadd.s32 @!p0 $0x88, s6;
	s7 =	simm.s32 @p2 $0x1082  }
0x22: {  	[simem:s7], [sflag:s8] =	dma.local @!p0 [hbm:s6], $0xF7A  }
0x23: {  	s9 =	sor.u32 $0xD0000000, s2;
	s6 =	simm.s32 $0x108;
	_ =	swait.ge @!p0 [sflag:s8], $0x0  }
0x24: {  	s3 =	sadd.s32 $0x88, s3;
	s6 =	simm.s32 @!p1 $0x1082;
	[sflag:s4] =	ssyncset.s32 $0xFFFFF086  }
0x25: {  	[simem:s6], [sflag:s4] =	dma.local [hbm:s3], $0xF7A  }
0x26: {  	[smem:$0x3F9A] =	sst s1;
	(tag) =	ssettag s2;
	_ =	strace s9  }
0x27: {  	s1 =	sld [smem:$0x3FAA]  }
0x28: {  	s2 =	sld [smem:$0x3FAB]  }
0x29: {  	s4 =	sld [smem:$0x3FAD]  }
0x2a: {  	p0 =	seq.s32 s5, $0x0;
	s5 =	sld [smem:$0x3FAE]  }
0x2b: {  	s6 =	sld [smem:$0x3FAF]  }
0x2c: {  	s7 =	sld [smem:$0x3FB0]  }
0x2d: {  	s3 =	simm.s32 $0x108;
	s8 =	sld [smem:$0x3FB1]  }
0x2e: {  	s3 =	simm.s32 @!p0 $0x1082;
	s9 =	sld [smem:$0x3FB2]  }
0x2f: {  	lr =	sadd.s32 s0, s3;
	s0 =	sld [smem:$0x3FA9]  }
0x30: {  	s3 =	sld [smem:$0x3FAC]  }
0x31: {  	[smem:$0x3FB5] =	sst s10  }
0x32: {  	s10 =	sld [smem:$0x3FB3];
	_ =	sdelay $0x3  }
0x33: {  	p0 =	seq.s32 s10, $0x1;
	s10 =	sld [smem:$0x3FB5];
	_ =	sdelay $0x3  }
0x34: {  	[smem:$0x3FB5] =	sst s10  }
0x35: {  	s10 =	sld [smem:$0x3FB4];
	_ =	sdelay $0x3  }
0x36: {  	p1 =	seq.s32 s10, $0x1;
	s10 =	sld [smem:$0x3FB5];
	_ =	sdelay $0x3  }
0x37: {  	[smem:$0x3FB5] =	sst s10  }
0x38: {  	s10 =	sld [smem:$0x3FB6]  }
0x39: {  	_ = 	snop;
	(pc) =	sbr.ind lr, $3  }
0x3a: {  	_ = 	snop  }
0x3b: {  	_ = 	snop  }
0x3c: {  	p2 =	seq.s32 s10, $0x1;
	s10 =	sld [smem:$0x3FB5]  }
0x3d: {  	_ =	shalt  }
0x3e: {  	_ =	shalt  }
0x3f: {  	_ =	shalt  }
0x40: {  	_ =	shalt  }
0x41: {  	_ =	shalt  }
0x42: {  	_ =	shalt  }
0x43: {  	_ =	shalt  }
0x44: {  	_ =	shalt  }
0x45: {  	_ =	shalt  }
0x46: {  	_ =	shalt  }
0x47: {  	_ =	shalt  }
0x48: {  	_ =	shalt  }
0x49: {  	_ =	shalt  }
0x4a: {  	_ =	shalt  }
0x4b: {  	_ =	shalt  }
0x4c: {  	_ =	shalt  }
0x4d: {  	_ =	shalt  }
0x4e: {  	_ =	shalt  }
0x4f: {  	_ =	shalt  }
0x50: {  	_ =	shalt  }
0x51: {  	_ =	shalt  }
0x52: {  	_ =	shalt  }
0x53: {  	_ =	shalt  }
0x54: {  	_ =	shalt  }
0x55: {  	_ =	shalt  }
0x56: {  	_ =	shalt  }
0x57: {  	_ =	shalt  }
0x58: {  	_ =	shalt  }
0x59: {  	_ =	shalt  }
0x5a: {  	_ =	shalt  }
0x5b: {  	_ =	shalt  }
0x5c: {  	_ =	shalt  }
0x5d: {  	_ =	shalt  }
0x5e: {  	_ =	shalt  }
0x5f: {  	_ =	shalt  }
0x60: {  	_ =	shalt  }
0x61: {  	_ =	shalt  }
0x62: {  	_ =	shalt  }
0x63: {  	_ =	shalt  }
0x64: {  	_ =	shalt  }
0x65: {  	_ =	shalt  }
0x66: {  	_ =	shalt  }
0x67: {  	_ =	shalt  }
0x68: {  	_ =	shalt  }
0x69: {  	_ =	shalt  }
0x6a: {  	_ =	shalt  }
0x6b: {  	_ =	shalt  }
0x6c: {  	_ =	shalt  }
0x6d: {  	_ =	shalt  }
0x6e: {  	_ =	shalt  }
0x6f: {  	_ =	shalt  }
0x70: {  	_ =	shalt  }
0x71: {  	_ =	shalt  }
0x72: {  	_ =	shalt  }
0x73: {  	_ =	shalt  }
0x74: {  	_ =	shalt  }
0x75: {  	_ =	shalt  }
0x76: {  	_ =	shalt  }
0x77: {  	_ =	shalt  }
0x78: {  	_ =	shalt  }
0x79: {  	_ =	shalt  }
0x7a: {  	_ =	shalt  }
0x7b: {  	_ =	shalt  }
0x7c: {  	_ =	shalt  }
0x7d: {  	_ =	shalt  }
0x7e: {  	_ =	shalt  }
0x7f: {  	_ =	shalt  }
0x80: {  	_ =	shalt  }
0x81: {  	_ =	shalt  }
0x82: {  	_ =	shalt  }
0x83: {  	_ =	shalt  }
0x84: {  	_ =	shalt  }
0x85: {  	_ =	shalt  }
0x86: {  	_ =	shalt  }
0x87: {  	_ =	shalt  }
.Lfunc_end0:
.L_simem_size_0:
called_computation_lowered:
.L_overlay_start_0:
0x88: {  	s2 =	sld [smem:$0x3FD9]  }
0x89: {  	s3 =	sld [smem:$0x3FFE];
	_ =	sdelay $0x1  }
0x8a: {  	s1 =	srdreg.scid  }
0x8b: {  	s0 =	sand.u32 $0x1, s1  }
0x8c: {  	s14 =	sshll.u32 s0, $0xA;
	s2 =	sadd.s32 s3, s2  }
0x8d: {  	s2 =	sadd.s32 s2, s14  }
0x8e: {  	[smem:$0x3FC1] =	sst s2  }
0x8f: {  	_ = 	snop  }
0x90: {  	s2 =	sld [smem:$0x3FD0];
	_ =	sdelay $0x2  }
0x91: {  	s15 =	simm.s32 $0xA;
	s4 =	simm.s32 $0x10  }
0x92: {  	[smem:s4], [sflag:s15] =	dma.local [hbm:s2], $0x1  }
0x93: {  	_ =	swait.eq [sflag:s15], $0x1  }
0x94: {  	[sflag:s15] =	ssyncset.done $0x0  }
0x95: {  	[sflag:s15] =	ssyncadd.s32 $0xFFFFFFFF  }
0x96: {  	s16 =	sld [smem:$0x10];
	(tm) =	ssettm $0x1  }
0x97: {  	s17 =	sld [smem:$0x3FFB];
	_ =	sdelay $0x3  }
0x98: {  	_ =	strace s17  }
0x99: {  	s3 =	sld [smem:$0x3FFC];
	_ =	sdelay $0x3  }
0x9a: {  	_ =	strace s3  }
0x9b: {  	s3 =	sld [smem:$0x3FFD];
	_ =	sdelay $0x3  }
0x9c: {  	_ =	strace s3  }
0x9d: {  	_ =	strace $0x8FFFFFFF  }
0x9e: {  	s18 =	sld [smem:$0x3FDB];
	_ =	sdelay $0x1  }
0x9f: {  	s19 =	simm.s32 $_scs_section_size  }
0xa0: {  	s5 =	simm.s32 $_size__tile_overlayer_lowered;
	s6 =	simm.s32 $_tile_overlayer_lowered  }
0xa1: {  	s22 =	simm.s32 $0x1BFF;
	s21 =	sshll.u32 s6, $0x1;
	s3 =	sadd.s32 s19, s18  }
0xa2: {  	s7 =	simm.s32 $0x0;
	s20 =	sshll.u32 s5, $0x1;
	s5 =	sadd.s32 s21, s3  }
0xa3: {  	[timem:s7], [sflag:s22] =	dma.local [hbm:s5], s20  }
0xa4: {  	_ =	swait.ge [sflag:s22], s20  }
0xa5: {  	s4 =	ssub.s32 $0x0, s20;
	[sflag:s22] =	ssyncset.done $0x0  }
0xa6: {  	[sflag:s22] =	ssyncadd.s32 s4;
	_ =	sdelay $0x1  }
0xa7: {  	s23 =	simm.s32 $0x1B8B  }
0xa8: {  	_ =	swait.ge [sflag:s23], $0x1  }
0xa9: {  	[sflag:s23] =	ssyncset.done $0x0  }
0xaa: {  	s25 =	simm.s32 $0x1B8E;
	s24 =	sld [smem:$0x3FFE];
	[sflag:s23] =	ssyncadd.s32 $0xFFFFFFFF  }
0xab: {  	s26 =	simm.s32 $execute0_lowered;
	[smem:$0x3FD2] =	sst s25  }
0xac: {  	s5 =	sshll.u32 s26, $0x1;
	_ =	strace $0x80000046;
	[dreg:$0x1] =	wrdreg $0xFFFFFFFF  }
0xad: {  	s28 =	simm.s32 $_size_execute0_lowered;
	s3 =	sadd.s32 s3, s5;
	[dreg:$0x0] =	wrdreg $0x0  }
0xae: {  	s5 =	sshll.u32 s28, $0x1;
	[dreg:$0x2] =	wrdreg s3  }
0xaf: {  	[dreg:$0x3] =	wrdreg s5  }
0xb0: {  	[dreg:$0x4] =	wrdreg $0xC0  }
0xb1: {  	_ =	task [dreg:s7], $0x5FFFF  }
0xb2: {  	[dreg:$0x1] =	wrdreg $0xFFFFFFFF  }
0xb3: {  	[dreg:$0x0] =	wrdreg $0x60  }
0xb4: {  	[dreg:$0x2] =	wrdreg s24  }
0xb5: {  	[dreg:$0x3] =	wrdreg s16  }
0xb6: {  	[dreg:$0x4] =	wrdreg $0x39000  }
0xb7: {  	[dreg:$0x5] =	wrdreg $0x9  }
0xb8: {  	_ =	task.clear_ibuf [dreg:s7], $0x6FFFF;
	_ =	strace $0x90000046  }
0xb9: {  	s29 =	simm.s32 $0x9;
	_ =	strace $0x80000048  }
0xba: {  	_ =	swait.ge [sflag:s29], $0x1  }
0xbb: {  	[sflag:s29] =	ssyncadd.s32 $0xFFFFFFFF  }
0xbc: {  	_ =	strace $0x90000048  }
0xbd: {  	_ =	sfence  }
0xbe: {  	s30 =	sld [smem:$0x0];
	_ =	sdelay $0x2  }
0xbf: {  	s31 =	sshll.u32 s1, $0xD;
	s1 =	sshrl.u32 s1, $0x2  }
0xc0: {  	s3 =	sand.u32 $0x4000, s31;
	s1 =	sadd.s32 s1, s30  }
0xc1: {  	s0 =	sor.u32 s3, s0;
	s1 =	sshll.u32 s1, $0x11  }
0xc2: {  	s0 =	sor.u32 s1, s0  }
0xc3: {  	s0 =	sadd.s32 $0x8F2B, s0  }
0xc4: {  	[sflag:s0] =	ssyncadd.remote.s32 $0x1  }
0xc5: {  	_ =	sfence.sel $0xFFFF  }
0xc6: {  	[dreg:$0x0] =	wrdreg $0xFFFFFFFF;
	(pc) =	sbr.abs _section_cstart, $3  }
0xc7: {  	[dreg:$0x1] =	wrdreg $0xFFFFFFFF  }
0xc8: {  	_ =	task.clear_ibuf [dreg:s7], $0x2FFFF;
	_ =	strace $0x9FFFFFFF  }
0xc9: {  	(tm) =	ssettm $0x7FFFFFFF  }
tec
execute0_lowered:
.L_overlay_start_1:
0x0: {  	(tag) =	ssettag $0x1  }
0x1: {  	s0 =	rddreg [dreg:$0x0]  }
0x2: {  	s1 =	rddreg [dreg:$0x1]  }
0x3: {  	s2 =	rddreg [dreg:$0x2];
	s3 =	stileid.u32  }
0x4: {  	s5 =	srdreg.scid;
	s4 =	simm.s32 $0x0;
	s11 =	simm.s32 $0x80  }
0x5: {  	s29 =	simm.s32 $0x2D80;
	s30 =	simm.s32 $0x1480;
	s31 =	simm.s32 $0x2E00  }
0x6: {  	s10 =	simm.s32 $0x2E80;
	s12 =	simm.s32 $0x1580;
	s13 =	simm.s32 $0x2F00  }
0x7: {  	s14 =	simm.s32 $0x1600;
	s15 =	simm.s32 $0x2F80;
	s16 =	simm.s32 $0x1680  }
0x8: {  	s17 =	simm.s32 $0x3000;
	s18 =	simm.s32 $0x1700;
	s19 =	simm.s32 $0x3080  }
0x9: {  	s20 =	simm.s32 $0x1780;
	s21 =	simm.s32 $0x3100;
	s22 =	simm.s32 $0x1800  }
0xa: {  	s23 =	simm.s32 $0x3180;
	s24 =	simm.s32 $0x1880;
	s25 =	simm.s32 $0x1  }
0xb: {  	s6 =	smul.u32 $0x320, s3;
	s8 =	sand.u32 $0x1, s5;
	[smem:$0x7FF] =	sst s4  }
0xc: {  	s26 =	smul.u32 $0x380, s3;
	p0 =	sne.s32 s3, $0x0;
	s7 =	ssub.s32 $0x2, s8  }
.Ltmp0:
0xd: {  	_ =	strace $0x80000047;
	s28 =	sor.u32 s3, s8;
	(pc) =	sbr.rel .LBB2_1-.Ltmp0, $4  }
0xe: {  	p1 =	sne.s32 s8, $0x0;
	s8 =	simm.s32 $0x2;
	s6 =	sadd.s32 s6, s0  }
0xf: {  	s9 =	sshrl.u32 s7, $0x1;
	s0 =	sadd.s32 s26, s0;
	p2 =	sne.s32 s28, $0x0  }
0x10: {  	s7 =	ssub.s32 s7, s9;
	s5 =	sadd.s32 $0x4A00, s6;
	s6 =	sadd.s32 $0x1200, s0  }
0x11: {  	v0 =	vimm.f32 $0.0e+00;
	s9 =	simm.s32 $0x1900;
	s0 =	simm.s32 $0x1500;
	s7 =	smax.u32 s7, $0x1  }
.LBB2_5:
0x12: {  	[bflag:$0x0] =	sbarrier.arrive $0xFFFF  }
.LBB2_6:
0x13: {  	s26 =	sshll.u32 @!p2 s3, $0x6;
	[bflag:$0x0] =	sbarrier.arrive $0xFFFF;
	s7 =	sadd.s32 $0xFFFFFFFF, s7  }
0x14: {  	s28 =	sshrl.u32 @!p2 s2, $0x3;
	s26 =	sor.u32 @!p2 $0x1C02, s26;
	p3 =	sne.s32 s7, $0x0  }
0x15: {  	[hbm:s1], [sflag:s26] =	dma.local @!p2 [spmem:s28], $0x40  }
.Ltmp1:
0x16: {  	_ = 	snop;
	(pc) =	sbr.rel @!p3 .LBB2_7-.Ltmp1, $4  }
0x17: {  	s26 =	simm.s32 @!p2 $0x2  }
0x18: {  	_ =	swait.ge @!p2 [sflag:s26], $0x40  }
0x19: {  	[sflag:s26] =	ssyncset.done @!p2 $0x0  }
0x1a: {  	[sflag:s26] =	ssyncadd.s32 @!p2 $0xFFFFFFC0  }
.LBB2_1:
.Ltmp2:
0x1b: {  	(pc) =	sbr.rel @p1 .LBB2_5-.Ltmp2, $1  }
0x1c: {  	_ =	sdelay $0x3  }
0x1d: {  	[tilespmem:s4], [sflag:$0x2] =	stream.linear.gather [hbm4b:s5+s4], $0x1900, $0x38;
	[tilespmem:$0x3940] =	vst v63  }
0x1e: {  	_ =	swait.ge [sflag:s8], $0x1900  }
0x1f: {  	[sflag:s8] =	ssyncset.done $0x0  }
.Ltmp3:
0x20: {  	[sflag:s8] =	ssyncadd.s32 $0xFFFFE700;
	(pc) =	sbr.rel @p0 .LBB2_4-.Ltmp3, $4  }
0x21: {  	[tilespmem:s9], [sflag:$0x2] =	stream.linear.gather [hbm4b:s6+s4], $0x1900, $0x38;
	[tilespmem:$0x3940] =	vst v63  }
0x22: {  	_ =	swait.ge [sflag:s8], $0x1900  }
0x23: {  	[sflag:s8] =	ssyncset.done $0x0  }
0x24: {  	[sflag:s8] =	ssyncadd.s32 $0xFFFFE700  }
0x25: {  	[tilespmem:$0x3500] =	vst v0  }
0x26: {  	[tilespmem:$0x3510] =	vst v0  }
0x27: {  	[tilespmem:$0x3520] =	vst v0  }
0x28: {  	[tilespmem:$0x3530] =	vst v0  }
0x29: {  	[tilespmem:$0x3540] =	vst v0  }
0x2a: {  	[tilespmem:$0x3550] =	vst v0  }
0x2b: {  	[tilespmem:$0x3560] =	vst v0  }
0x2c: {  	[tilespmem:$0x3570] =	vst v0  }
0x2d: {  	[tilespmem:$0x3580] =	vst v0  }
0x2e: {  	[tilespmem:$0x3590] =	vst v0  }
0x2f: {  	[tilespmem:$0x35A0] =	vst v0  }
0x30: {  	[tilespmem:$0x35B0] =	vst v0  }
0x31: {  	[tilespmem:$0x35C0] =	vst v0  }
0x32: {  	[tilespmem:$0x35D0] =	vst v0  }
0x33: {  	[tilespmem:$0x35E0] =	vst v0  }
0x34: {  	[tilespmem:$0x35F0] =	vst v0  }
0x35: {  	[tilespmem:$0x3600] =	vst v0  }
0x36: {  	[tilespmem:$0x3610] =	vst v0  }
0x37: {  	[tilespmem:$0x3620] =	vst v0  }
0x38: {  	[tilespmem:$0x3630] =	vst v0  }
0x39: {  	[tilespmem:$0x3640] =	vst v0  }
0x3a: {  	[tilespmem:$0x3650] =	vst v0  }
0x3b: {  	[tilespmem:$0x3660] =	vst v0  }
0x3c: {  	[tilespmem:$0x3670] =	vst v0  }
0x3d: {  	[tilespmem:$0x3680] =	vst v0  }
0x3e: {  	[tilespmem:$0x3690] =	vst v0  }
0x3f: {  	[tilespmem:$0x36A0] =	vst v0  }
0x40: {  	[tilespmem:$0x36B0] =	vst v0  }
0x41: {  	[tilespmem:$0x36C0] =	vst v0  }
0x42: {  	[tilespmem:$0x36D0] =	vst v0  }
0x43: {  	[tilespmem:$0x36E0] =	vst v0  }
0x44: {  	[tilespmem:$0x36F0] =	vst v0  }
0x45: {  	[tilespmem:$0x3700] =	vst v0  }
0x46: {  	[tilespmem:$0x3710] =	vst v0  }
0x47: {  	[tilespmem:$0x3720] =	vst v0  }
0x48: {  	[tilespmem:$0x3730] =	vst v0  }
0x49: {  	[tilespmem:$0x3740] =	vst v0  }
0x4a: {  	[tilespmem:$0x3750] =	vst v0  }
0x4b: {  	[tilespmem:$0x3760] =	vst v0  }
0x4c: {  	[tilespmem:$0x3770] =	vst v0  }
0x4d: {  	[tilespmem:$0x3780] =	vst v0  }
0x4e: {  	[tilespmem:$0x3790] =	vst v0  }
0x4f: {  	[tilespmem:$0x37A0] =	vst v0  }
0x50: {  	[tilespmem:$0x37B0] =	vst v0  }
0x51: {  	[tilespmem:$0x37C0] =	vst v0  }
0x52: {  	[tilespmem:$0x37D0] =	vst v0  }
0x53: {  	[tilespmem:$0x37E0] =	vst v0  }
0x54: {  	[tilespmem:$0x37F0] =	vst v0  }
0x55: {  	[tilespmem:$0x3800] =	vst v0  }
0x56: {  	[tilespmem:$0x3810] =	vst v0  }
0x57: {  	[tilespmem:$0x3820] =	vst v0  }
0x58: {  	[tilespmem:$0x3830] =	vst v0  }
0x59: {  	[tilespmem:$0x3840] =	vst v0  }
0x5a: {  	[tilespmem:$0x3850] =	vst v0  }
0x5b: {  	[tilespmem:$0x3860] =	vst v0  }
0x5c: {  	[tilespmem:$0x3870] =	vst v0  }
0x5d: {  	[tilespmem:$0x3880] =	vst v0  }
0x5e: {  	[tilespmem:$0x3890] =	vst v0  }
0x5f: {  	[tilespmem:$0x38A0] =	vst v0  }
0x60: {  	[tilespmem:$0x38B0] =	vst v0  }
0x61: {  	[tilespmem:$0x38C0] =	vst v0  }
0x62: {  	[tilespmem:$0x38D0] =	vst v0  }
0x63: {  	[tilespmem:$0x38E0] =	vst v0  }
0x64: {  	[tilespmem:$0x38F0] =	vst v0;
	s26 =	simm.s32 $0x3500  }
0x65: {  	[spmem:s2] =	stream.linear.scatter [tilespmem:s26], [sflag:$0x2], $0x400, $0x38;
	[tilespmem:$0x3940] =	vst v63  }
0x66: {  	_ =	swait.ge [sflag:s8], $0x400  }
0x67: {  	[sflag:s8] =	ssyncset.done $0x0  }
0x68: {  	[sflag:s8] =	ssyncadd.s32 $0xFFFFFC00  }
.LBB2_4:
0x69: {  	[bflag:$0x0] =	sbarrier.arrive $0xFFFF  }
0x6a: {  	[spmem:s2] =	stream.indirect.scatter.add.f32 [tilespmem:s4], [sflag:$0x1], $0x1, s9, s11, $0xb8;
	[tilespmem:$0x3940] =	vst v63  }
0x6b: {  	s26 =	simm.s32 $0x1980  }
0x6c: {  	[spmem:s2] =	stream.indirect.scatter.add.f32 [tilespmem:s11], [sflag:$0x1], $0x1, s26, s11, $0xb8;
	[tilespmem:$0x3940] =	vst v63  }
0x6d: {  	s28 =	simm.s32 $0x100;
	s26 =	simm.s32 $0x1A00  }
0x6e: {  	[spmem:s2] =	stream.indirect.scatter.add.f32 [tilespmem:s28], [sflag:$0x1], $0x1, s26, s11, $0xb8;
	[tilespmem:$0x3940] =	vst v63  }
0x6f: {  	s26 =	simm.s32 $0x1A80;
	s28 =	simm.s32 $0x180  }
0x70: {  	[spmem:s2] =	stream.indirect.scatter.add.f32 [tilespmem:s28], [sflag:$0x1], $0x1, s26, s11, $0xb8;
	[tilespmem:$0x3940] =	vst v63  }
0x71: {  	s26 =	simm.s32 $0x1B00;
	s28 =	simm.s32 $0x200  }
0x72: {  	[spmem:s2] =	stream.indirect.scatter.add.f32 [tilespmem:s28], [sflag:$0x1], $0x1, s26, s11, $0xb8;
	[tilespmem:$0x3940] =	vst v63  }
0x73: {  	s26 =	simm.s32 $0x1B80;
	s28 =	simm.s32 $0x280  }
0x74: {  	[spmem:s2] =	stream.indirect.scatter.add.f32 [tilespmem:s28], [sflag:$0x1], $0x1, s26, s11, $0xb8;
	[tilespmem:$0x3940] =	vst v63  }
0x75: {  	s26 =	simm.s32 $0x1C00;
	s28 =	simm.s32 $0x300  }
0x76: {  	[spmem:s2] =	stream.indirect.scatter.add.f32 [tilespmem:s28], [sflag:$0x1], $0x1, s26, s11, $0xb8;
	[tilespmem:$0x3940] =	vst v63  }
0x77: {  	s26 =	simm.s32 $0x1C80;
	s28 =	simm.s32 $0x380  }
0x78: {  	[spmem:s2] =	stream.indirect.scatter.add.f32 [tilespmem:s28], [sflag:$0x1], $0x1, s26, s11, $0xb8;
	[tilespmem:$0x3940] =	vst v63  }
0x79: {  	s26 =	simm.s32 $0x1D00;
	s28 =	simm.s32 $0x400  }
0x7a: {  	[spmem:s2] =	stream.indirect.scatter.add.f32 [tilespmem:s28], [sflag:$0x1], $0x1, s26, s11, $0xb8;
	[tilespmem:$0x3940] =	vst v63  }
0x7b: {  	s26 =	simm.s32 $0x1D80;
	s28 =	simm.s32 $0x480  }
0x7c: {  	[spmem:s2] =	stream.indirect.scatter.add.f32 [tilespmem:s28], [sflag:$0x1], $0x1, s26, s11, $0xb8;
	[tilespmem:$0x3940] =	vst v63  }
0x7d: {  	s26 =	simm.s32 $0x1E00;
	s28 =	simm.s32 $0x500  }
0x7e: {  	[spmem:s2] =	stream.indirect.scatter.add.f32 [tilespmem:s28], [sflag:$0x1], $0x1, s26, s11, $0xb8;
	[tilespmem:$0x3940] =	vst v63  }
0x7f: {  	s26 =	simm.s32 $0x1E80;
	s28 =	simm.s32 $0x580  }
0x80: {  	[spmem:s2] =	stream.indirect.scatter.add.f32 [tilespmem:s28], [sflag:$0x1], $0x1, s26, s11, $0xb8;
	[tilespmem:$0x3940] =	vst v63  }
0x81: {  	s26 =	simm.s32 $0x1F00;
	s28 =	simm.s32 $0x600  }
0x82: {  	[spmem:s2] =	stream.indirect.scatter.add.f32 [tilespmem:s28], [sflag:$0x1], $0x1, s26, s11, $0xb8;
	[tilespmem:$0x3940] =	vst v63  }
0x83: {  	s26 =	simm.s32 $0x1F80;
	s28 =	simm.s32 $0x680  }
0x84: {  	[spmem:s2] =	stream.indirect.scatter.add.f32 [tilespmem:s28], [sflag:$0x1], $0x1, s26, s11, $0xb8;
	[tilespmem:$0x3940] =	vst v63  }
0x85: {  	s26 =	simm.s32 $0x2000;
	s28 =	simm.s32 $0x700  }
0x86: {  	[spmem:s2] =	stream.indirect.scatter.add.f32 [tilespmem:s28], [sflag:$0x1], $0x1, s26, s11, $0xb8;
	[tilespmem:$0x3940] =	vst v63  }
0x87: {  	s26 =	simm.s32 $0x2080;
	s28 =	simm.s32 $0x780  }
0x88: {  	[spmem:s2] =	stream.indirect.scatter.add.f32 [tilespmem:s28], [sflag:$0x1], $0x1, s26, s11, $0xb8;
	[tilespmem:$0x3940] =	vst v63  }
0x89: {  	s26 =	simm.s32 $0x2100;
	s28 =	simm.s32 $0x800  }
0x8a: {  	[spmem:s2] =	stream.indirect.scatter.add.f32 [tilespmem:s28], [sflag:$0x1], $0x1, s26, s11, $0xb8;
	[tilespmem:$0x3940] =	vst v63  }
0x8b: {  	s26 =	simm.s32 $0x2180;
	s28 =	simm.s32 $0x880  }
0x8c: {  	[spmem:s2] =	stream.indirect.scatter.add.f32 [tilespmem:s28], [sflag:$0x1], $0x1, s26, s11, $0xb8;
	[tilespmem:$0x3940] =	vst v63  }
0x8d: {  	s26 =	simm.s32 $0x2200;
	s28 =	simm.s32 $0x900  }
0x8e: {  	[spmem:s2] =	stream.indirect.scatter.add.f32 [tilespmem:s28], [sflag:$0x1], $0x1, s26, s11, $0xb8;
	[tilespmem:$0x3940] =	vst v63  }
0x8f: {  	s26 =	simm.s32 $0x2280;
	s28 =	simm.s32 $0x980  }
0x90: {  	[spmem:s2] =	stream.indirect.scatter.add.f32 [tilespmem:s28], [sflag:$0x1], $0x1, s26, s11, $0xb8;
	[tilespmem:$0x3940] =	vst v63  }
0x91: {  	s26 =	simm.s32 $0x2300;
	s28 =	simm.s32 $0xA00  }
0x92: {  	[spmem:s2] =	stream.indirect.scatter.add.f32 [tilespmem:s28], [sflag:$0x1], $0x1, s26, s11, $0xb8;
	[tilespmem:$0x3940] =	vst v63  }
0x93: {  	s26 =	simm.s32 $0x2380;
	s28 =	simm.s32 $0xA80  }
0x94: {  	[spmem:s2] =	stream.indirect.scatter.add.f32 [tilespmem:s28], [sflag:$0x1], $0x1, s26, s11, $0xb8;
	[tilespmem:$0x3940] =	vst v63  }
0x95: {  	s26 =	simm.s32 $0x2400;
	s28 =	simm.s32 $0xB00  }
0x96: {  	[spmem:s2] =	stream.indirect.scatter.add.f32 [tilespmem:s28], [sflag:$0x1], $0x1, s26, s11, $0xb8;
	[tilespmem:$0x3940] =	vst v63  }
0x97: {  	s26 =	simm.s32 $0x2480;
	s28 =	simm.s32 $0xB80  }
0x98: {  	[spmem:s2] =	stream.indirect.scatter.add.f32 [tilespmem:s28], [sflag:$0x1], $0x1, s26, s11, $0xb8;
	[tilespmem:$0x3940] =	vst v63  }
0x99: {  	s26 =	simm.s32 $0x2500;
	s28 =	simm.s32 $0xC00  }
0x9a: {  	[spmem:s2] =	stream.indirect.scatter.add.f32 [tilespmem:s28], [sflag:$0x1], $0x1, s26, s11, $0xb8;
	[tilespmem:$0x3940] =	vst v63  }
0x9b: {  	s26 =	simm.s32 $0x2580;
	s28 =	simm.s32 $0xC80  }
0x9c: {  	[spmem:s2] =	stream.indirect.scatter.add.f32 [tilespmem:s28], [sflag:$0x1], $0x1, s26, s11, $0xb8;
	[tilespmem:$0x3940] =	vst v63  }
0x9d: {  	s26 =	simm.s32 $0x2600;
	s28 =	simm.s32 $0xD00  }
0x9e: {  	[spmem:s2] =	stream.indirect.scatter.add.f32 [tilespmem:s28], [sflag:$0x1], $0x1, s26, s11, $0xb8;
	[tilespmem:$0x3940] =	vst v63  }
0x9f: {  	s26 =	simm.s32 $0x2680;
	s28 =	simm.s32 $0xD80  }
0xa0: {  	[spmem:s2] =	stream.indirect.scatter.add.f32 [tilespmem:s28], [sflag:$0x1], $0x1, s26, s11, $0xb8;
	[tilespmem:$0x3940] =	vst v63  }
0xa1: {  	s26 =	simm.s32 $0x2700;
	s28 =	simm.s32 $0xE00  }
0xa2: {  	[spmem:s2] =	stream.indirect.scatter.add.f32 [tilespmem:s28], [sflag:$0x1], $0x1, s26, s11, $0xb8;
	[tilespmem:$0x3940] =	vst v63  }
0xa3: {  	s26 =	simm.s32 $0x2780;
	s28 =	simm.s32 $0xE80  }
0xa4: {  	[spmem:s2] =	stream.indirect.scatter.add.f32 [tilespmem:s28], [sflag:$0x1], $0x1, s26, s11, $0xb8;
	[tilespmem:$0x3940] =	vst v63  }
0xa5: {  	s26 =	simm.s32 $0x2800;
	s28 =	simm.s32 $0xF00  }
0xa6: {  	[spmem:s2] =	stream.indirect.scatter.add.f32 [tilespmem:s28], [sflag:$0x1], $0x1, s26, s11, $0xb8;
	[tilespmem:$0x3940] =	vst v63  }
0xa7: {  	s26 =	simm.s32 $0x2880;
	s28 =	simm.s32 $0xF80  }
0xa8: {  	[spmem:s2] =	stream.indirect.scatter.add.f32 [tilespmem:s28], [sflag:$0x1], $0x1, s26, s11, $0xb8;
	[tilespmem:$0x3940] =	vst v63  }
0xa9: {  	s26 =	simm.s32 $0x2900;
	s28 =	simm.s32 $0x1000  }
0xaa: {  	[spmem:s2] =	stream.indirect.scatter.add.f32 [tilespmem:s28], [sflag:$0x1], $0x1, s26, s11, $0xb8;
	[tilespmem:$0x3940] =	vst v63  }
0xab: {  	s26 =	simm.s32 $0x2980;
	s28 =	simm.s32 $0x1080  }
0xac: {  	[spmem:s2] =	stream.indirect.scatter.add.f32 [tilespmem:s28], [sflag:$0x1], $0x1, s26, s11, $0xb8;
	[tilespmem:$0x3940] =	vst v63  }
0xad: {  	s26 =	simm.s32 $0x2A00;
	s28 =	simm.s32 $0x1100  }
0xae: {  	[spmem:s2] =	stream.indirect.scatter.add.f32 [tilespmem:s28], [sflag:$0x1], $0x1, s26, s11, $0xb8;
	[tilespmem:$0x3940] =	vst v63  }
0xaf: {  	s26 =	simm.s32 $0x2A80;
	s28 =	simm.s32 $0x1180  }
0xb0: {  	[spmem:s2] =	stream.indirect.scatter.add.f32 [tilespmem:s28], [sflag:$0x1], $0x1, s26, s11, $0xb8;
	[tilespmem:$0x3940] =	vst v63  }
0xb1: {  	s26 =	simm.s32 $0x2B00;
	s28 =	simm.s32 $0x1200  }
0xb2: {  	[spmem:s2] =	stream.indirect.scatter.add.f32 [tilespmem:s28], [sflag:$0x1], $0x1, s26, s11, $0xb8;
	[tilespmem:$0x3940] =	vst v63  }
0xb3: {  	s26 =	simm.s32 $0x2B80;
	s28 =	simm.s32 $0x1280  }
0xb4: {  	[spmem:s2] =	stream.indirect.scatter.add.f32 [tilespmem:s28], [sflag:$0x1], $0x1, s26, s11, $0xb8;
	[tilespmem:$0x3940] =	vst v63  }
0xb5: {  	s26 =	simm.s32 $0x2C00;
	s28 =	simm.s32 $0x1300  }
0xb6: {  	[spmem:s2] =	stream.indirect.scatter.add.f32 [tilespmem:s28], [sflag:$0x1], $0x1, s26, s11, $0xb8;
	[tilespmem:$0x3940] =	vst v63  }
0xb7: {  	s26 =	simm.s32 $0x2C80;
	s28 =	simm.s32 $0x1380  }
0xb8: {  	[spmem:s2] =	stream.indirect.scatter.add.f32 [tilespmem:s28], [sflag:$0x1], $0x1, s26, s11, $0xb8;
	[tilespmem:$0x3940] =	vst v63  }
0xb9: {  	s26 =	simm.s32 $0x2D00;
	s28 =	simm.s32 $0x1400  }
0xba: {  	[spmem:s2] =	stream.indirect.scatter.add.f32 [tilespmem:s28], [sflag:$0x1], $0x1, s26, s11, $0xb8;
	[tilespmem:$0x3940] =	vst v63  }
0xbb: {  	_ = 	snop  }
0xbc: {  	[spmem:s2] =	stream.indirect.scatter.add.f32 [tilespmem:s30], [sflag:$0x1], $0x1, s29, s11, $0xb8;
	[tilespmem:$0x3940] =	vst v63  }
0xbd: {  	_ = 	snop  }
0xbe: {  	[spmem:s2] =	stream.indirect.scatter.add.f32 [tilespmem:s0], [sflag:$0x1], $0x1, s31, s11, $0xb8;
	[tilespmem:$0x3940] =	vst v63  }
0xbf: {  	_ = 	snop  }
0xc0: {  	[spmem:s2] =	stream.indirect.scatter.add.f32 [tilespmem:s12], [sflag:$0x1], $0x1, s10, s11, $0xb8;
	[tilespmem:$0x3940] =	vst v63  }
0xc1: {  	_ = 	snop  }
0xc2: {  	[spmem:s2] =	stream.indirect.scatter.add.f32 [tilespmem:s14], [sflag:$0x1], $0x1, s13, s11, $0xb8;
	[tilespmem:$0x3940] =	vst v63  }
0xc3: {  	_ = 	snop  }
0xc4: {  	[spmem:s2] =	stream.indirect.scatter.add.f32 [tilespmem:s16], [sflag:$0x1], $0x1, s15, s11, $0xb8;
	[tilespmem:$0x3940] =	vst v63  }
0xc5: {  	_ = 	snop  }
0xc6: {  	[spmem:s2] =	stream.indirect.scatter.add.f32 [tilespmem:s18], [sflag:$0x1], $0x1, s17, s11, $0xb8;
	[tilespmem:$0x3940] =	vst v63  }
0xc7: {  	_ = 	snop  }
0xc8: {  	[spmem:s2] =	stream.indirect.scatter.add.f32 [tilespmem:s20], [sflag:$0x1], $0x1, s19, s11, $0xb8;
	[tilespmem:$0x3940] =	vst v63  }
0xc9: {  	_ = 	snop  }
0xca: {  	[spmem:s2] =	stream.indirect.scatter.add.f32 [tilespmem:s22], [sflag:$0x1], $0x1, s21, s11, $0xb8;
	[tilespmem:$0x3940] =	vst v63  }
0xcb: {  	_ = 	snop  }
0xcc: {  	[spmem:s2] =	stream.indirect.scatter.add.f32 [tilespmem:s24], [sflag:$0x1], $0x1, s23, s11, $0xb8;
	[tilespmem:$0x3940] =	vst v63  }
0xcd: {  	_ =	swait.ge [sflag:s25], $0x80  }
0xce: {  	[sflag:s25] =	ssyncset.done $0x0  }
0xcf: {  	[sflag:s25] =	ssyncadd.s32 $0xFFFFFF80  }
0xd0: {  	_ =	swait.ge [sflag:s25], $0x80  }
0xd1: {  	[sflag:s25] =	ssyncset.done $0x0  }
0xd2: {  	[sflag:s25] =	ssyncadd.s32 $0xFFFFFF80  }
0xd3: {  	_ =	swait.ge [sflag:s25], $0x80  }
0xd4: {  	[sflag:s25] =	ssyncset.done $0x0  }
0xd5: {  	[sflag:s25] =	ssyncadd.s32 $0xFFFFFF80  }
0xd6: {  	_ =	swait.ge [sflag:s25], $0x80  }
0xd7: {  	[sflag:s25] =	ssyncset.done $0x0  }
0xd8: {  	[sflag:s25] =	ssyncadd.s32 $0xFFFFFF80  }
0xd9: {  	_ =	swait.ge [sflag:s25], $0x80  }
0xda: {  	[sflag:s25] =	ssyncset.done $0x0  }
0xdb: {  	[sflag:s25] =	ssyncadd.s32 $0xFFFFFF80  }
0xdc: {  	_ =	swait.ge [sflag:s25], $0x80  }
0xdd: {  	[sflag:s25] =	ssyncset.done $0x0  }
0xde: {  	[sflag:s25] =	ssyncadd.s32 $0xFFFFFF80  }
0xdf: {  	_ =	swait.ge [sflag:s25], $0x80  }
0xe0: {  	[sflag:s25] =	ssyncset.done $0x0  }
0xe1: {  	[sflag:s25] =	ssyncadd.s32 $0xFFFFFF80  }
0xe2: {  	_ =	swait.ge [sflag:s25], $0x80  }
0xe3: {  	[sflag:s25] =	ssyncset.done $0x0  }
0xe4: {  	[sflag:s25] =	ssyncadd.s32 $0xFFFFFF80  }
0xe5: {  	_ =	swait.ge [sflag:s25], $0x80  }
0xe6: {  	[sflag:s25] =	ssyncset.done $0x0  }
0xe7: {  	[sflag:s25] =	ssyncadd.s32 $0xFFFFFF80  }
0xe8: {  	_ =	swait.ge [sflag:s25], $0x80  }
0xe9: {  	[sflag:s25] =	ssyncset.done $0x0  }
0xea: {  	[sflag:s25] =	ssyncadd.s32 $0xFFFFFF80  }
0xeb: {  	_ =	swait.ge [sflag:s25], $0x80  }
0xec: {  	[sflag:s25] =	ssyncset.done $0x0  }
0xed: {  	[sflag:s25] =	ssyncadd.s32 $0xFFFFFF80  }
0xee: {  	_ =	swait.ge [sflag:s25], $0x80  }
0xef: {  	[sflag:s25] =	ssyncset.done $0x0  }
0xf0: {  	[sflag:s25] =	ssyncadd.s32 $0xFFFFFF80  }
0xf1: {  	_ =	swait.ge [sflag:s25], $0x80  }
0xf2: {  	[sflag:s25] =	ssyncset.done $0x0  }
0xf3: {  	[sflag:s25] =	ssyncadd.s32 $0xFFFFFF80  }
0xf4: {  	_ =	swait.ge [sflag:s25], $0x80  }
0xf5: {  	[sflag:s25] =	ssyncset.done $0x0  }
0xf6: {  	[sflag:s25] =	ssyncadd.s32 $0xFFFFFF80  }
0xf7: {  	_ =	swait.ge [sflag:s25], $0x80  }
0xf8: {  	[sflag:s25] =	ssyncset.done $0x0  }
0xf9: {  	[sflag:s25] =	ssyncadd.s32 $0xFFFFFF80  }
0xfa: {  	_ =	swait.ge [sflag:s25], $0x80  }
0xfb: {  	[sflag:s25] =	ssyncset.done $0x0  }
0xfc: {  	[sflag:s25] =	ssyncadd.s32 $0xFFFFFF80  }
0xfd: {  	_ =	swait.ge [sflag:s25], $0x80  }
0xfe: {  	[sflag:s25] =	ssyncset.done $0x0  }
0xff: {  	[sflag:s25] =	ssyncadd.s32 $0xFFFFFF80  }
0x100: {  	_ =	swait.ge [sflag:s25], $0x80  }
0x101: {  	[sflag:s25] =	ssyncset.done $0x0  }
0x102: {  	[sflag:s25] =	ssyncadd.s32 $0xFFFFFF80  }
0x103: {  	_ =	swait.ge [sflag:s25], $0x80  }
0x104: {  	[sflag:s25] =	ssyncset.done $0x0  }
0x105: {  	[sflag:s25] =	ssyncadd.s32 $0xFFFFFF80  }
0x106: {  	_ =	swait.ge [sflag:s25], $0x80  }
0x107: {  	[sflag:s25] =	ssyncset.done $0x0  }
0x108: {  	[sflag:s25] =	ssyncadd.s32 $0xFFFFFF80  }
0x109: {  	_ =	swait.ge [sflag:s25], $0x80  }
0x10a: {  	[sflag:s25] =	ssyncset.done $0x0  }
0x10b: {  	[sflag:s25] =	ssyncadd.s32 $0xFFFFFF80  }
0x10c: {  	_ =	swait.ge [sflag:s25], $0x80  }
0x10d: {  	[sflag:s25] =	ssyncset.done $0x0  }
0x10e: {  	[sflag:s25] =	ssyncadd.s32 $0xFFFFFF80  }
0x10f: {  	_ =	swait.ge [sflag:s25], $0x80  }
0x110: {  	[sflag:s25] =	ssyncset.done $0x0  }
0x111: {  	[sflag:s25] =	ssyncadd.s32 $0xFFFFFF80  }
0x112: {  	_ =	swait.ge [sflag:s25], $0x80  }
0x113: {  	[sflag:s25] =	ssyncset.done $0x0  }
0x114: {  	[sflag:s25] =	ssyncadd.s32 $0xFFFFFF80  }
0x115: {  	_ =	swait.ge [sflag:s25], $0x80  }
0x116: {  	[sflag:s25] =	ssyncset.done $0x0  }
0x117: {  	[sflag:s25] =	ssyncadd.s32 $0xFFFFFF80  }
0x118: {  	_ =	swait.ge [sflag:s25], $0x80  }
0x119: {  	[sflag:s25] =	ssyncset.done $0x0  }
0x11a: {  	[sflag:s25] =	ssyncadd.s32 $0xFFFFFF80  }
0x11b: {  	_ =	swait.ge [sflag:s25], $0x80  }
0x11c: {  	[sflag:s25] =	ssyncset.done $0x0  }
0x11d: {  	[sflag:s25] =	ssyncadd.s32 $0xFFFFFF80  }
0x11e: {  	_ =	swait.ge [sflag:s25], $0x80  }
0x11f: {  	[sflag:s25] =	ssyncset.done $0x0  }
0x120: {  	[sflag:s25] =	ssyncadd.s32 $0xFFFFFF80  }
0x121: {  	_ =	swait.ge [sflag:s25], $0x80  }
0x122: {  	[sflag:s25] =	ssyncset.done $0x0  }
0x123: {  	[sflag:s25] =	ssyncadd.s32 $0xFFFFFF80  }
0x124: {  	_ =	swait.ge [sflag:s25], $0x80  }
0x125: {  	[sflag:s25] =	ssyncset.done $0x0  }
0x126: {  	[sflag:s25] =	ssyncadd.s32 $0xFFFFFF80  }
0x127: {  	_ =	swait.ge [sflag:s25], $0x80  }
0x128: {  	[sflag:s25] =	ssyncset.done $0x0  }
0x129: {  	[sflag:s25] =	ssyncadd.s32 $0xFFFFFF80  }
0x12a: {  	_ =	swait.ge [sflag:s25], $0x80  }
0x12b: {  	[sflag:s25] =	ssyncset.done $0x0  }
0x12c: {  	[sflag:s25] =	ssyncadd.s32 $0xFFFFFF80  }
0x12d: {  	_ =	swait.ge [sflag:s25], $0x80  }
0x12e: {  	[sflag:s25] =	ssyncset.done $0x0  }
0x12f: {  	[sflag:s25] =	ssyncadd.s32 $0xFFFFFF80  }
0x130: {  	_ =	swait.ge [sflag:s25], $0x80  }
0x131: {  	[sflag:s25] =	ssyncset.done $0x0  }
0x132: {  	[sflag:s25] =	ssyncadd.s32 $0xFFFFFF80  }
0x133: {  	_ =	swait.ge [sflag:s25], $0x80  }
0x134: {  	[sflag:s25] =	ssyncset.done $0x0  }
0x135: {  	[sflag:s25] =	ssyncadd.s32 $0xFFFFFF80  }
0x136: {  	_ =	swait.ge [sflag:s25], $0x80  }
0x137: {  	[sflag:s25] =	ssyncset.done $0x0  }
0x138: {  	[sflag:s25] =	ssyncadd.s32 $0xFFFFFF80  }
0x139: {  	_ =	swait.ge [sflag:s25], $0x80  }
0x13a: {  	[sflag:s25] =	ssyncset.done $0x0  }
0x13b: {  	[sflag:s25] =	ssyncadd.s32 $0xFFFFFF80  }
0x13c: {  	_ =	swait.ge [sflag:s25], $0x80  }
0x13d: {  	[sflag:s25] =	ssyncset.done $0x0  }
0x13e: {  	[sflag:s25] =	ssyncadd.s32 $0xFFFFFF80  }
0x13f: {  	_ =	swait.ge [sflag:s25], $0x80  }
0x140: {  	[sflag:s25] =	ssyncset.done $0x0  }
0x141: {  	[sflag:s25] =	ssyncadd.s32 $0xFFFFFF80  }
0x142: {  	_ =	swait.ge [sflag:s25], $0x80  }
0x143: {  	[sflag:s25] =	ssyncset.done $0x0  }
0x144: {  	[sflag:s25] =	ssyncadd.s32 $0xFFFFFF80  }
0x145: {  	_ =	swait.ge [sflag:s25], $0x80  }
0x146: {  	[sflag:s25] =	ssyncset.done $0x0  }
0x147: {  	[sflag:s25] =	ssyncadd.s32 $0xFFFFFF80  }
0x148: {  	_ =	swait.ge [sflag:s25], $0x80  }
0x149: {  	[sflag:s25] =	ssyncset.done $0x0  }
0x14a: {  	[sflag:s25] =	ssyncadd.s32 $0xFFFFFF80  }
0x14b: {  	_ =	swait.ge [sflag:s25], $0x80  }
0x14c: {  	[sflag:s25] =	ssyncset.done $0x0  }
0x14d: {  	[sflag:s25] =	ssyncadd.s32 $0xFFFFFF80  }
0x14e: {  	_ =	swait.ge [sflag:s25], $0x80  }
0x14f: {  	[sflag:s25] =	ssyncset.done $0x0  }
0x150: {  	[sflag:s25] =	ssyncadd.s32 $0xFFFFFF80  }
0x151: {  	_ =	swait.ge [sflag:s25], $0x80  }
0x152: {  	[sflag:s25] =	ssyncset.done $0x0  }
0x153: {  	[sflag:s25] =	ssyncadd.s32 $0xFFFFFF80  }
0x154: {  	_ =	swait.ge [sflag:s25], $0x80  }
0x155: {  	[sflag:s25] =	ssyncset.done $0x0  }
0x156: {  	[sflag:s25] =	ssyncadd.s32 $0xFFFFFF80  }
0x157: {  	_ =	swait.ge [sflag:s25], $0x80  }
0x158: {  	[sflag:s25] =	ssyncset.done $0x0  }
0x159: {  	[sflag:s25] =	ssyncadd.s32 $0xFFFFFF80  }
0x15a: {  	_ =	swait.ge [sflag:s25], $0x80  }
0x15b: {  	[sflag:s25] =	ssyncset.done $0x0  }
0x15c: {  	[sflag:s25] =	ssyncadd.s32 $0xFFFFFF80  }
0x15d: {  	_ =	swait.ge [sflag:s25], $0x80  }
.Ltmp4:
0x15e: {  	[sflag:s25] =	ssyncset.done $0x0;
	(pc) =	sbr.rel .LBB2_6-.Ltmp4, $4  }
0x15f: {  	[sflag:s25] =	ssyncadd.s32 $0xFFFFFF80  }
0x160: {  	_ =	swait.ge [sflag:s25], $0x80  }
0x161: {  	[sflag:s25] =	ssyncset.done $0x0  }
0x162: {  	[sflag:s25] =	ssyncadd.s32 $0xFFFFFF80  }
.LBB2_7:
0x163: {  	_ =	sfence.sel $0x180000  }
0x164: {  	[bflag:$0x0] =	sbarrier.arrive $0xFFFF  }
0x165: {  	_ =	strace $0x90000047  }
0x166: {  	[bflag:$0x2] =	sbarrier.arrive $0xFFFF  }
0x167: {  	s0 =	rddreg [dreg:$0x3]  }
0x168: {  	s0 =	sadd.s32 @!p0 $0x100000, s0  }
0x169: {  	[sflag:s0] =	ssyncadd.tile.s32 @!p0 $0x1;
	_ =	shalt  }
.Lfunc_end2:
_tile_overlayer_lowered:
.L_overlay_start_2:
0x16a: {  	(tag) =	ssettag $0x2  }
0x16b: {  	s0 =	rddreg [dreg:$0x0];
	s2 =	stileid.u32  }
0x16c: {  	s1 =	rddreg [dreg:$0x1];
	p0 =	sne.s32 s2, $0x0  }
0x16d: {  	s3 =	rddreg [dreg:$0x2];
	[bflag:$0x3] =	sbarrier.arrive $0xFFFF;
	s2 =	simm.s32 @!p0 $0x1C02  }
0x16e: {  	[timem:s3], [sflag:s2] =	dma.local @!p0 [hbm:s0], s1  }
0x16f: {  	s0 =	simm.s32 @!p0 $0x2  }
0x170: {  	_ =	swait.ge @!p0 [sflag:s0], s1  }
0x171: {  	s1 =	ssub.s32 @!p0 $0x0, s1;
	[sflag:s0] =	ssyncset.done @!p0 $0x0  }
0x172: {  	[sflag:s0] =	ssyncadd.s32 @!p0 s1  }
0x173: {  	[bflag:$0x3] =	sbarrier.arrive $0xFFFF  }
0x174: {  	_ =	shalt  }

</sc_bundles>
